<compile_context>
chip_gen: v7x
topology: tpu7x:2x2x1
jax: 0.10.2.dev20260603
libtpu: 0.0.44.dev20260713+nightly
codegen_flags: <defaults>
</compile_context>

<pallas_src>
import functools

import jax
import jax.numpy as jnp
from jax import lax
from jax.experimental import pallas as pl
from jax.experimental.pallas import tpu as pltpu
from jax.experimental.pallas import tpu_sc as plsc

NC = 2
NS = 16
NW = NC * NS
CH = 128
CR = 1
CB = CR * CH
NSLOT = 8


def _matmul_body(f_ref, w_ref, o_ref, *, deg_col):
    q = jnp.dot(f_ref[...], w_ref[...], preferred_element_type=jnp.float32)
    col = lax.broadcasted_iota(jnp.int32, q.shape, 1)
    o_ref[...] = q + (col == deg_col).astype(jnp.float32)


def _combine_body(p0_ref, p1_ref, q_ref, b_ref, o_ref, *, n_cls):
    pp = p0_ref[:, :n_cls + 1] + p1_ref[:, :n_cls + 1]
    deg = jnp.maximum(pp[:, n_cls:n_cls + 1], 1.0)
    res = pp[:, :n_cls] / deg + q_ref[:, :n_cls] + b_ref[...]
    o_ref[...] = res.T


def _last_for_slot(nk, s):
    return ((nk - 1 - s) // NSLOT) * NSLOT + s


def _make_sc_segsum(n, cpad, e):
    total_blocks = e // CB
    stage = -(-total_blocks // NW)
    rpt = n // NS
    mesh = plsc.VectorSubcoreMesh(core_axis_name="c", subcore_axis_name="s")

    @functools.partial(
        pl.kernel,
        mesh=mesh,
        compiler_params=pltpu.CompilerParams(use_tc_tiling_on_sc=False),
        out_type=jax.ShapeDtypeStruct((NC * n, 128), jnp.float32),
        scratch_types=(
            [pltpu.VMEM((stage, CB), jnp.int32)] * 2
            + [pltpu.VMEM((CB, cpad), jnp.float32) for _ in range(NSLOT)]
            + [pltpu.VMEM_SHARED((n, cpad), jnp.float32)]
            + [pltpu.SemaphoreType.DMA for _ in range(2 * NSLOT)]
        ),
    )
    def segsum(q_hbm, g_hbm, out_hbm, src_v, dst_v, *rest):
        cid = lax.axis_index("c")
        sid = lax.axis_index("s")
        wid = cid * NS + sid
        rows_r = rest[0:NSLOT]
        acc = rest[NSLOT]
        sems = rest[NSLOT + 1:]
        gsem = sems[0:NSLOT]
        ssem = sems[NSLOT:2 * NSLOT]

        b0 = wid * total_blocks // NW
        nk = (wid + 1) * total_blocks // NW - b0

        zrow = jnp.zeros((16,), jnp.float32)

        def zloop(i, carry):
            for c in range(cpad // 16):
                rows_r[0][i, pl.ds(16 * c, 16)] = zrow
            return carry

        lax.fori_loop(0, CB, zloop, 0)
        nfull, tailr = rpt // CB, rpt % CB
        for z in range(nfull):
            pltpu.sync_copy(rows_r[0],
                            acc.at[pl.ds(sid * rpt + z * CB, CB)])
        if tailr:
            pltpu.sync_copy(rows_r[0].at[pl.ds(0, tailr)],
                            acc.at[pl.ds(sid * rpt + nfull * CB, tailr)])

        pltpu.sync_copy(g_hbm.at[0, pl.ds(b0, stage)], src_v)
        pltpu.sync_copy(g_hbm.at[1, pl.ds(b0, stage)], dst_v)

        def issue_gather(k, s):
            pltpu.async_copy(q_hbm.at[src_v.at[k]], rows_r[s], gsem[s])

        def wait_gather(k, s):
            pltpu.make_async_copy(q_hbm.at[src_v.at[k]], rows_r[s],
                                  gsem[s]).wait()

        def issue_scatter(k, s):
            pltpu.async_copy(rows_r[s], acc.at[dst_v.at[k]], ssem[s],
                             add=True)

        def wait_scatter(k, s):
            pltpu.make_async_copy(rows_r[s], acc.at[dst_v.at[k]],
                                  ssem[s]).wait()

        for s in range(NSLOT):
            @pl.when(s < nk)
            def _(s=s):
                issue_gather(s, s)

        plsc.subcore_barrier()

        def body(j, carry):
            for s in range(NSLOT):
                i = NSLOT * j + s
                wait_gather(i, s)
                issue_scatter(i, s)
            for s in range(NSLOT):
                nxt = NSLOT * j + NSLOT + s

                @pl.when(nxt < nk)
                def _(s=s, nxt=nxt):
                    wait_scatter(nxt - NSLOT, s)
                    issue_gather(nxt, s)
            return carry

        lax.fori_loop(0, nk // NSLOT, body, 0)

        tail_base = (nk // NSLOT) * NSLOT
        for s in range(NSLOT):
            @pl.when(tail_base + s < nk)
            def _(s=s, i=tail_base + s):
                wait_gather(i, s)
                issue_scatter(i, s)
        for s in range(NSLOT):
            @pl.when(s < nk)
            def _(s=s):
                wait_scatter(_last_for_slot(nk, s), s)

        plsc.subcore_barrier()
        pltpu.sync_copy(acc.at[pl.ds(sid * rpt, rpt)],
                        out_hbm.at[pl.ds(cid * n + sid * rpt, rpt),
                                   pl.ds(0, cpad)])

    return segsum


def kernel(features, g, task, W_pred, b_pred):
    n, d = features.shape
    n_cls = W_pred.shape[1]
    e = g.shape[1]
    del task

    cpad = 48
    bm = 5000

    w_pad = jnp.pad(W_pred, ((0, 0), (0, cpad - n_cls)))
    g3 = g.reshape(2, e // CB, CB)

    q = pl.pallas_call(
        functools.partial(_matmul_body, deg_col=n_cls),
        grid=(n // bm,),
        in_specs=[pl.BlockSpec((bm, d), lambda i: (i, 0)),
                  pl.BlockSpec((d, cpad), lambda i: (0, 0))],
        out_specs=pl.BlockSpec((bm, cpad), lambda i: (i, 0)),
        out_shape=jax.ShapeDtypeStruct((n, cpad), jnp.float32),
    )(features, w_pad)

    partials = _make_sc_segsum(n, cpad, e)(q, g3)

    logits_t = pl.pallas_call(
        functools.partial(_combine_body, n_cls=n_cls),
        grid=(1,),
        in_specs=[pl.BlockSpec((n, 128), lambda i: (0, 0)),
                  pl.BlockSpec((n, 128), lambda i: (1, 0)),
                  pl.BlockSpec((n, cpad), lambda i: (0, 0)),
                  pl.BlockSpec((1, n_cls), lambda i: (0, 0))],
        out_specs=pl.BlockSpec((n_cls, n), lambda i: (0, 0)),
        out_shape=jax.ShapeDtypeStruct((n_cls, n), jnp.float32),
    )(partials, partials, q, b_pred.reshape(1, n_cls))
    return logits_t.T

# --- scband reference (transcript-rebuilt; emitter-appended) ---
"""Pipeline reference for scband-manager-46866683134532 (READ-ONLY COPY).

The authoritative reference and input builder live on the scoring server;
editing this copy changes nothing except your own understanding.
"""

import jax, jax.numpy as jnp
import numpy as np

N = 10000   # n_nodes
E = 320000  # n_edges
D = 128     # in_feat
C = 40      # taskcla (num classes, non class-incremental)


def setup_inputs(seed: int = 0) -> dict:
    key = jax.random.key(seed)
    k1, k2, k3, k4 = jax.random.split(key, 4)
    features = jax.random.normal(k1, (N, D), dtype=jnp.float32)
    # edge_index; int32 used so module execs cleanly without jax x64 flag
    g = jax.random.randint(k2, (2, E), 0, N, dtype=jnp.int32)
    # learned params of self.predict = nn.Linear(in_feat, taskcla)
    W_pred = jax.random.normal(k3, (D, C), dtype=jnp.float32) * (1.0 / np.sqrt(D))
    b_pred = jax.random.normal(k4, (C,), dtype=jnp.float32) * 0.01
    return {"features": features, "g": g, "task": 0, "W_pred": W_pred, "b_pred": b_pred}


def reference(features, g, task, W_pred, b_pred):
    # h = self.arch(g, features): stand-in GNN arch = mean neighbor aggregation
    # (gather features along src edges, scatter-add into dst nodes, normalize by degree)
    src = g[0]
    dst = g[1]
    msgs = jnp.take(features, src, axis=0)                       # gather [E, D]
    agg = jax.ops.segment_sum(msgs, dst, num_segments=N)          # scatter-add [N, D]
    deg = jax.ops.segment_sum(jnp.ones((E,), jnp.float32), dst, num_segments=N)
    h = agg / jnp.clip(deg, 1.0)[:, None] + features              # mean agg + self loop
    # logits = self.predict(h)  (class_incremental=False -> single Linear; task unused)
    logits = h @ W_pred + b_pred
    return logits

if __name__ == "__main__":
    import jax
    _d = setup_inputs()
    print(jax.jit(kernel)(*tuple(_d.values())))

</pallas_src>

<mosaic_0001>
#map = affine_map<(d0, d1) -> (0, 0)>
#map1 = affine_map<(d0, d1) -> (0, 0, 0)>
module attributes {stable_mosaic.version = 14 : i64} {
  func.func @segsum(%arg0: i32, %arg1: i32, %arg2: memref<10000x48xf32, #tpu.memory_space<hbm>>, %arg3: memref<2x2500x128xi32, #tpu.memory_space<hbm>>, %arg4: memref<20000x128xf32, #tpu.memory_space<hbm>>, %arg5: memref<79x128xi32, #tpu.memory_space<vmem>>, %arg6: memref<79x128xi32, #tpu.memory_space<vmem>>, %arg7: memref<128x48xf32, #tpu.memory_space<vmem>>, %arg8: memref<128x48xf32, #tpu.memory_space<vmem>>, %arg9: memref<128x48xf32, #tpu.memory_space<vmem>>, %arg10: memref<128x48xf32, #tpu.memory_space<vmem>>, %arg11: memref<128x48xf32, #tpu.memory_space<vmem>>, %arg12: memref<128x48xf32, #tpu.memory_space<vmem>>, %arg13: memref<128x48xf32, #tpu.memory_space<vmem>>, %arg14: memref<128x48xf32, #tpu.memory_space<vmem>>, %arg15: memref<10000x48xf32, #tpu.memory_space<vmem_shared>>, %arg16: memref<!tpu.dma_semaphore, #tpu.memory_space<semaphore_mem>>, %arg17: memref<!tpu.dma_semaphore, #tpu.memory_space<semaphore_mem>>, %arg18: memref<!tpu.dma_semaphore, #tpu.memory_space<semaphore_mem>>, %arg19: memref<!tpu.dma_semaphore, #tpu.memory_space<semaphore_mem>>, %arg20: memref<!tpu.dma_semaphore, #tpu.memory_space<semaphore_mem>>, %arg21: memref<!tpu.dma_semaphore, #tpu.memory_space<semaphore_mem>>, %arg22: memref<!tpu.dma_semaphore, #tpu.memory_space<semaphore_mem>>, %arg23: memref<!tpu.dma_semaphore, #tpu.memory_space<semaphore_mem>>, %arg24: memref<!tpu.dma_semaphore, #tpu.memory_space<semaphore_mem>>, %arg25: memref<!tpu.dma_semaphore, #tpu.memory_space<semaphore_mem>>, %arg26: memref<!tpu.dma_semaphore, #tpu.memory_space<semaphore_mem>>, %arg27: memref<!tpu.dma_semaphore, #tpu.memory_space<semaphore_mem>>, %arg28: memref<!tpu.dma_semaphore, #tpu.memory_space<semaphore_mem>>, %arg29: memref<!tpu.dma_semaphore, #tpu.memory_space<semaphore_mem>>, %arg30: memref<!tpu.dma_semaphore, #tpu.memory_space<semaphore_mem>>, %arg31: memref<!tpu.dma_semaphore, #tpu.memory_space<semaphore_mem>>) attributes {dimension_semantics = [#tpu.dimension_semantics<core_parallel>, #tpu.dimension_semantics<subcore_parallel>], iteration_bounds = array<i64: 2, 16>, scalar_prefetch = 0 : i64, scratch_operands = 27 : i64, tpu.core_type = #tpu.core_type<sc_vector_subcore>, window_params = [{transform_indices = #map}, {transform_indices = #map1}, {transform_indices = #map}]} {
    %mul3A = arith.constant 16 : i32
    %mul3A_0 = arith.muli %arg0, %mul3A : i32
    %add3A = arith.addi %mul3A_0, %arg1 : i32
    %mul3A_1 = arith.constant 2500 : i32
    %mul3A_2 = arith.muli %add3A, %mul3A_1 : i32
    %jit3A = arith.constant 32 : i32
    %div3A = arith.divsi %mul3A_2, %jit3A : i32
    %sign3A = arith.constant 0 : i32
    %sign3A_3 = arith.cmpi sgt, %mul3A_2, %sign3A : i32
    %sign3A_4 = arith.extui %sign3A_3 : i1 to i32
    %sign3A_5 = arith.constant 0 : i32
    %sign3A_6 = arith.cmpi slt, %mul3A_2, %sign3A_5 : i32
    %sign3A_7 = arith.extui %sign3A_6 : i1 to i32
    %sign3A_8 = arith.subi %sign3A_4, %sign3A_7 : i32
    %sign3A_9 = arith.constant 0 : i32
    %sign3A_10 = arith.cmpi sgt, %jit3A, %sign3A_9 : i32
    %sign3A_11 = arith.extui %sign3A_10 : i1 to i32
    %sign3A_12 = arith.constant 0 : i32
    %sign3A_13 = arith.cmpi slt, %jit3A, %sign3A_12 : i32
    %sign3A_14 = arith.extui %sign3A_13 : i1 to i32
    %sign3A_15 = arith.subi %sign3A_11, %sign3A_14 : i32
    %ne3A = arith.cmpi ne, %sign3A_8, %sign3A_15 : i32
    %rem3A = arith.remsi %mul3A_2, %jit3A : i32
    %ne3A_16 = arith.constant 0 : i32
    %ne3A_17 = arith.cmpi ne, %rem3A, %ne3A_16 : i32
    %and3A = arith.andi %ne3A, %ne3A_17 : i1
    %sub3A = arith.constant 1 : i32
    %sub3A_18 = arith.subi %div3A, %sub3A : i32
    %select_n3A = arith.select %and3A, %sub3A_18, %div3A : i32
    %add3A_19 = arith.constant 1 : i32
    %add3A_20 = arith.addi %add3A, %add3A_19 : i32
    %mul3A_21 = arith.constant 2500 : i32
    %mul3A_22 = arith.muli %add3A_20, %mul3A_21 : i32
    %jit3A_23 = arith.constant 32 : i32
    %div3A_24 = arith.divsi %mul3A_22, %jit3A_23 : i32
    %sign3A_25 = arith.constant 0 : i32
    %sign3A_26 = arith.cmpi sgt, %mul3A_22, %sign3A_25 : i32
    %sign3A_27 = arith.extui %sign3A_26 : i1 to i32
    %sign3A_28 = arith.constant 0 : i32
    %sign3A_29 = arith.cmpi slt, %mul3A_22, %sign3A_28 : i32
    %sign3A_30 = arith.extui %sign3A_29 : i1 to i32
    %sign3A_31 = arith.subi %sign3A_27, %sign3A_30 : i32
    %sign3A_32 = arith.constant 0 : i32
    %sign3A_33 = arith.cmpi sgt, %jit3A_23, %sign3A_32 : i32
    %sign3A_34 = arith.extui %sign3A_33 : i1 to i32
    %sign3A_35 = arith.constant 0 : i32
    %sign3A_36 = arith.cmpi slt, %jit3A_23, %sign3A_35 : i32
    %sign3A_37 = arith.extui %sign3A_36 : i1 to i32
    %sign3A_38 = arith.subi %sign3A_34, %sign3A_37 : i32
    %ne3A_39 = arith.cmpi ne, %sign3A_31, %sign3A_38 : i32
    %rem3A_40 = arith.remsi %mul3A_22, %jit3A_23 : i32
    %ne3A_41 = arith.constant 0 : i32
    %ne3A_42 = arith.cmpi ne, %rem3A_40, %ne3A_41 : i32
    %and3A_43 = arith.andi %ne3A_39, %ne3A_42 : i1
    %sub3A_44 = arith.constant 1 : i32
    %sub3A_45 = arith.subi %div3A_24, %sub3A_44 : i32
    %select_n3A_46 = arith.select %and3A_43, %sub3A_45, %div3A_24 : i32
    %sub3A_47 = arith.subi %select_n3A_46, %select_n3A : i32
    %broadcast_in_dim3A = arith.constant 0.000000e+00 : f32
    %broadcast_in_dim3A_48 = vector.broadcast %broadcast_in_dim3A : f32 to vector<16xf32>
    %scan3A = arith.constant 0 : i32
    %scan3A_49 = arith.constant 0 : i32
    %scan3A_50 = arith.constant 128 : i32
    %scan3A_51 = arith.addi %scan3A_49, %scan3A_50 : i32
    %scan3A_52 = arith.constant 1 : i32
    scf.for %scan3A_282 = %scan3A_49 to %scan3A_51 step %scan3A_52  : i32 {
      %swap3A = arith.index_cast %scan3A_282 : i32 to index
      %swap3A_283 = arith.constant 0 : index
      %swap3A_284 = tpu.vector_load %arg7[%swap3A, %swap3A_283] {strides = array<i32>} : memref<128x48xf32, #tpu.memory_space<vmem>>, vector<1x16xf32>,
      %swap3A_285 = vector.shape_cast %swap3A_284 : vector<1x16xf32> to vector<16xf32>
      %swap3A_286 = vector.shape_cast %broadcast_in_dim3A_48 : vector<16xf32> to vector<1x16xf32>
      tpu.vector_store %arg7[%swap3A, %swap3A_283], %swap3A_286 {strides = array<i32>} : memref<128x48xf32, #tpu.memory_space<vmem>>, vector<1x16xf32>,
      %swap3A_287 = arith.index_cast %scan3A_282 : i32 to index
      %swap3A_288 = arith.constant 16 : index
      %swap3A_289 = tpu.vector_load %arg7[%swap3A_287, %swap3A_288] {strides = array<i32>} : memref<128x48xf32, #tpu.memory_space<vmem>>, vector<1x16xf32>,
      %swap3A_290 = vector.shape_cast %swap3A_289 : vector<1x16xf32> to vector<16xf32>
      %swap3A_291 = vector.shape_cast %broadcast_in_dim3A_48 : vector<16xf32> to vector<1x16xf32>
      tpu.vector_store %arg7[%swap3A_287, %swap3A_288], %swap3A_291 {strides = array<i32>} : memref<128x48xf32, #tpu.memory_space<vmem>>, vector<1x16xf32>,
      %swap3A_292 = arith.index_cast %scan3A_282 : i32 to index
      %swap3A_293 = arith.constant 32 : index
      %swap3A_294 = tpu.vector_load %arg7[%swap3A_292, %swap3A_293] {strides = array<i32>} : memref<128x48xf32, #tpu.memory_space<vmem>>, vector<1x16xf32>,
      %swap3A_295 = vector.shape_cast %swap3A_294 : vector<1x16xf32> to vector<16xf32>
      %swap3A_296 = vector.shape_cast %broadcast_in_dim3A_48 : vector<16xf32> to vector<1x16xf32>
      tpu.vector_store %arg7[%swap3A_292, %swap3A_293], %swap3A_296 {strides = array<i32>} : memref<128x48xf32, #tpu.memory_space<vmem>>, vector<1x16xf32>,
    }
    %scan3A_53 = arith.constant 128 : i32
    %mul3A_54 = arith.constant 625 : i32
    %mul3A_55 = arith.muli %arg1, %mul3A_54 : i32
    %add3A_56 = arith.constant 0 : i32
    %add3A_57 = arith.addi %mul3A_55, %add3A_56 : i32
    "tpu.region"() ({
      %run_scoped3A_282 = tpu.sem_alloc : memref<!tpu.dma_semaphore, #tpu.memory_space<semaphore_mem>>
      %dma_start3A = arith.constant 0 : i32
      %dma_start3A_283 = tpu.memref_slice %arg15[%add3A_57, %dma_start3A] : memref<10000x48xf32, #tpu.memory_space<vmem_shared>> -> memref<128x48xf32, #tpu.memory_space<vmem_shared>>
      %dma_start3A_284 = arith.constant 0 : i32
      %dma_start3A_285 = tpu.memref_slice %arg15[%add3A_57, %dma_start3A_284] : memref<10000x48xf32, #tpu.memory_space<vmem_shared>> -> memref<128x48xf32, #tpu.memory_space<vmem_shared>>
      tpu.enqueue_dma source(%arg7 : memref<128x48xf32, #tpu.memory_space<vmem>>) target(%dma_start3A_285 : memref<128x48xf32, #tpu.memory_space<vmem_shared>>) target_semaphore(%run_scoped3A_282 : memref<!tpu.dma_semaphore, #tpu.memory_space<semaphore_mem>>)
      %dma_wait3A = arith.constant 0 : i32
      %dma_wait3A_286 = tpu.memref_slice %arg15[%add3A_57, %dma_wait3A] : memref<10000x48xf32, #tpu.memory_space<vmem_shared>> -> memref<128x48xf32, #tpu.memory_space<vmem_shared>>
      %dma_wait3A_287 = arith.constant 0 : i32
      %dma_wait3A_288 = tpu.memref_slice %arg15[%add3A_57, %dma_wait3A_287] : memref<10000x48xf32, #tpu.memory_space<vmem_shared>> -> memref<128x48xf32, #tpu.memory_space<vmem_shared>>
      tpu.wait_dma2 semaphore(%run_scoped3A_282 : memref<!tpu.dma_semaphore, #tpu.memory_space<semaphore_mem>>) src(%arg7 : memref<128x48xf32, #tpu.memory_space<vmem>>) dst(%dma_wait3A_288 : memref<128x48xf32, #tpu.memory_space<vmem_shared>>)
      tpu.yield
    }) : () -> ()
    %mul3A_58 = arith.constant 625 : i32
    %mul3A_59 = arith.muli %arg1, %mul3A_58 : i32
    %add3A_60 = arith.constant 128 : i32
    %add3A_61 = arith.addi %mul3A_59, %add3A_60 : i32
    "tpu.region"() ({
      %run_scoped3A_282 = tpu.sem_alloc : memref<!tpu.dma_semaphore, #tpu.memory_space<semaphore_mem>>
      %dma_start3A = arith.constant 0 : i32
      %dma_start3A_283 = tpu.memref_slice %arg15[%add3A_61, %dma_start3A] : memref<10000x48xf32, #tpu.memory_space<vmem_shared>> -> memref<128x48xf32, #tpu.memory_space<vmem_shared>>
      %dma_start3A_284 = arith.constant 0 : i32
      %dma_start3A_285 = tpu.memref_slice %arg15[%add3A_61, %dma_start3A_284] : memref<10000x48xf32, #tpu.memory_space<vmem_shared>> -> memref<128x48xf32, #tpu.memory_space<vmem_shared>>
      tpu.enqueue_dma source(%arg7 : memref<128x48xf32, #tpu.memory_space<vmem>>) target(%dma_start3A_285 : memref<128x48xf32, #tpu.memory_space<vmem_shared>>) target_semaphore(%run_scoped3A_282 : memref<!tpu.dma_semaphore, #tpu.memory_space<semaphore_mem>>)
      %dma_wait3A = arith.constant 0 : i32
      %dma_wait3A_286 = tpu.memref_slice %arg15[%add3A_61, %dma_wait3A] : memref<10000x48xf32, #tpu.memory_space<vmem_shared>> -> memref<128x48xf32, #tpu.memory_space<vmem_shared>>
      %dma_wait3A_287 = arith.constant 0 : i32
      %dma_wait3A_288 = tpu.memref_slice %arg15[%add3A_61, %dma_wait3A_287] : memref<10000x48xf32, #tpu.memory_space<vmem_shared>> -> memref<128x48xf32, #tpu.memory_space<vmem_shared>>
      tpu.wait_dma2 semaphore(%run_scoped3A_282 : memref<!tpu.dma_semaphore, #tpu.memory_space<semaphore_mem>>) src(%arg7 : memref<128x48xf32, #tpu.memory_space<vmem>>) dst(%dma_wait3A_288 : memref<128x48xf32, #tpu.memory_space<vmem_shared>>)
      tpu.yield
    }) : () -> ()
    %mul3A_62 = arith.constant 625 : i32
    %mul3A_63 = arith.muli %arg1, %mul3A_62 : i32
    %add3A_64 = arith.constant 256 : i32
    %add3A_65 = arith.addi %mul3A_63, %add3A_64 : i32
    "tpu.region"() ({
      %run_scoped3A_282 = tpu.sem_alloc : memref<!tpu.dma_semaphore, #tpu.memory_space<semaphore_mem>>
      %dma_start3A = arith.constant 0 : i32
      %dma_start3A_283 = tpu.memref_slice %arg15[%add3A_65, %dma_start3A] : memref<10000x48xf32, #tpu.memory_space<vmem_shared>> -> memref<128x48xf32, #tpu.memory_space<vmem_shared>>
      %dma_start3A_284 = arith.constant 0 : i32
      %dma_start3A_285 = tpu.memref_slice %arg15[%add3A_65, %dma_start3A_284] : memref<10000x48xf32, #tpu.memory_space<vmem_shared>> -> memref<128x48xf32, #tpu.memory_space<vmem_shared>>
      tpu.enqueue_dma source(%arg7 : memref<128x48xf32, #tpu.memory_space<vmem>>) target(%dma_start3A_285 : memref<128x48xf32, #tpu.memory_space<vmem_shared>>) target_semaphore(%run_scoped3A_282 : memref<!tpu.dma_semaphore, #tpu.memory_space<semaphore_mem>>)
      %dma_wait3A = arith.constant 0 : i32
      %dma_wait3A_286 = tpu.memref_slice %arg15[%add3A_65, %dma_wait3A] : memref<10000x48xf32, #tpu.memory_space<vmem_shared>> -> memref<128x48xf32, #tpu.memory_space<vmem_shared>>
      %dma_wait3A_287 = arith.constant 0 : i32
      %dma_wait3A_288 = tpu.memref_slice %arg15[%add3A_65, %dma_wait3A_287] : memref<10000x48xf32, #tpu.memory_space<vmem_shared>> -> memref<128x48xf32, #tpu.memory_space<vmem_shared>>
      tpu.wait_dma2 semaphore(%run_scoped3A_282 : memref<!tpu.dma_semaphore, #tpu.memory_space<semaphore_mem>>) src(%arg7 : memref<128x48xf32, #tpu.memory_space<vmem>>) dst(%dma_wait3A_288 : memref<128x48xf32, #tpu.memory_space<vmem_shared>>)
      tpu.yield
    }) : () -> ()
    %mul3A_66 = arith.constant 625 : i32
    %mul3A_67 = arith.muli %arg1, %mul3A_66 : i32
    %add3A_68 = arith.constant 384 : i32
    %add3A_69 = arith.addi %mul3A_67, %add3A_68 : i32
    "tpu.region"() ({
      %run_scoped3A_282 = tpu.sem_alloc : memref<!tpu.dma_semaphore, #tpu.memory_space<semaphore_mem>>
      %dma_start3A = arith.constant 0 : i32
      %dma_start3A_283 = tpu.memref_slice %arg15[%add3A_69, %dma_start3A] : memref<10000x48xf32, #tpu.memory_space<vmem_shared>> -> memref<128x48xf32, #tpu.memory_space<vmem_shared>>
      %dma_start3A_284 = arith.constant 0 : i32
      %dma_start3A_285 = tpu.memref_slice %arg15[%add3A_69, %dma_start3A_284] : memref<10000x48xf32, #tpu.memory_space<vmem_shared>> -> memref<128x48xf32, #tpu.memory_space<vmem_shared>>
      tpu.enqueue_dma source(%arg7 : memref<128x48xf32, #tpu.memory_space<vmem>>) target(%dma_start3A_285 : memref<128x48xf32, #tpu.memory_space<vmem_shared>>) target_semaphore(%run_scoped3A_282 : memref<!tpu.dma_semaphore, #tpu.memory_space<semaphore_mem>>)
      %dma_wait3A = arith.constant 0 : i32
      %dma_wait3A_286 = tpu.memref_slice %arg15[%add3A_69, %dma_wait3A] : memref<10000x48xf32, #tpu.memory_space<vmem_shared>> -> memref<128x48xf32, #tpu.memory_space<vmem_shared>>
      %dma_wait3A_287 = arith.constant 0 : i32
      %dma_wait3A_288 = tpu.memref_slice %arg15[%add3A_69, %dma_wait3A_287] : memref<10000x48xf32, #tpu.memory_space<vmem_shared>> -> memref<128x48xf32, #tpu.memory_space<vmem_shared>>
      tpu.wait_dma2 semaphore(%run_scoped3A_282 : memref<!tpu.dma_semaphore, #tpu.memory_space<semaphore_mem>>) src(%arg7 : memref<128x48xf32, #tpu.memory_space<vmem>>) dst(%dma_wait3A_288 : memref<128x48xf32, #tpu.memory_space<vmem_shared>>)
      tpu.yield
    }) : () -> ()
    %mul3A_70 = arith.constant 625 : i32
    %mul3A_71 = arith.muli %arg1, %mul3A_70 : i32
    %add3A_72 = arith.constant 512 : i32
    %add3A_73 = arith.addi %mul3A_71, %add3A_72 : i32
    "tpu.region"() ({
      %run_scoped3A_282 = tpu.sem_alloc : memref<!tpu.dma_semaphore, #tpu.memory_space<semaphore_mem>>
      %dma_start3A = arith.constant 0 : i32
      %dma_start3A_283 = arith.constant 0 : i32
      %dma_start3A_284 = tpu.memref_slice %arg7[%dma_start3A, %dma_start3A_283] : memref<128x48xf32, #tpu.memory_space<vmem>> -> memref<113x48xf32, #tpu.memory_space<vmem>>
      %dma_start3A_285 = arith.constant 0 : i32
      %dma_start3A_286 = tpu.memref_slice %arg15[%add3A_73, %dma_start3A_285] : memref<10000x48xf32, #tpu.memory_space<vmem_shared>> -> memref<113x48xf32, #tpu.memory_space<vmem_shared>>
      %dma_start3A_287 = arith.constant 0 : i32
      %dma_start3A_288 = tpu.memref_slice %arg15[%add3A_73, %dma_start3A_287] : memref<10000x48xf32, #tpu.memory_space<vmem_shared>> -> memref<113x48xf32, #tpu.memory_space<vmem_shared>>
      %dma_start3A_289 = arith.constant 0 : i32
      %dma_start3A_290 = arith.constant 0 : i32
      %dma_start3A_291 = tpu.memref_slice %arg7[%dma_start3A_289, %dma_start3A_290] : memref<128x48xf32, #tpu.memory_space<vmem>> -> memref<113x48xf32, #tpu.memory_space<vmem>>
      tpu.enqueue_dma source(%dma_start3A_291 : memref<113x48xf32, #tpu.memory_space<vmem>>) target(%dma_start3A_288 : memref<113x48xf32, #tpu.memory_space<vmem_shared>>) target_semaphore(%run_scoped3A_282 : memref<!tpu.dma_semaphore, #tpu.memory_space<semaphore_mem>>)
      %dma_wait3A = arith.constant 0 : i32
      %dma_wait3A_292 = arith.constant 0 : i32
      %dma_wait3A_293 = tpu.memref_slice %arg7[%dma_wait3A, %dma_wait3A_292] : memref<128x48xf32, #tpu.memory_space<vmem>> -> memref<113x48xf32, #tpu.memory_space<vmem>>
      %dma_wait3A_294 = arith.constant 0 : i32
      %dma_wait3A_295 = tpu.memref_slice %arg15[%add3A_73, %dma_wait3A_294] : memref<10000x48xf32, #tpu.memory_space<vmem_shared>> -> memref<113x48xf32, #tpu.memory_space<vmem_shared>>
      %dma_wait3A_296 = arith.constant 0 : i32
      %dma_wait3A_297 = tpu.memref_slice %arg15[%add3A_73, %dma_wait3A_296] : memref<10000x48xf32, #tpu.memory_space<vmem_shared>> -> memref<113x48xf32, #tpu.memory_space<vmem_shared>>
      %dma_wait3A_298 = arith.constant 0 : i32
      %dma_wait3A_299 = arith.constant 0 : i32
      %dma_wait3A_300 = tpu.memref_slice %arg7[%dma_wait3A_298, %dma_wait3A_299] : memref<128x48xf32, #tpu.memory_space<vmem>> -> memref<113x48xf32, #tpu.memory_space<vmem>>
      tpu.wait_dma2 semaphore(%run_scoped3A_282 : memref<!tpu.dma_semaphore, #tpu.memory_space<semaphore_mem>>) src(%dma_wait3A_300 : memref<113x48xf32, #tpu.memory_space<vmem>>) dst(%dma_wait3A_297 : memref<113x48xf32, #tpu.memory_space<vmem_shared>>)
      tpu.yield
    }) : () -> ()
    %run_scoped3A = arith.constant 0 : i32
    "tpu.region"() ({
      %run_scoped3A_282 = tpu.sem_alloc : memref<!tpu.dma_semaphore, #tpu.memory_space<semaphore_mem>>
      %dma_start3A = arith.constant 0 : i32
      %dma_start3A_283 = tpu.memref_slice %arg3[%run_scoped3A, %select_n3A, %dma_start3A] : memref<2x2500x128xi32, #tpu.memory_space<hbm>> -> memref<1x79x128xi32, #tpu.memory_space<hbm>>
      %dma_start3A_284 = tpu.memref_squeeze %dma_start3A_283 : memref<1x79x128xi32, #tpu.memory_space<hbm>> -> memref<79x128xi32, #tpu.memory_space<hbm>>
      %dma_start3A_285 = arith.constant 0 : i32
      %dma_start3A_286 = tpu.memref_slice %arg3[%run_scoped3A, %select_n3A, %dma_start3A_285] : memref<2x2500x128xi32, #tpu.memory_space<hbm>> -> memref<1x79x128xi32, #tpu.memory_space<hbm>>
      %dma_start3A_287 = tpu.memref_squeeze %dma_start3A_286 : memref<1x79x128xi32, #tpu.memory_space<hbm>> -> memref<79x128xi32, #tpu.memory_space<hbm>>
      tpu.enqueue_dma source(%dma_start3A_287 : memref<79x128xi32, #tpu.memory_space<hbm>>) target(%arg5 : memref<79x128xi32, #tpu.memory_space<vmem>>) target_semaphore(%run_scoped3A_282 : memref<!tpu.dma_semaphore, #tpu.memory_space<semaphore_mem>>)
      %dma_wait3A = arith.constant 0 : i32
      %dma_wait3A_288 = tpu.memref_slice %arg3[%run_scoped3A, %select_n3A, %dma_wait3A] : memref<2x2500x128xi32, #tpu.memory_space<hbm>> -> memref<1x79x128xi32, #tpu.memory_space<hbm>>
      %dma_wait3A_289 = tpu.memref_squeeze %dma_wait3A_288 : memref<1x79x128xi32, #tpu.memory_space<hbm>> -> memref<79x128xi32, #tpu.memory_space<hbm>>
      %dma_wait3A_290 = arith.constant 0 : i32
      %dma_wait3A_291 = tpu.memref_slice %arg3[%run_scoped3A, %select_n3A, %dma_wait3A_290] : memref<2x2500x128xi32, #tpu.memory_space<hbm>> -> memref<1x79x128xi32, #tpu.memory_space<hbm>>
      %dma_wait3A_292 = tpu.memref_squeeze %dma_wait3A_291 : memref<1x79x128xi32, #tpu.memory_space<hbm>> -> memref<79x128xi32, #tpu.memory_space<hbm>>
      tpu.wait_dma2 semaphore(%run_scoped3A_282 : memref<!tpu.dma_semaphore, #tpu.memory_space<semaphore_mem>>) src(%dma_wait3A_292 : memref<79x128xi32, #tpu.memory_space<hbm>>) dst(%arg5 : memref<79x128xi32, #tpu.memory_space<vmem>>)
      tpu.yield
    }) : () -> ()
    %run_scoped3A_74 = arith.constant 1 : i32
    "tpu.region"() ({
      %run_scoped3A_282 = tpu.sem_alloc : memref<!tpu.dma_semaphore, #tpu.memory_space<semaphore_mem>>
      %dma_start3A = arith.constant 0 : i32
      %dma_start3A_283 = tpu.memref_slice %arg3[%run_scoped3A_74, %select_n3A, %dma_start3A] : memref<2x2500x128xi32, #tpu.memory_space<hbm>> -> memref<1x79x128xi32, #tpu.memory_space<hbm>>
      %dma_start3A_284 = tpu.memref_squeeze %dma_start3A_283 : memref<1x79x128xi32, #tpu.memory_space<hbm>> -> memref<79x128xi32, #tpu.memory_space<hbm>>
      %dma_start3A_285 = arith.constant 0 : i32
      %dma_start3A_286 = tpu.memref_slice %arg3[%run_scoped3A_74, %select_n3A, %dma_start3A_285] : memref<2x2500x128xi32, #tpu.memory_space<hbm>> -> memref<1x79x128xi32, #tpu.memory_space<hbm>>
      %dma_start3A_287 = tpu.memref_squeeze %dma_start3A_286 : memref<1x79x128xi32, #tpu.memory_space<hbm>> -> memref<79x128xi32, #tpu.memory_space<hbm>>
      tpu.enqueue_dma source(%dma_start3A_287 : memref<79x128xi32, #tpu.memory_space<hbm>>) target(%arg6 : memref<79x128xi32, #tpu.memory_space<vmem>>) target_semaphore(%run_scoped3A_282 : memref<!tpu.dma_semaphore, #tpu.memory_space<semaphore_mem>>)
      %dma_wait3A = arith.constant 0 : i32
      %dma_wait3A_288 = tpu.memref_slice %arg3[%run_scoped3A_74, %select_n3A, %dma_wait3A] : memref<2x2500x128xi32, #tpu.memory_space<hbm>> -> memref<1x79x128xi32, #tpu.memory_space<hbm>>
      %dma_wait3A_289 = tpu.memref_squeeze %dma_wait3A_288 : memref<1x79x128xi32, #tpu.memory_space<hbm>> -> memref<79x128xi32, #tpu.memory_space<hbm>>
      %dma_wait3A_290 = arith.constant 0 : i32
      %dma_wait3A_291 = tpu.memref_slice %arg3[%run_scoped3A_74, %select_n3A, %dma_wait3A_290] : memref<2x2500x128xi32, #tpu.memory_space<hbm>> -> memref<1x79x128xi32, #tpu.memory_space<hbm>>
      %dma_wait3A_292 = tpu.memref_squeeze %dma_wait3A_291 : memref<1x79x128xi32, #tpu.memory_space<hbm>> -> memref<79x128xi32, #tpu.memory_space<hbm>>
      tpu.wait_dma2 semaphore(%run_scoped3A_282 : memref<!tpu.dma_semaphore, #tpu.memory_space<semaphore_mem>>) src(%dma_wait3A_292 : memref<79x128xi32, #tpu.memory_space<hbm>>) dst(%arg6 : memref<79x128xi32, #tpu.memory_space<vmem>>)
      tpu.yield
    }) : () -> ()
    %gt3A = arith.constant 0 : i32
    %gt3A_75 = arith.cmpi sgt, %sub3A_47, %gt3A : i32
    %convert_element_type3A = arith.extui %gt3A_75 : i1 to i32
    %cond3A = arith.constant 0 : i32
    %cond3A_76 = arith.cmpi ne, %convert_element_type3A, %cond3A : i32
    scf.if %cond3A_76 {
      %dma_start3A = arith.constant 0 : i32
      %dma_start3A_282 = arith.constant 0 : i32
      %dma_start3A_283 = tpu.memref_slice %arg5[%dma_start3A, %dma_start3A_282] : memref<79x128xi32, #tpu.memory_space<vmem>> -> memref<1x128xi32, #tpu.memory_space<vmem>>
      %dma_start3A_284 = tpu.memref_squeeze %dma_start3A_283 : memref<1x128xi32, #tpu.memory_space<vmem>> -> memref<128xi32, #tpu.memory_space<vmem>>
      %dma_start3A_285 = arith.constant 0 : i32
      %dma_start3A_286 = arith.constant 0 : i32
      %dma_start3A_287 = tpu.memref_slice %arg2[%dma_start3A_285, %dma_start3A_286] : memref<10000x48xf32, #tpu.memory_space<hbm>> -> memref<10000x48xf32, #tpu.memory_space<hbm>>
      tpu.enqueue_indirect_dma source(%dma_start3A_287 : memref<10000x48xf32, #tpu.memory_space<hbm>>) target(%arg7 : memref<128x48xf32, #tpu.memory_space<vmem>>) offsets(%dma_start3A_284 : memref<128xi32, #tpu.memory_space<vmem>>) semaphore(%arg16 : memref<!tpu.dma_semaphore, #tpu.memory_space<semaphore_mem>>)
    } else {
    }
    %gt3A_77 = arith.constant 1 : i32
    %gt3A_78 = arith.cmpi sgt, %sub3A_47, %gt3A_77 : i32
    %convert_element_type3A_79 = arith.extui %gt3A_78 : i1 to i32
    %cond3A_80 = arith.constant 0 : i32
    %cond3A_81 = arith.cmpi ne, %convert_element_type3A_79, %cond3A_80 : i32
    scf.if %cond3A_81 {
      %dma_start3A = arith.constant 1 : i32
      %dma_start3A_282 = arith.constant 0 : i32
      %dma_start3A_283 = tpu.memref_slice %arg5[%dma_start3A, %dma_start3A_282] : memref<79x128xi32, #tpu.memory_space<vmem>> -> memref<1x128xi32, #tpu.memory_space<vmem>>
      %dma_start3A_284 = tpu.memref_squeeze %dma_start3A_283 : memref<1x128xi32, #tpu.memory_space<vmem>> -> memref<128xi32, #tpu.memory_space<vmem>>
      %dma_start3A_285 = arith.constant 0 : i32
      %dma_start3A_286 = arith.constant 0 : i32
      %dma_start3A_287 = tpu.memref_slice %arg2[%dma_start3A_285, %dma_start3A_286] : memref<10000x48xf32, #tpu.memory_space<hbm>> -> memref<10000x48xf32, #tpu.memory_space<hbm>>
      tpu.enqueue_indirect_dma source(%dma_start3A_287 : memref<10000x48xf32, #tpu.memory_space<hbm>>) target(%arg8 : memref<128x48xf32, #tpu.memory_space<vmem>>) offsets(%dma_start3A_284 : memref<128xi32, #tpu.memory_space<vmem>>) semaphore(%arg17 : memref<!tpu.dma_semaphore, #tpu.memory_space<semaphore_mem>>)
    } else {
    }
    %gt3A_82 = arith.constant 2 : i32
    %gt3A_83 = arith.cmpi sgt, %sub3A_47, %gt3A_82 : i32
    %convert_element_type3A_84 = arith.extui %gt3A_83 : i1 to i32
    %cond3A_85 = arith.constant 0 : i32
    %cond3A_86 = arith.cmpi ne, %convert_element_type3A_84, %cond3A_85 : i32
    scf.if %cond3A_86 {
      %dma_start3A = arith.constant 2 : i32
      %dma_start3A_282 = arith.constant 0 : i32
      %dma_start3A_283 = tpu.memref_slice %arg5[%dma_start3A, %dma_start3A_282] : memref<79x128xi32, #tpu.memory_space<vmem>> -> memref<1x128xi32, #tpu.memory_space<vmem>>
      %dma_start3A_284 = tpu.memref_squeeze %dma_start3A_283 : memref<1x128xi32, #tpu.memory_space<vmem>> -> memref<128xi32, #tpu.memory_space<vmem>>
      %dma_start3A_285 = arith.constant 0 : i32
      %dma_start3A_286 = arith.constant 0 : i32
      %dma_start3A_287 = tpu.memref_slice %arg2[%dma_start3A_285, %dma_start3A_286] : memref<10000x48xf32, #tpu.memory_space<hbm>> -> memref<10000x48xf32, #tpu.memory_space<hbm>>
      tpu.enqueue_indirect_dma source(%dma_start3A_287 : memref<10000x48xf32, #tpu.memory_space<hbm>>) target(%arg9 : memref<128x48xf32, #tpu.memory_space<vmem>>) offsets(%dma_start3A_284 : memref<128xi32, #tpu.memory_space<vmem>>) semaphore(%arg18 : memref<!tpu.dma_semaphore, #tpu.memory_space<semaphore_mem>>)
    } else {
    }
    %gt3A_87 = arith.constant 3 : i32
    %gt3A_88 = arith.cmpi sgt, %sub3A_47, %gt3A_87 : i32
    %convert_element_type3A_89 = arith.extui %gt3A_88 : i1 to i32
    %cond3A_90 = arith.constant 0 : i32
    %cond3A_91 = arith.cmpi ne, %convert_element_type3A_89, %cond3A_90 : i32
    scf.if %cond3A_91 {
      %dma_start3A = arith.constant 3 : i32
      %dma_start3A_282 = arith.constant 0 : i32
      %dma_start3A_283 = tpu.memref_slice %arg5[%dma_start3A, %dma_start3A_282] : memref<79x128xi32, #tpu.memory_space<vmem>> -> memref<1x128xi32, #tpu.memory_space<vmem>>
      %dma_start3A_284 = tpu.memref_squeeze %dma_start3A_283 : memref<1x128xi32, #tpu.memory_space<vmem>> -> memref<128xi32, #tpu.memory_space<vmem>>
      %dma_start3A_285 = arith.constant 0 : i32
      %dma_start3A_286 = arith.constant 0 : i32
      %dma_start3A_287 = tpu.memref_slice %arg2[%dma_start3A_285, %dma_start3A_286] : memref<10000x48xf32, #tpu.memory_space<hbm>> -> memref<10000x48xf32, #tpu.memory_space<hbm>>
      tpu.enqueue_indirect_dma source(%dma_start3A_287 : memref<10000x48xf32, #tpu.memory_space<hbm>>) target(%arg10 : memref<128x48xf32, #tpu.memory_space<vmem>>) offsets(%dma_start3A_284 : memref<128xi32, #tpu.memory_space<vmem>>) semaphore(%arg19 : memref<!tpu.dma_semaphore, #tpu.memory_space<semaphore_mem>>)
    } else {
    }
    %gt3A_92 = arith.constant 4 : i32
    %gt3A_93 = arith.cmpi sgt, %sub3A_47, %gt3A_92 : i32
    %convert_element_type3A_94 = arith.extui %gt3A_93 : i1 to i32
    %cond3A_95 = arith.constant 0 : i32
    %cond3A_96 = arith.cmpi ne, %convert_element_type3A_94, %cond3A_95 : i32
    scf.if %cond3A_96 {
      %dma_start3A = arith.constant 4 : i32
      %dma_start3A_282 = arith.constant 0 : i32
      %dma_start3A_283 = tpu.memref_slice %arg5[%dma_start3A, %dma_start3A_282] : memref<79x128xi32, #tpu.memory_space<vmem>> -> memref<1x128xi32, #tpu.memory_space<vmem>>
      %dma_start3A_284 = tpu.memref_squeeze %dma_start3A_283 : memref<1x128xi32, #tpu.memory_space<vmem>> -> memref<128xi32, #tpu.memory_space<vmem>>
      %dma_start3A_285 = arith.constant 0 : i32
      %dma_start3A_286 = arith.constant 0 : i32
      %dma_start3A_287 = tpu.memref_slice %arg2[%dma_start3A_285, %dma_start3A_286] : memref<10000x48xf32, #tpu.memory_space<hbm>> -> memref<10000x48xf32, #tpu.memory_space<hbm>>
      tpu.enqueue_indirect_dma source(%dma_start3A_287 : memref<10000x48xf32, #tpu.memory_space<hbm>>) target(%arg11 : memref<128x48xf32, #tpu.memory_space<vmem>>) offsets(%dma_start3A_284 : memref<128xi32, #tpu.memory_space<vmem>>) semaphore(%arg20 : memref<!tpu.dma_semaphore, #tpu.memory_space<semaphore_mem>>)
    } else {
    }
    %gt3A_97 = arith.constant 5 : i32
    %gt3A_98 = arith.cmpi sgt, %sub3A_47, %gt3A_97 : i32
    %convert_element_type3A_99 = arith.extui %gt3A_98 : i1 to i32
    %cond3A_100 = arith.constant 0 : i32
    %cond3A_101 = arith.cmpi ne, %convert_element_type3A_99, %cond3A_100 : i32
    scf.if %cond3A_101 {
      %dma_start3A = arith.constant 5 : i32
      %dma_start3A_282 = arith.constant 0 : i32
      %dma_start3A_283 = tpu.memref_slice %arg5[%dma_start3A, %dma_start3A_282] : memref<79x128xi32, #tpu.memory_space<vmem>> -> memref<1x128xi32, #tpu.memory_space<vmem>>
      %dma_start3A_284 = tpu.memref_squeeze %dma_start3A_283 : memref<1x128xi32, #tpu.memory_space<vmem>> -> memref<128xi32, #tpu.memory_space<vmem>>
      %dma_start3A_285 = arith.constant 0 : i32
      %dma_start3A_286 = arith.constant 0 : i32
      %dma_start3A_287 = tpu.memref_slice %arg2[%dma_start3A_285, %dma_start3A_286] : memref<10000x48xf32, #tpu.memory_space<hbm>> -> memref<10000x48xf32, #tpu.memory_space<hbm>>
      tpu.enqueue_indirect_dma source(%dma_start3A_287 : memref<10000x48xf32, #tpu.memory_space<hbm>>) target(%arg12 : memref<128x48xf32, #tpu.memory_space<vmem>>) offsets(%dma_start3A_284 : memref<128xi32, #tpu.memory_space<vmem>>) semaphore(%arg21 : memref<!tpu.dma_semaphore, #tpu.memory_space<semaphore_mem>>)
    } else {
    }
    %gt3A_102 = arith.constant 6 : i32
    %gt3A_103 = arith.cmpi sgt, %sub3A_47, %gt3A_102 : i32
    %convert_element_type3A_104 = arith.extui %gt3A_103 : i1 to i32
    %cond3A_105 = arith.constant 0 : i32
    %cond3A_106 = arith.cmpi ne, %convert_element_type3A_104, %cond3A_105 : i32
    scf.if %cond3A_106 {
      %dma_start3A = arith.constant 6 : i32
      %dma_start3A_282 = arith.constant 0 : i32
      %dma_start3A_283 = tpu.memref_slice %arg5[%dma_start3A, %dma_start3A_282] : memref<79x128xi32, #tpu.memory_space<vmem>> -> memref<1x128xi32, #tpu.memory_space<vmem>>
      %dma_start3A_284 = tpu.memref_squeeze %dma_start3A_283 : memref<1x128xi32, #tpu.memory_space<vmem>> -> memref<128xi32, #tpu.memory_space<vmem>>
      %dma_start3A_285 = arith.constant 0 : i32
      %dma_start3A_286 = arith.constant 0 : i32
      %dma_start3A_287 = tpu.memref_slice %arg2[%dma_start3A_285, %dma_start3A_286] : memref<10000x48xf32, #tpu.memory_space<hbm>> -> memref<10000x48xf32, #tpu.memory_space<hbm>>
      tpu.enqueue_indirect_dma source(%dma_start3A_287 : memref<10000x48xf32, #tpu.memory_space<hbm>>) target(%arg13 : memref<128x48xf32, #tpu.memory_space<vmem>>) offsets(%dma_start3A_284 : memref<128xi32, #tpu.memory_space<vmem>>) semaphore(%arg22 : memref<!tpu.dma_semaphore, #tpu.memory_space<semaphore_mem>>)
    } else {
    }
    %gt3A_107 = arith.constant 7 : i32
    %gt3A_108 = arith.cmpi sgt, %sub3A_47, %gt3A_107 : i32
    %convert_element_type3A_109 = arith.extui %gt3A_108 : i1 to i32
    %cond3A_110 = arith.constant 0 : i32
    %cond3A_111 = arith.cmpi ne, %convert_element_type3A_109, %cond3A_110 : i32
    scf.if %cond3A_111 {
      %dma_start3A = arith.constant 7 : i32
      %dma_start3A_282 = arith.constant 0 : i32
      %dma_start3A_283 = tpu.memref_slice %arg5[%dma_start3A, %dma_start3A_282] : memref<79x128xi32, #tpu.memory_space<vmem>> -> memref<1x128xi32, #tpu.memory_space<vmem>>
      %dma_start3A_284 = tpu.memref_squeeze %dma_start3A_283 : memref<1x128xi32, #tpu.memory_space<vmem>> -> memref<128xi32, #tpu.memory_space<vmem>>
      %dma_start3A_285 = arith.constant 0 : i32
      %dma_start3A_286 = arith.constant 0 : i32
      %dma_start3A_287 = tpu.memref_slice %arg2[%dma_start3A_285, %dma_start3A_286] : memref<10000x48xf32, #tpu.memory_space<hbm>> -> memref<10000x48xf32, #tpu.memory_space<hbm>>
      tpu.enqueue_indirect_dma source(%dma_start3A_287 : memref<10000x48xf32, #tpu.memory_space<hbm>>) target(%arg14 : memref<128x48xf32, #tpu.memory_space<vmem>>) offsets(%dma_start3A_284 : memref<128xi32, #tpu.memory_space<vmem>>) semaphore(%arg23 : memref<!tpu.dma_semaphore, #tpu.memory_space<semaphore_mem>>)
    } else {
    }
    %barrier3A = arith.constant 0 : index
    tpu.barrier barrier_id(%barrier3A)
    %jit3A_112 = arith.constant 8 : i32
    %div3A_113 = arith.divsi %sub3A_47, %jit3A_112 : i32
    %sign3A_114 = arith.constant 0 : i32
    %sign3A_115 = arith.cmpi sgt, %sub3A_47, %sign3A_114 : i32
    %sign3A_116 = arith.extui %sign3A_115 : i1 to i32
    %sign3A_117 = arith.constant 0 : i32
    %sign3A_118 = arith.cmpi slt, %sub3A_47, %sign3A_117 : i32
    %sign3A_119 = arith.extui %sign3A_118 : i1 to i32
    %sign3A_120 = arith.subi %sign3A_116, %sign3A_119 : i32
    %sign3A_121 = arith.constant 0 : i32
    %sign3A_122 = arith.cmpi sgt, %jit3A_112, %sign3A_121 : i32
    %sign3A_123 = arith.extui %sign3A_122 : i1 to i32
    %sign3A_124 = arith.constant 0 : i32
    %sign3A_125 = arith.cmpi slt, %jit3A_112, %sign3A_124 : i32
    %sign3A_126 = arith.extui %sign3A_125 : i1 to i32
    %sign3A_127 = arith.subi %sign3A_123, %sign3A_126 : i32
    %ne3A_128 = arith.cmpi ne, %sign3A_120, %sign3A_127 : i32
    %rem3A_129 = arith.remsi %sub3A_47, %jit3A_112 : i32
    %ne3A_130 = arith.constant 0 : i32
    %ne3A_131 = arith.cmpi ne, %rem3A_129, %ne3A_130 : i32
    %and3A_132 = arith.andi %ne3A_128, %ne3A_131 : i1
    %sub3A_133 = arith.constant 1 : i32
    %sub3A_134 = arith.subi %div3A_113, %sub3A_133 : i32
    %select_n3A_135 = arith.select %and3A_132, %sub3A_134, %div3A_113 : i32
    %while3A = arith.constant 0 : i32
    %while3A_136 = arith.constant 0 : i32
    %while3A_137 = arith.subi %select_n3A_135, %while3A_136 : i32
    %while3A_138 = arith.addi %while3A_136, %while3A_137 : i32
    %while3A_139 = arith.constant 1 : i32
    %while3A_140 = arith.divsi %while3A_137, %while3A_139 : i32
    %while3A_141 = arith.muli %while3A_140, %while3A_139 : i32
    %while3A_142 = arith.addi %while3A_136, %while3A_141 : i32
    %while3A_143 = arith.constant 1 : i32
    scf.for %while3A_282 = %while3A_136 to %while3A_142 step %while3A_143  : i32 {
      %mul3A_283 = arith.constant 8 : i32
      %mul3A_284 = arith.muli %mul3A_283, %while3A_282 : i32
      %add3A_285 = arith.constant 0 : i32
      %add3A_286 = arith.addi %mul3A_284, %add3A_285 : i32
      %dma_wait3A = arith.constant 0 : i32
      %dma_wait3A_287 = tpu.memref_slice %arg5[%add3A_286, %dma_wait3A] : memref<79x128xi32, #tpu.memory_space<vmem>> -> memref<1x128xi32, #tpu.memory_space<vmem>>
      %dma_wait3A_288 = tpu.memref_squeeze %dma_wait3A_287 : memref<1x128xi32, #tpu.memory_space<vmem>> -> memref<128xi32, #tpu.memory_space<vmem>>
      %dma_wait3A_289 = arith.constant 0 : i32
      %dma_wait3A_290 = arith.constant 0 : i32
      %dma_wait3A_291 = tpu.memref_slice %arg2[%dma_wait3A_289, %dma_wait3A_290] : memref<10000x48xf32, #tpu.memory_space<hbm>> -> memref<10000x48xf32, #tpu.memory_space<hbm>>
      tpu.wait_indirect_dma semaphore(%arg16 : memref<!tpu.dma_semaphore, #tpu.memory_space<semaphore_mem>>) src(%dma_wait3A_291 : memref<10000x48xf32, #tpu.memory_space<hbm>>) dst(%arg7 : memref<128x48xf32, #tpu.memory_space<vmem>>)
      %dma_start3A = arith.constant 0 : i32
      %dma_start3A_292 = tpu.memref_slice %arg6[%add3A_286, %dma_start3A] : memref<79x128xi32, #tpu.memory_space<vmem>> -> memref<1x128xi32, #tpu.memory_space<vmem>>
      %dma_start3A_293 = tpu.memref_squeeze %dma_start3A_292 : memref<1x128xi32, #tpu.memory_space<vmem>> -> memref<128xi32, #tpu.memory_space<vmem>>
      %dma_start3A_294 = arith.constant 0 : i32
      %dma_start3A_295 = arith.constant 0 : i32
      %dma_start3A_296 = tpu.memref_slice %arg15[%dma_start3A_294, %dma_start3A_295] : memref<10000x48xf32, #tpu.memory_space<vmem_shared>> -> memref<10000x48xf32, #tpu.memory_space<vmem_shared>>
      tpu.enqueue_indirect_dma source(%arg7 : memref<128x48xf32, #tpu.memory_space<vmem>>) target(%dma_start3A_296 : memref<10000x48xf32, #tpu.memory_space<vmem_shared>>) offsets(%dma_start3A_293 : memref<128xi32, #tpu.memory_space<vmem>>) semaphore(%arg24 : memref<!tpu.dma_semaphore, #tpu.memory_space<semaphore_mem>>) {add = true}
      %mul3A_297 = arith.constant 8 : i32
      %mul3A_298 = arith.muli %mul3A_297, %while3A_282 : i32
      %add3A_299 = arith.constant 1 : i32
      %add3A_300 = arith.addi %mul3A_298, %add3A_299 : i32
      %dma_wait3A_301 = arith.constant 0 : i32
      %dma_wait3A_302 = tpu.memref_slice %arg5[%add3A_300, %dma_wait3A_301] : memref<79x128xi32, #tpu.memory_space<vmem>> -> memref<1x128xi32, #tpu.memory_space<vmem>>
      %dma_wait3A_303 = tpu.memref_squeeze %dma_wait3A_302 : memref<1x128xi32, #tpu.memory_space<vmem>> -> memref<128xi32, #tpu.memory_space<vmem>>
      %dma_wait3A_304 = arith.constant 0 : i32
      %dma_wait3A_305 = arith.constant 0 : i32
      %dma_wait3A_306 = tpu.memref_slice %arg2[%dma_wait3A_304, %dma_wait3A_305] : memref<10000x48xf32, #tpu.memory_space<hbm>> -> memref<10000x48xf32, #tpu.memory_space<hbm>>
      tpu.wait_indirect_dma semaphore(%arg17 : memref<!tpu.dma_semaphore, #tpu.memory_space<semaphore_mem>>) src(%dma_wait3A_306 : memref<10000x48xf32, #tpu.memory_space<hbm>>) dst(%arg8 : memref<128x48xf32, #tpu.memory_space<vmem>>)
      %dma_start3A_307 = arith.constant 0 : i32
      %dma_start3A_308 = tpu.memref_slice %arg6[%add3A_300, %dma_start3A_307] : memref<79x128xi32, #tpu.memory_space<vmem>> -> memref<1x128xi32, #tpu.memory_space<vmem>>
      %dma_start3A_309 = tpu.memref_squeeze %dma_start3A_308 : memref<1x128xi32, #tpu.memory_space<vmem>> -> memref<128xi32, #tpu.memory_space<vmem>>
      %dma_start3A_310 = arith.constant 0 : i32
      %dma_start3A_311 = arith.constant 0 : i32
      %dma_start3A_312 = tpu.memref_slice %arg15[%dma_start3A_310, %dma_start3A_311] : memref<10000x48xf32, #tpu.memory_space<vmem_shared>> -> memref<10000x48xf32, #tpu.memory_space<vmem_shared>>
      tpu.enqueue_indirect_dma source(%arg8 : memref<128x48xf32, #tpu.memory_space<vmem>>) target(%dma_start3A_312 : memref<10000x48xf32, #tpu.memory_space<vmem_shared>>) offsets(%dma_start3A_309 : memref<128xi32, #tpu.memory_space<vmem>>) semaphore(%arg25 : memref<!tpu.dma_semaphore, #tpu.memory_space<semaphore_mem>>) {add = true}
      %mul3A_313 = arith.constant 8 : i32
      %mul3A_314 = arith.muli %mul3A_313, %while3A_282 : i32
      %add3A_315 = arith.constant 2 : i32
      %add3A_316 = arith.addi %mul3A_314, %add3A_315 : i32
      %dma_wait3A_317 = arith.constant 0 : i32
      %dma_wait3A_318 = tpu.memref_slice %arg5[%add3A_316, %dma_wait3A_317] : memref<79x128xi32, #tpu.memory_space<vmem>> -> memref<1x128xi32, #tpu.memory_space<vmem>>
      %dma_wait3A_319 = tpu.memref_squeeze %dma_wait3A_318 : memref<1x128xi32, #tpu.memory_space<vmem>> -> memref<128xi32, #tpu.memory_space<vmem>>
      %dma_wait3A_320 = arith.constant 0 : i32
      %dma_wait3A_321 = arith.constant 0 : i32
      %dma_wait3A_322 = tpu.memref_slice %arg2[%dma_wait3A_320, %dma_wait3A_321] : memref<10000x48xf32, #tpu.memory_space<hbm>> -> memref<10000x48xf32, #tpu.memory_space<hbm>>
      tpu.wait_indirect_dma semaphore(%arg18 : memref<!tpu.dma_semaphore, #tpu.memory_space<semaphore_mem>>) src(%dma_wait3A_322 : memref<10000x48xf32, #tpu.memory_space<hbm>>) dst(%arg9 : memref<128x48xf32, #tpu.memory_space<vmem>>)
      %dma_start3A_323 = arith.constant 0 : i32
      %dma_start3A_324 = tpu.memref_slice %arg6[%add3A_316, %dma_start3A_323] : memref<79x128xi32, #tpu.memory_space<vmem>> -> memref<1x128xi32, #tpu.memory_space<vmem>>
      %dma_start3A_325 = tpu.memref_squeeze %dma_start3A_324 : memref<1x128xi32, #tpu.memory_space<vmem>> -> memref<128xi32, #tpu.memory_space<vmem>>
      %dma_start3A_326 = arith.constant 0 : i32
      %dma_start3A_327 = arith.constant 0 : i32
      %dma_start3A_328 = tpu.memref_slice %arg15[%dma_start3A_326, %dma_start3A_327] : memref<10000x48xf32, #tpu.memory_space<vmem_shared>> -> memref<10000x48xf32, #tpu.memory_space<vmem_shared>>
      tpu.enqueue_indirect_dma source(%arg9 : memref<128x48xf32, #tpu.memory_space<vmem>>) target(%dma_start3A_328 : memref<10000x48xf32, #tpu.memory_space<vmem_shared>>) offsets(%dma_start3A_325 : memref<128xi32, #tpu.memory_space<vmem>>) semaphore(%arg26 : memref<!tpu.dma_semaphore, #tpu.memory_space<semaphore_mem>>) {add = true}
      %mul3A_329 = arith.constant 8 : i32
      %mul3A_330 = arith.muli %mul3A_329, %while3A_282 : i32
      %add3A_331 = arith.constant 3 : i32
      %add3A_332 = arith.addi %mul3A_330, %add3A_331 : i32
      %dma_wait3A_333 = arith.constant 0 : i32
      %dma_wait3A_334 = tpu.memref_slice %arg5[%add3A_332, %dma_wait3A_333] : memref<79x128xi32, #tpu.memory_space<vmem>> -> memref<1x128xi32, #tpu.memory_space<vmem>>
      %dma_wait3A_335 = tpu.memref_squeeze %dma_wait3A_334 : memref<1x128xi32, #tpu.memory_space<vmem>> -> memref<128xi32, #tpu.memory_space<vmem>>
      %dma_wait3A_336 = arith.constant 0 : i32
      %dma_wait3A_337 = arith.constant 0 : i32
      %dma_wait3A_338 = tpu.memref_slice %arg2[%dma_wait3A_336, %dma_wait3A_337] : memref<10000x48xf32, #tpu.memory_space<hbm>> -> memref<10000x48xf32, #tpu.memory_space<hbm>>
      tpu.wait_indirect_dma semaphore(%arg19 : memref<!tpu.dma_semaphore, #tpu.memory_space<semaphore_mem>>) src(%dma_wait3A_338 : memref<10000x48xf32, #tpu.memory_space<hbm>>) dst(%arg10 : memref<128x48xf32, #tpu.memory_space<vmem>>)
      %dma_start3A_339 = arith.constant 0 : i32
      %dma_start3A_340 = tpu.memref_slice %arg6[%add3A_332, %dma_start3A_339] : memref<79x128xi32, #tpu.memory_space<vmem>> -> memref<1x128xi32, #tpu.memory_space<vmem>>
      %dma_start3A_341 = tpu.memref_squeeze %dma_start3A_340 : memref<1x128xi32, #tpu.memory_space<vmem>> -> memref<128xi32, #tpu.memory_space<vmem>>
      %dma_start3A_342 = arith.constant 0 : i32
      %dma_start3A_343 = arith.constant 0 : i32
      %dma_start3A_344 = tpu.memref_slice %arg15[%dma_start3A_342, %dma_start3A_343] : memref<10000x48xf32, #tpu.memory_space<vmem_shared>> -> memref<10000x48xf32, #tpu.memory_space<vmem_shared>>
      tpu.enqueue_indirect_dma source(%arg10 : memref<128x48xf32, #tpu.memory_space<vmem>>) target(%dma_start3A_344 : memref<10000x48xf32, #tpu.memory_space<vmem_shared>>) offsets(%dma_start3A_341 : memref<128xi32, #tpu.memory_space<vmem>>) semaphore(%arg27 : memref<!tpu.dma_semaphore, #tpu.memory_space<semaphore_mem>>) {add = true}
      %mul3A_345 = arith.constant 8 : i32
      %mul3A_346 = arith.muli %mul3A_345, %while3A_282 : i32
      %add3A_347 = arith.constant 4 : i32
      %add3A_348 = arith.addi %mul3A_346, %add3A_347 : i32
      %dma_wait3A_349 = arith.constant 0 : i32
      %dma_wait3A_350 = tpu.memref_slice %arg5[%add3A_348, %dma_wait3A_349] : memref<79x128xi32, #tpu.memory_space<vmem>> -> memref<1x128xi32, #tpu.memory_space<vmem>>
      %dma_wait3A_351 = tpu.memref_squeeze %dma_wait3A_350 : memref<1x128xi32, #tpu.memory_space<vmem>> -> memref<128xi32, #tpu.memory_space<vmem>>
      %dma_wait3A_352 = arith.constant 0 : i32
      %dma_wait3A_353 = arith.constant 0 : i32
      %dma_wait3A_354 = tpu.memref_slice %arg2[%dma_wait3A_352, %dma_wait3A_353] : memref<10000x48xf32, #tpu.memory_space<hbm>> -> memref<10000x48xf32, #tpu.memory_space<hbm>>
      tpu.wait_indirect_dma semaphore(%arg20 : memref<!tpu.dma_semaphore, #tpu.memory_space<semaphore_mem>>) src(%dma_wait3A_354 : memref<10000x48xf32, #tpu.memory_space<hbm>>) dst(%arg11 : memref<128x48xf32, #tpu.memory_space<vmem>>)
      %dma_start3A_355 = arith.constant 0 : i32
      %dma_start3A_356 = tpu.memref_slice %arg6[%add3A_348, %dma_start3A_355] : memref<79x128xi32, #tpu.memory_space<vmem>> -> memref<1x128xi32, #tpu.memory_space<vmem>>
      %dma_start3A_357 = tpu.memref_squeeze %dma_start3A_356 : memref<1x128xi32, #tpu.memory_space<vmem>> -> memref<128xi32, #tpu.memory_space<vmem>>
      %dma_start3A_358 = arith.constant 0 : i32
      %dma_start3A_359 = arith.constant 0 : i32
      %dma_start3A_360 = tpu.memref_slice %arg15[%dma_start3A_358, %dma_start3A_359] : memref<10000x48xf32, #tpu.memory_space<vmem_shared>> -> memref<10000x48xf32, #tpu.memory_space<vmem_shared>>
      tpu.enqueue_indirect_dma source(%arg11 : memref<128x48xf32, #tpu.memory_space<vmem>>) target(%dma_start3A_360 : memref<10000x48xf32, #tpu.memory_space<vmem_shared>>) offsets(%dma_start3A_357 : memref<128xi32, #tpu.memory_space<vmem>>) semaphore(%arg28 : memref<!tpu.dma_semaphore, #tpu.memory_space<semaphore_mem>>) {add = true}
      %mul3A_361 = arith.constant 8 : i32
      %mul3A_362 = arith.muli %mul3A_361, %while3A_282 : i32
      %add3A_363 = arith.constant 5 : i32
      %add3A_364 = arith.addi %mul3A_362, %add3A_363 : i32
      %dma_wait3A_365 = arith.constant 0 : i32
      %dma_wait3A_366 = tpu.memref_slice %arg5[%add3A_364, %dma_wait3A_365] : memref<79x128xi32, #tpu.memory_space<vmem>> -> memref<1x128xi32, #tpu.memory_space<vmem>>
      %dma_wait3A_367 = tpu.memref_squeeze %dma_wait3A_366 : memref<1x128xi32, #tpu.memory_space<vmem>> -> memref<128xi32, #tpu.memory_space<vmem>>
      %dma_wait3A_368 = arith.constant 0 : i32
      %dma_wait3A_369 = arith.constant 0 : i32
      %dma_wait3A_370 = tpu.memref_slice %arg2[%dma_wait3A_368, %dma_wait3A_369] : memref<10000x48xf32, #tpu.memory_space<hbm>> -> memref<10000x48xf32, #tpu.memory_space<hbm>>
      tpu.wait_indirect_dma semaphore(%arg21 : memref<!tpu.dma_semaphore, #tpu.memory_space<semaphore_mem>>) src(%dma_wait3A_370 : memref<10000x48xf32, #tpu.memory_space<hbm>>) dst(%arg12 : memref<128x48xf32, #tpu.memory_space<vmem>>)
      %dma_start3A_371 = arith.constant 0 : i32
      %dma_start3A_372 = tpu.memref_slice %arg6[%add3A_364, %dma_start3A_371] : memref<79x128xi32, #tpu.memory_space<vmem>> -> memref<1x128xi32, #tpu.memory_space<vmem>>
      %dma_start3A_373 = tpu.memref_squeeze %dma_start3A_372 : memref<1x128xi32, #tpu.memory_space<vmem>> -> memref<128xi32, #tpu.memory_space<vmem>>
      %dma_start3A_374 = arith.constant 0 : i32
      %dma_start3A_375 = arith.constant 0 : i32
      %dma_start3A_376 = tpu.memref_slice %arg15[%dma_start3A_374, %dma_start3A_375] : memref<10000x48xf32, #tpu.memory_space<vmem_shared>> -> memref<10000x48xf32, #tpu.memory_space<vmem_shared>>
      tpu.enqueue_indirect_dma source(%arg12 : memref<128x48xf32, #tpu.memory_space<vmem>>) target(%dma_start3A_376 : memref<10000x48xf32, #tpu.memory_space<vmem_shared>>) offsets(%dma_start3A_373 : memref<128xi32, #tpu.memory_space<vmem>>) semaphore(%arg29 : memref<!tpu.dma_semaphore, #tpu.memory_space<semaphore_mem>>) {add = true}
      %mul3A_377 = arith.constant 8 : i32
      %mul3A_378 = arith.muli %mul3A_377, %while3A_282 : i32
      %add3A_379 = arith.constant 6 : i32
      %add3A_380 = arith.addi %mul3A_378, %add3A_379 : i32
      %dma_wait3A_381 = arith.constant 0 : i32
      %dma_wait3A_382 = tpu.memref_slice %arg5[%add3A_380, %dma_wait3A_381] : memref<79x128xi32, #tpu.memory_space<vmem>> -> memref<1x128xi32, #tpu.memory_space<vmem>>
      %dma_wait3A_383 = tpu.memref_squeeze %dma_wait3A_382 : memref<1x128xi32, #tpu.memory_space<vmem>> -> memref<128xi32, #tpu.memory_space<vmem>>
      %dma_wait3A_384 = arith.constant 0 : i32
      %dma_wait3A_385 = arith.constant 0 : i32
      %dma_wait3A_386 = tpu.memref_slice %arg2[%dma_wait3A_384, %dma_wait3A_385] : memref<10000x48xf32, #tpu.memory_space<hbm>> -> memref<10000x48xf32, #tpu.memory_space<hbm>>
      tpu.wait_indirect_dma semaphore(%arg22 : memref<!tpu.dma_semaphore, #tpu.memory_space<semaphore_mem>>) src(%dma_wait3A_386 : memref<10000x48xf32, #tpu.memory_space<hbm>>) dst(%arg13 : memref<128x48xf32, #tpu.memory_space<vmem>>)
      %dma_start3A_387 = arith.constant 0 : i32
      %dma_start3A_388 = tpu.memref_slice %arg6[%add3A_380, %dma_start3A_387] : memref<79x128xi32, #tpu.memory_space<vmem>> -> memref<1x128xi32, #tpu.memory_space<vmem>>
      %dma_start3A_389 = tpu.memref_squeeze %dma_start3A_388 : memref<1x128xi32, #tpu.memory_space<vmem>> -> memref<128xi32, #tpu.memory_space<vmem>>
      %dma_start3A_390 = arith.constant 0 : i32
      %dma_start3A_391 = arith.constant 0 : i32
      %dma_start3A_392 = tpu.memref_slice %arg15[%dma_start3A_390, %dma_start3A_391] : memref<10000x48xf32, #tpu.memory_space<vmem_shared>> -> memref<10000x48xf32, #tpu.memory_space<vmem_shared>>
      tpu.enqueue_indirect_dma source(%arg13 : memref<128x48xf32, #tpu.memory_space<vmem>>) target(%dma_start3A_392 : memref<10000x48xf32, #tpu.memory_space<vmem_shared>>) offsets(%dma_start3A_389 : memref<128xi32, #tpu.memory_space<vmem>>) semaphore(%arg30 : memref<!tpu.dma_semaphore, #tpu.memory_space<semaphore_mem>>) {add = true}
      %mul3A_393 = arith.constant 8 : i32
      %mul3A_394 = arith.muli %mul3A_393, %while3A_282 : i32
      %add3A_395 = arith.constant 7 : i32
      %add3A_396 = arith.addi %mul3A_394, %add3A_395 : i32
      %dma_wait3A_397 = arith.constant 0 : i32
      %dma_wait3A_398 = tpu.memref_slice %arg5[%add3A_396, %dma_wait3A_397] : memref<79x128xi32, #tpu.memory_space<vmem>> -> memref<1x128xi32, #tpu.memory_space<vmem>>
      %dma_wait3A_399 = tpu.memref_squeeze %dma_wait3A_398 : memref<1x128xi32, #tpu.memory_space<vmem>> -> memref<128xi32, #tpu.memory_space<vmem>>
      %dma_wait3A_400 = arith.constant 0 : i32
      %dma_wait3A_401 = arith.constant 0 : i32
      %dma_wait3A_402 = tpu.memref_slice %arg2[%dma_wait3A_400, %dma_wait3A_401] : memref<10000x48xf32, #tpu.memory_space<hbm>> -> memref<10000x48xf32, #tpu.memory_space<hbm>>
      tpu.wait_indirect_dma semaphore(%arg23 : memref<!tpu.dma_semaphore, #tpu.memory_space<semaphore_mem>>) src(%dma_wait3A_402 : memref<10000x48xf32, #tpu.memory_space<hbm>>) dst(%arg14 : memref<128x48xf32, #tpu.memory_space<vmem>>)
      %dma_start3A_403 = arith.constant 0 : i32
      %dma_start3A_404 = tpu.memref_slice %arg6[%add3A_396, %dma_start3A_403] : memref<79x128xi32, #tpu.memory_space<vmem>> -> memref<1x128xi32, #tpu.memory_space<vmem>>
      %dma_start3A_405 = tpu.memref_squeeze %dma_start3A_404 : memref<1x128xi32, #tpu.memory_space<vmem>> -> memref<128xi32, #tpu.memory_space<vmem>>
      %dma_start3A_406 = arith.constant 0 : i32
      %dma_start3A_407 = arith.constant 0 : i32
      %dma_start3A_408 = tpu.memref_slice %arg15[%dma_start3A_406, %dma_start3A_407] : memref<10000x48xf32, #tpu.memory_space<vmem_shared>> -> memref<10000x48xf32, #tpu.memory_space<vmem_shared>>
      tpu.enqueue_indirect_dma source(%arg14 : memref<128x48xf32, #tpu.memory_space<vmem>>) target(%dma_start3A_408 : memref<10000x48xf32, #tpu.memory_space<vmem_shared>>) offsets(%dma_start3A_405 : memref<128xi32, #tpu.memory_space<vmem>>) semaphore(%arg31 : memref<!tpu.dma_semaphore, #tpu.memory_space<semaphore_mem>>) {add = true}
      %mul3A_409 = arith.constant 8 : i32
      %mul3A_410 = arith.muli %mul3A_409, %while3A_282 : i32
      %add3A_411 = arith.constant 8 : i32
      %add3A_412 = arith.addi %mul3A_410, %add3A_411 : i32
      %add3A_413 = arith.constant 0 : i32
      %add3A_414 = arith.addi %add3A_412, %add3A_413 : i32
      %lt3A_415 = arith.cmpi slt, %add3A_414, %sub3A_47 : i32
      %convert_element_type3A_416 = arith.extui %lt3A_415 : i1 to i32
      %cond3A_417 = arith.constant 0 : i32
      %cond3A_418 = arith.cmpi ne, %convert_element_type3A_416, %cond3A_417 : i32
      scf.if %cond3A_418 {
        %sub3A_489 = arith.constant 8 : i32
        %sub3A_490 = arith.subi %add3A_414, %sub3A_489 : i32
        %dma_wait3A_491 = arith.constant 0 : i32
        %dma_wait3A_492 = tpu.memref_slice %arg6[%sub3A_490, %dma_wait3A_491] : memref<79x128xi32, #tpu.memory_space<vmem>> -> memref<1x128xi32, #tpu.memory_space<vmem>>
        %dma_wait3A_493 = tpu.memref_squeeze %dma_wait3A_492 : memref<1x128xi32, #tpu.memory_space<vmem>> -> memref<128xi32, #tpu.memory_space<vmem>>
        %dma_wait3A_494 = arith.constant 0 : i32
        %dma_wait3A_495 = arith.constant 0 : i32
        %dma_wait3A_496 = tpu.memref_slice %arg15[%dma_wait3A_494, %dma_wait3A_495] : memref<10000x48xf32, #tpu.memory_space<vmem_shared>> -> memref<10000x48xf32, #tpu.memory_space<vmem_shared>>
        tpu.wait_indirect_dma semaphore(%arg24 : memref<!tpu.dma_semaphore, #tpu.memory_space<semaphore_mem>>) src(%arg7 : memref<128x48xf32, #tpu.memory_space<vmem>>) dst(%dma_wait3A_496 : memref<10000x48xf32, #tpu.memory_space<vmem_shared>>)
        %dma_start3A_497 = arith.constant 0 : i32
        %dma_start3A_498 = tpu.memref_slice %arg5[%add3A_414, %dma_start3A_497] : memref<79x128xi32, #tpu.memory_space<vmem>> -> memref<1x128xi32, #tpu.memory_space<vmem>>
        %dma_start3A_499 = tpu.memref_squeeze %dma_start3A_498 : memref<1x128xi32, #tpu.memory_space<vmem>> -> memref<128xi32, #tpu.memory_space<vmem>>
        %dma_start3A_500 = arith.constant 0 : i32
        %dma_start3A_501 = arith.constant 0 : i32
        %dma_start3A_502 = tpu.memref_slice %arg2[%dma_start3A_500, %dma_start3A_501] : memref<10000x48xf32, #tpu.memory_space<hbm>> -> memref<10000x48xf32, #tpu.memory_space<hbm>>
        tpu.enqueue_indirect_dma source(%dma_start3A_502 : memref<10000x48xf32, #tpu.memory_space<hbm>>) target(%arg7 : memref<128x48xf32, #tpu.memory_space<vmem>>) offsets(%dma_start3A_499 : memref<128xi32, #tpu.memory_space<vmem>>) semaphore(%arg16 : memref<!tpu.dma_semaphore, #tpu.memory_space<semaphore_mem>>)
      } else {
      }
      %mul3A_419 = arith.constant 8 : i32
      %mul3A_420 = arith.muli %mul3A_419, %while3A_282 : i32
      %add3A_421 = arith.constant 8 : i32
      %add3A_422 = arith.addi %mul3A_420, %add3A_421 : i32
      %add3A_423 = arith.constant 1 : i32
      %add3A_424 = arith.addi %add3A_422, %add3A_423 : i32
      %lt3A_425 = arith.cmpi slt, %add3A_424, %sub3A_47 : i32
      %convert_element_type3A_426 = arith.extui %lt3A_425 : i1 to i32
      %cond3A_427 = arith.constant 0 : i32
      %cond3A_428 = arith.cmpi ne, %convert_element_type3A_426, %cond3A_427 : i32
      scf.if %cond3A_428 {
        %sub3A_489 = arith.constant 8 : i32
        %sub3A_490 = arith.subi %add3A_424, %sub3A_489 : i32
        %dma_wait3A_491 = arith.constant 0 : i32
        %dma_wait3A_492 = tpu.memref_slice %arg6[%sub3A_490, %dma_wait3A_491] : memref<79x128xi32, #tpu.memory_space<vmem>> -> memref<1x128xi32, #tpu.memory_space<vmem>>
        %dma_wait3A_493 = tpu.memref_squeeze %dma_wait3A_492 : memref<1x128xi32, #tpu.memory_space<vmem>> -> memref<128xi32, #tpu.memory_space<vmem>>
        %dma_wait3A_494 = arith.constant 0 : i32
        %dma_wait3A_495 = arith.constant 0 : i32
        %dma_wait3A_496 = tpu.memref_slice %arg15[%dma_wait3A_494, %dma_wait3A_495] : memref<10000x48xf32, #tpu.memory_space<vmem_shared>> -> memref<10000x48xf32, #tpu.memory_space<vmem_shared>>
        tpu.wait_indirect_dma semaphore(%arg25 : memref<!tpu.dma_semaphore, #tpu.memory_space<semaphore_mem>>) src(%arg8 : memref<128x48xf32, #tpu.memory_space<vmem>>) dst(%dma_wait3A_496 : memref<10000x48xf32, #tpu.memory_space<vmem_shared>>)
        %dma_start3A_497 = arith.constant 0 : i32
        %dma_start3A_498 = tpu.memref_slice %arg5[%add3A_424, %dma_start3A_497] : memref<79x128xi32, #tpu.memory_space<vmem>> -> memref<1x128xi32, #tpu.memory_space<vmem>>
        %dma_start3A_499 = tpu.memref_squeeze %dma_start3A_498 : memref<1x128xi32, #tpu.memory_space<vmem>> -> memref<128xi32, #tpu.memory_space<vmem>>
        %dma_start3A_500 = arith.constant 0 : i32
        %dma_start3A_501 = arith.constant 0 : i32
        %dma_start3A_502 = tpu.memref_slice %arg2[%dma_start3A_500, %dma_start3A_501] : memref<10000x48xf32, #tpu.memory_space<hbm>> -> memref<10000x48xf32, #tpu.memory_space<hbm>>
        tpu.enqueue_indirect_dma source(%dma_start3A_502 : memref<10000x48xf32, #tpu.memory_space<hbm>>) target(%arg8 : memref<128x48xf32, #tpu.memory_space<vmem>>) offsets(%dma_start3A_499 : memref<128xi32, #tpu.memory_space<vmem>>) semaphore(%arg17 : memref<!tpu.dma_semaphore, #tpu.memory_space<semaphore_mem>>)
      } else {
      }
      %mul3A_429 = arith.constant 8 : i32
      %mul3A_430 = arith.muli %mul3A_429, %while3A_282 : i32
      %add3A_431 = arith.constant 8 : i32
      %add3A_432 = arith.addi %mul3A_430, %add3A_431 : i32
      %add3A_433 = arith.constant 2 : i32
      %add3A_434 = arith.addi %add3A_432, %add3A_433 : i32
      %lt3A_435 = arith.cmpi slt, %add3A_434, %sub3A_47 : i32
      %convert_element_type3A_436 = arith.extui %lt3A_435 : i1 to i32
      %cond3A_437 = arith.constant 0 : i32
      %cond3A_438 = arith.cmpi ne, %convert_element_type3A_436, %cond3A_437 : i32
      scf.if %cond3A_438 {
        %sub3A_489 = arith.constant 8 : i32
        %sub3A_490 = arith.subi %add3A_434, %sub3A_489 : i32
        %dma_wait3A_491 = arith.constant 0 : i32
        %dma_wait3A_492 = tpu.memref_slice %arg6[%sub3A_490, %dma_wait3A_491] : memref<79x128xi32, #tpu.memory_space<vmem>> -> memref<1x128xi32, #tpu.memory_space<vmem>>
        %dma_wait3A_493 = tpu.memref_squeeze %dma_wait3A_492 : memref<1x128xi32, #tpu.memory_space<vmem>> -> memref<128xi32, #tpu.memory_space<vmem>>
        %dma_wait3A_494 = arith.constant 0 : i32
        %dma_wait3A_495 = arith.constant 0 : i32
        %dma_wait3A_496 = tpu.memref_slice %arg15[%dma_wait3A_494, %dma_wait3A_495] : memref<10000x48xf32, #tpu.memory_space<vmem_shared>> -> memref<10000x48xf32, #tpu.memory_space<vmem_shared>>
        tpu.wait_indirect_dma semaphore(%arg26 : memref<!tpu.dma_semaphore, #tpu.memory_space<semaphore_mem>>) src(%arg9 : memref<128x48xf32, #tpu.memory_space<vmem>>) dst(%dma_wait3A_496 : memref<10000x48xf32, #tpu.memory_space<vmem_shared>>)
        %dma_start3A_497 = arith.constant 0 : i32
        %dma_start3A_498 = tpu.memref_slice %arg5[%add3A_434, %dma_start3A_497] : memref<79x128xi32, #tpu.memory_space<vmem>> -> memref<1x128xi32, #tpu.memory_space<vmem>>
        %dma_start3A_499 = tpu.memref_squeeze %dma_start3A_498 : memref<1x128xi32, #tpu.memory_space<vmem>> -> memref<128xi32, #tpu.memory_space<vmem>>
        %dma_start3A_500 = arith.constant 0 : i32
        %dma_start3A_501 = arith.constant 0 : i32
        %dma_start3A_502 = tpu.memref_slice %arg2[%dma_start3A_500, %dma_start3A_501] : memref<10000x48xf32, #tpu.memory_space<hbm>> -> memref<10000x48xf32, #tpu.memory_space<hbm>>
        tpu.enqueue_indirect_dma source(%dma_start3A_502 : memref<10000x48xf32, #tpu.memory_space<hbm>>) target(%arg9 : memref<128x48xf32, #tpu.memory_space<vmem>>) offsets(%dma_start3A_499 : memref<128xi32, #tpu.memory_space<vmem>>) semaphore(%arg18 : memref<!tpu.dma_semaphore, #tpu.memory_space<semaphore_mem>>)
      } else {
      }
      %mul3A_439 = arith.constant 8 : i32
      %mul3A_440 = arith.muli %mul3A_439, %while3A_282 : i32
      %add3A_441 = arith.constant 8 : i32
      %add3A_442 = arith.addi %mul3A_440, %add3A_441 : i32
      %add3A_443 = arith.constant 3 : i32
      %add3A_444 = arith.addi %add3A_442, %add3A_443 : i32
      %lt3A_445 = arith.cmpi slt, %add3A_444, %sub3A_47 : i32
      %convert_element_type3A_446 = arith.extui %lt3A_445 : i1 to i32
      %cond3A_447 = arith.constant 0 : i32
      %cond3A_448 = arith.cmpi ne, %convert_element_type3A_446, %cond3A_447 : i32
      scf.if %cond3A_448 {
        %sub3A_489 = arith.constant 8 : i32
        %sub3A_490 = arith.subi %add3A_444, %sub3A_489 : i32
        %dma_wait3A_491 = arith.constant 0 : i32
        %dma_wait3A_492 = tpu.memref_slice %arg6[%sub3A_490, %dma_wait3A_491] : memref<79x128xi32, #tpu.memory_space<vmem>> -> memref<1x128xi32, #tpu.memory_space<vmem>>
        %dma_wait3A_493 = tpu.memref_squeeze %dma_wait3A_492 : memref<1x128xi32, #tpu.memory_space<vmem>> -> memref<128xi32, #tpu.memory_space<vmem>>
        %dma_wait3A_494 = arith.constant 0 : i32
        %dma_wait3A_495 = arith.constant 0 : i32
        %dma_wait3A_496 = tpu.memref_slice %arg15[%dma_wait3A_494, %dma_wait3A_495] : memref<10000x48xf32, #tpu.memory_space<vmem_shared>> -> memref<10000x48xf32, #tpu.memory_space<vmem_shared>>
        tpu.wait_indirect_dma semaphore(%arg27 : memref<!tpu.dma_semaphore, #tpu.memory_space<semaphore_mem>>) src(%arg10 : memref<128x48xf32, #tpu.memory_space<vmem>>) dst(%dma_wait3A_496 : memref<10000x48xf32, #tpu.memory_space<vmem_shared>>)
        %dma_start3A_497 = arith.constant 0 : i32
        %dma_start3A_498 = tpu.memref_slice %arg5[%add3A_444, %dma_start3A_497] : memref<79x128xi32, #tpu.memory_space<vmem>> -> memref<1x128xi32, #tpu.memory_space<vmem>>
        %dma_start3A_499 = tpu.memref_squeeze %dma_start3A_498 : memref<1x128xi32, #tpu.memory_space<vmem>> -> memref<128xi32, #tpu.memory_space<vmem>>
        %dma_start3A_500 = arith.constant 0 : i32
        %dma_start3A_501 = arith.constant 0 : i32
        %dma_start3A_502 = tpu.memref_slice %arg2[%dma_start3A_500, %dma_start3A_501] : memref<10000x48xf32, #tpu.memory_space<hbm>> -> memref<10000x48xf32, #tpu.memory_space<hbm>>
        tpu.enqueue_indirect_dma source(%dma_start3A_502 : memref<10000x48xf32, #tpu.memory_space<hbm>>) target(%arg10 : memref<128x48xf32, #tpu.memory_space<vmem>>) offsets(%dma_start3A_499 : memref<128xi32, #tpu.memory_space<vmem>>) semaphore(%arg19 : memref<!tpu.dma_semaphore, #tpu.memory_space<semaphore_mem>>)
      } else {
      }
      %mul3A_449 = arith.constant 8 : i32
      %mul3A_450 = arith.muli %mul3A_449, %while3A_282 : i32
      %add3A_451 = arith.constant 8 : i32
      %add3A_452 = arith.addi %mul3A_450, %add3A_451 : i32
      %add3A_453 = arith.constant 4 : i32
      %add3A_454 = arith.addi %add3A_452, %add3A_453 : i32
      %lt3A_455 = arith.cmpi slt, %add3A_454, %sub3A_47 : i32
      %convert_element_type3A_456 = arith.extui %lt3A_455 : i1 to i32
      %cond3A_457 = arith.constant 0 : i32
      %cond3A_458 = arith.cmpi ne, %convert_element_type3A_456, %cond3A_457 : i32
      scf.if %cond3A_458 {
        %sub3A_489 = arith.constant 8 : i32
        %sub3A_490 = arith.subi %add3A_454, %sub3A_489 : i32
        %dma_wait3A_491 = arith.constant 0 : i32
        %dma_wait3A_492 = tpu.memref_slice %arg6[%sub3A_490, %dma_wait3A_491] : memref<79x128xi32, #tpu.memory_space<vmem>> -> memref<1x128xi32, #tpu.memory_space<vmem>>
        %dma_wait3A_493 = tpu.memref_squeeze %dma_wait3A_492 : memref<1x128xi32, #tpu.memory_space<vmem>> -> memref<128xi32, #tpu.memory_space<vmem>>
        %dma_wait3A_494 = arith.constant 0 : i32
        %dma_wait3A_495 = arith.constant 0 : i32
        %dma_wait3A_496 = tpu.memref_slice %arg15[%dma_wait3A_494, %dma_wait3A_495] : memref<10000x48xf32, #tpu.memory_space<vmem_shared>> -> memref<10000x48xf32, #tpu.memory_space<vmem_shared>>
        tpu.wait_indirect_dma semaphore(%arg28 : memref<!tpu.dma_semaphore, #tpu.memory_space<semaphore_mem>>) src(%arg11 : memref<128x48xf32, #tpu.memory_space<vmem>>) dst(%dma_wait3A_496 : memref<10000x48xf32, #tpu.memory_space<vmem_shared>>)
        %dma_start3A_497 = arith.constant 0 : i32
        %dma_start3A_498 = tpu.memref_slice %arg5[%add3A_454, %dma_start3A_497] : memref<79x128xi32, #tpu.memory_space<vmem>> -> memref<1x128xi32, #tpu.memory_space<vmem>>
        %dma_start3A_499 = tpu.memref_squeeze %dma_start3A_498 : memref<1x128xi32, #tpu.memory_space<vmem>> -> memref<128xi32, #tpu.memory_space<vmem>>
        %dma_start3A_500 = arith.constant 0 : i32
        %dma_start3A_501 = arith.constant 0 : i32
        %dma_start3A_502 = tpu.memref_slice %arg2[%dma_start3A_500, %dma_start3A_501] : memref<10000x48xf32, #tpu.memory_space<hbm>> -> memref<10000x48xf32, #tpu.memory_space<hbm>>
        tpu.enqueue_indirect_dma source(%dma_start3A_502 : memref<10000x48xf32, #tpu.memory_space<hbm>>) target(%arg11 : memref<128x48xf32, #tpu.memory_space<vmem>>) offsets(%dma_start3A_499 : memref<128xi32, #tpu.memory_space<vmem>>) semaphore(%arg20 : memref<!tpu.dma_semaphore, #tpu.memory_space<semaphore_mem>>)
      } else {
      }
      %mul3A_459 = arith.constant 8 : i32
      %mul3A_460 = arith.muli %mul3A_459, %while3A_282 : i32
      %add3A_461 = arith.constant 8 : i32
      %add3A_462 = arith.addi %mul3A_460, %add3A_461 : i32
      %add3A_463 = arith.constant 5 : i32
      %add3A_464 = arith.addi %add3A_462, %add3A_463 : i32
      %lt3A_465 = arith.cmpi slt, %add3A_464, %sub3A_47 : i32
      %convert_element_type3A_466 = arith.extui %lt3A_465 : i1 to i32
      %cond3A_467 = arith.constant 0 : i32
      %cond3A_468 = arith.cmpi ne, %convert_element_type3A_466, %cond3A_467 : i32
      scf.if %cond3A_468 {
        %sub3A_489 = arith.constant 8 : i32
        %sub3A_490 = arith.subi %add3A_464, %sub3A_489 : i32
        %dma_wait3A_491 = arith.constant 0 : i32
        %dma_wait3A_492 = tpu.memref_slice %arg6[%sub3A_490, %dma_wait3A_491] : memref<79x128xi32, #tpu.memory_space<vmem>> -> memref<1x128xi32, #tpu.memory_space<vmem>>
        %dma_wait3A_493 = tpu.memref_squeeze %dma_wait3A_492 : memref<1x128xi32, #tpu.memory_space<vmem>> -> memref<128xi32, #tpu.memory_space<vmem>>
        %dma_wait3A_494 = arith.constant 0 : i32
        %dma_wait3A_495 = arith.constant 0 : i32
        %dma_wait3A_496 = tpu.memref_slice %arg15[%dma_wait3A_494, %dma_wait3A_495] : memref<10000x48xf32, #tpu.memory_space<vmem_shared>> -> memref<10000x48xf32, #tpu.memory_space<vmem_shared>>
        tpu.wait_indirect_dma semaphore(%arg29 : memref<!tpu.dma_semaphore, #tpu.memory_space<semaphore_mem>>) src(%arg12 : memref<128x48xf32, #tpu.memory_space<vmem>>) dst(%dma_wait3A_496 : memref<10000x48xf32, #tpu.memory_space<vmem_shared>>)
        %dma_start3A_497 = arith.constant 0 : i32
        %dma_start3A_498 = tpu.memref_slice %arg5[%add3A_464, %dma_start3A_497] : memref<79x128xi32, #tpu.memory_space<vmem>> -> memref<1x128xi32, #tpu.memory_space<vmem>>
        %dma_start3A_499 = tpu.memref_squeeze %dma_start3A_498 : memref<1x128xi32, #tpu.memory_space<vmem>> -> memref<128xi32, #tpu.memory_space<vmem>>
        %dma_start3A_500 = arith.constant 0 : i32
        %dma_start3A_501 = arith.constant 0 : i32
        %dma_start3A_502 = tpu.memref_slice %arg2[%dma_start3A_500, %dma_start3A_501] : memref<10000x48xf32, #tpu.memory_space<hbm>> -> memref<10000x48xf32, #tpu.memory_space<hbm>>
        tpu.enqueue_indirect_dma source(%dma_start3A_502 : memref<10000x48xf32, #tpu.memory_space<hbm>>) target(%arg12 : memref<128x48xf32, #tpu.memory_space<vmem>>) offsets(%dma_start3A_499 : memref<128xi32, #tpu.memory_space<vmem>>) semaphore(%arg21 : memref<!tpu.dma_semaphore, #tpu.memory_space<semaphore_mem>>)
      } else {
      }
      %mul3A_469 = arith.constant 8 : i32
      %mul3A_470 = arith.muli %mul3A_469, %while3A_282 : i32
      %add3A_471 = arith.constant 8 : i32
      %add3A_472 = arith.addi %mul3A_470, %add3A_471 : i32
      %add3A_473 = arith.constant 6 : i32
      %add3A_474 = arith.addi %add3A_472, %add3A_473 : i32
      %lt3A_475 = arith.cmpi slt, %add3A_474, %sub3A_47 : i32
      %convert_element_type3A_476 = arith.extui %lt3A_475 : i1 to i32
      %cond3A_477 = arith.constant 0 : i32
      %cond3A_478 = arith.cmpi ne, %convert_element_type3A_476, %cond3A_477 : i32
      scf.if %cond3A_478 {
        %sub3A_489 = arith.constant 8 : i32
        %sub3A_490 = arith.subi %add3A_474, %sub3A_489 : i32
        %dma_wait3A_491 = arith.constant 0 : i32
        %dma_wait3A_492 = tpu.memref_slice %arg6[%sub3A_490, %dma_wait3A_491] : memref<79x128xi32, #tpu.memory_space<vmem>> -> memref<1x128xi32, #tpu.memory_space<vmem>>
        %dma_wait3A_493 = tpu.memref_squeeze %dma_wait3A_492 : memref<1x128xi32, #tpu.memory_space<vmem>> -> memref<128xi32, #tpu.memory_space<vmem>>
        %dma_wait3A_494 = arith.constant 0 : i32
        %dma_wait3A_495 = arith.constant 0 : i32
        %dma_wait3A_496 = tpu.memref_slice %arg15[%dma_wait3A_494, %dma_wait3A_495] : memref<10000x48xf32, #tpu.memory_space<vmem_shared>> -> memref<10000x48xf32, #tpu.memory_space<vmem_shared>>
        tpu.wait_indirect_dma semaphore(%arg30 : memref<!tpu.dma_semaphore, #tpu.memory_space<semaphore_mem>>) src(%arg13 : memref<128x48xf32, #tpu.memory_space<vmem>>) dst(%dma_wait3A_496 : memref<10000x48xf32, #tpu.memory_space<vmem_shared>>)
        %dma_start3A_497 = arith.constant 0 : i32
        %dma_start3A_498 = tpu.memref_slice %arg5[%add3A_474, %dma_start3A_497] : memref<79x128xi32, #tpu.memory_space<vmem>> -> memref<1x128xi32, #tpu.memory_space<vmem>>
        %dma_start3A_499 = tpu.memref_squeeze %dma_start3A_498 : memref<1x128xi32, #tpu.memory_space<vmem>> -> memref<128xi32, #tpu.memory_space<vmem>>
        %dma_start3A_500 = arith.constant 0 : i32
        %dma_start3A_501 = arith.constant 0 : i32
        %dma_start3A_502 = tpu.memref_slice %arg2[%dma_start3A_500, %dma_start3A_501] : memref<10000x48xf32, #tpu.memory_space<hbm>> -> memref<10000x48xf32, #tpu.memory_space<hbm>>
        tpu.enqueue_indirect_dma source(%dma_start3A_502 : memref<10000x48xf32, #tpu.memory_space<hbm>>) target(%arg13 : memref<128x48xf32, #tpu.memory_space<vmem>>) offsets(%dma_start3A_499 : memref<128xi32, #tpu.memory_space<vmem>>) semaphore(%arg22 : memref<!tpu.dma_semaphore, #tpu.memory_space<semaphore_mem>>)
      } else {
      }
      %mul3A_479 = arith.constant 8 : i32
      %mul3A_480 = arith.muli %mul3A_479, %while3A_282 : i32
      %add3A_481 = arith.constant 8 : i32
      %add3A_482 = arith.addi %mul3A_480, %add3A_481 : i32
      %add3A_483 = arith.constant 7 : i32
      %add3A_484 = arith.addi %add3A_482, %add3A_483 : i32
      %lt3A_485 = arith.cmpi slt, %add3A_484, %sub3A_47 : i32
      %convert_element_type3A_486 = arith.extui %lt3A_485 : i1 to i32
      %cond3A_487 = arith.constant 0 : i32
      %cond3A_488 = arith.cmpi ne, %convert_element_type3A_486, %cond3A_487 : i32
      scf.if %cond3A_488 {
        %sub3A_489 = arith.constant 8 : i32
        %sub3A_490 = arith.subi %add3A_484, %sub3A_489 : i32
        %dma_wait3A_491 = arith.constant 0 : i32
        %dma_wait3A_492 = tpu.memref_slice %arg6[%sub3A_490, %dma_wait3A_491] : memref<79x128xi32, #tpu.memory_space<vmem>> -> memref<1x128xi32, #tpu.memory_space<vmem>>
        %dma_wait3A_493 = tpu.memref_squeeze %dma_wait3A_492 : memref<1x128xi32, #tpu.memory_space<vmem>> -> memref<128xi32, #tpu.memory_space<vmem>>
        %dma_wait3A_494 = arith.constant 0 : i32
        %dma_wait3A_495 = arith.constant 0 : i32
        %dma_wait3A_496 = tpu.memref_slice %arg15[%dma_wait3A_494, %dma_wait3A_495] : memref<10000x48xf32, #tpu.memory_space<vmem_shared>> -> memref<10000x48xf32, #tpu.memory_space<vmem_shared>>
        tpu.wait_indirect_dma semaphore(%arg31 : memref<!tpu.dma_semaphore, #tpu.memory_space<semaphore_mem>>) src(%arg14 : memref<128x48xf32, #tpu.memory_space<vmem>>) dst(%dma_wait3A_496 : memref<10000x48xf32, #tpu.memory_space<vmem_shared>>)
        %dma_start3A_497 = arith.constant 0 : i32
        %dma_start3A_498 = tpu.memref_slice %arg5[%add3A_484, %dma_start3A_497] : memref<79x128xi32, #tpu.memory_space<vmem>> -> memref<1x128xi32, #tpu.memory_space<vmem>>
        %dma_start3A_499 = tpu.memref_squeeze %dma_start3A_498 : memref<1x128xi32, #tpu.memory_space<vmem>> -> memref<128xi32, #tpu.memory_space<vmem>>
        %dma_start3A_500 = arith.constant 0 : i32
        %dma_start3A_501 = arith.constant 0 : i32
        %dma_start3A_502 = tpu.memref_slice %arg2[%dma_start3A_500, %dma_start3A_501] : memref<10000x48xf32, #tpu.memory_space<hbm>> -> memref<10000x48xf32, #tpu.memory_space<hbm>>
        tpu.enqueue_indirect_dma source(%dma_start3A_502 : memref<10000x48xf32, #tpu.memory_space<hbm>>) target(%arg14 : memref<128x48xf32, #tpu.memory_space<vmem>>) offsets(%dma_start3A_499 : memref<128xi32, #tpu.memory_space<vmem>>) semaphore(%arg23 : memref<!tpu.dma_semaphore, #tpu.memory_space<semaphore_mem>>)
      } else {
      }
    }
    %while3A_144 = arith.constant 1 : i32
    scf.for %while3A_282 = %while3A_142 to %while3A_138 step %while3A_144  : i32 {
      %mul3A_283 = arith.constant 8 : i32
      %mul3A_284 = arith.muli %mul3A_283, %while3A_282 : i32
      %add3A_285 = arith.constant 0 : i32
      %add3A_286 = arith.addi %mul3A_284, %add3A_285 : i32
      %dma_wait3A = arith.constant 0 : i32
      %dma_wait3A_287 = tpu.memref_slice %arg5[%add3A_286, %dma_wait3A] : memref<79x128xi32, #tpu.memory_space<vmem>> -> memref<1x128xi32, #tpu.memory_space<vmem>>
      %dma_wait3A_288 = tpu.memref_squeeze %dma_wait3A_287 : memref<1x128xi32, #tpu.memory_space<vmem>> -> memref<128xi32, #tpu.memory_space<vmem>>
      %dma_wait3A_289 = arith.constant 0 : i32
      %dma_wait3A_290 = arith.constant 0 : i32
      %dma_wait3A_291 = tpu.memref_slice %arg2[%dma_wait3A_289, %dma_wait3A_290] : memref<10000x48xf32, #tpu.memory_space<hbm>> -> memref<10000x48xf32, #tpu.memory_space<hbm>>
      tpu.wait_indirect_dma semaphore(%arg16 : memref<!tpu.dma_semaphore, #tpu.memory_space<semaphore_mem>>) src(%dma_wait3A_291 : memref<10000x48xf32, #tpu.memory_space<hbm>>) dst(%arg7 : memref<128x48xf32, #tpu.memory_space<vmem>>)
      %dma_start3A = arith.constant 0 : i32
      %dma_start3A_292 = tpu.memref_slice %arg6[%add3A_286, %dma_start3A] : memref<79x128xi32, #tpu.memory_space<vmem>> -> memref<1x128xi32, #tpu.memory_space<vmem>>
      %dma_start3A_293 = tpu.memref_squeeze %dma_start3A_292 : memref<1x128xi32, #tpu.memory_space<vmem>> -> memref<128xi32, #tpu.memory_space<vmem>>
      %dma_start3A_294 = arith.constant 0 : i32
      %dma_start3A_295 = arith.constant 0 : i32
      %dma_start3A_296 = tpu.memref_slice %arg15[%dma_start3A_294, %dma_start3A_295] : memref<10000x48xf32, #tpu.memory_space<vmem_shared>> -> memref<10000x48xf32, #tpu.memory_space<vmem_shared>>
      tpu.enqueue_indirect_dma source(%arg7 : memref<128x48xf32, #tpu.memory_space<vmem>>) target(%dma_start3A_296 : memref<10000x48xf32, #tpu.memory_space<vmem_shared>>) offsets(%dma_start3A_293 : memref<128xi32, #tpu.memory_space<vmem>>) semaphore(%arg24 : memref<!tpu.dma_semaphore, #tpu.memory_space<semaphore_mem>>) {add = true}
      %mul3A_297 = arith.constant 8 : i32
      %mul3A_298 = arith.muli %mul3A_297, %while3A_282 : i32
      %add3A_299 = arith.constant 1 : i32
      %add3A_300 = arith.addi %mul3A_298, %add3A_299 : i32
      %dma_wait3A_301 = arith.constant 0 : i32
      %dma_wait3A_302 = tpu.memref_slice %arg5[%add3A_300, %dma_wait3A_301] : memref<79x128xi32, #tpu.memory_space<vmem>> -> memref<1x128xi32, #tpu.memory_space<vmem>>
      %dma_wait3A_303 = tpu.memref_squeeze %dma_wait3A_302 : memref<1x128xi32, #tpu.memory_space<vmem>> -> memref<128xi32, #tpu.memory_space<vmem>>
      %dma_wait3A_304 = arith.constant 0 : i32
      %dma_wait3A_305 = arith.constant 0 : i32
      %dma_wait3A_306 = tpu.memref_slice %arg2[%dma_wait3A_304, %dma_wait3A_305] : memref<10000x48xf32, #tpu.memory_space<hbm>> -> memref<10000x48xf32, #tpu.memory_space<hbm>>
      tpu.wait_indirect_dma semaphore(%arg17 : memref<!tpu.dma_semaphore, #tpu.memory_space<semaphore_mem>>) src(%dma_wait3A_306 : memref<10000x48xf32, #tpu.memory_space<hbm>>) dst(%arg8 : memref<128x48xf32, #tpu.memory_space<vmem>>)
      %dma_start3A_307 = arith.constant 0 : i32
      %dma_start3A_308 = tpu.memref_slice %arg6[%add3A_300, %dma_start3A_307] : memref<79x128xi32, #tpu.memory_space<vmem>> -> memref<1x128xi32, #tpu.memory_space<vmem>>
      %dma_start3A_309 = tpu.memref_squeeze %dma_start3A_308 : memref<1x128xi32, #tpu.memory_space<vmem>> -> memref<128xi32, #tpu.memory_space<vmem>>
      %dma_start3A_310 = arith.constant 0 : i32
      %dma_start3A_311 = arith.constant 0 : i32
      %dma_start3A_312 = tpu.memref_slice %arg15[%dma_start3A_310, %dma_start3A_311] : memref<10000x48xf32, #tpu.memory_space<vmem_shared>> -> memref<10000x48xf32, #tpu.memory_space<vmem_shared>>
      tpu.enqueue_indirect_dma source(%arg8 : memref<128x48xf32, #tpu.memory_space<vmem>>) target(%dma_start3A_312 : memref<10000x48xf32, #tpu.memory_space<vmem_shared>>) offsets(%dma_start3A_309 : memref<128xi32, #tpu.memory_space<vmem>>) semaphore(%arg25 : memref<!tpu.dma_semaphore, #tpu.memory_space<semaphore_mem>>) {add = true}
      %mul3A_313 = arith.constant 8 : i32
      %mul3A_314 = arith.muli %mul3A_313, %while3A_282 : i32
      %add3A_315 = arith.constant 2 : i32
      %add3A_316 = arith.addi %mul3A_314, %add3A_315 : i32
      %dma_wait3A_317 = arith.constant 0 : i32
      %dma_wait3A_318 = tpu.memref_slice %arg5[%add3A_316, %dma_wait3A_317] : memref<79x128xi32, #tpu.memory_space<vmem>> -> memref<1x128xi32, #tpu.memory_space<vmem>>
      %dma_wait3A_319 = tpu.memref_squeeze %dma_wait3A_318 : memref<1x128xi32, #tpu.memory_space<vmem>> -> memref<128xi32, #tpu.memory_space<vmem>>
      %dma_wait3A_320 = arith.constant 0 : i32
      %dma_wait3A_321 = arith.constant 0 : i32
      %dma_wait3A_322 = tpu.memref_slice %arg2[%dma_wait3A_320, %dma_wait3A_321] : memref<10000x48xf32, #tpu.memory_space<hbm>> -> memref<10000x48xf32, #tpu.memory_space<hbm>>
      tpu.wait_indirect_dma semaphore(%arg18 : memref<!tpu.dma_semaphore, #tpu.memory_space<semaphore_mem>>) src(%dma_wait3A_322 : memref<10000x48xf32, #tpu.memory_space<hbm>>) dst(%arg9 : memref<128x48xf32, #tpu.memory_space<vmem>>)
      %dma_start3A_323 = arith.constant 0 : i32
      %dma_start3A_324 = tpu.memref_slice %arg6[%add3A_316, %dma_start3A_323] : memref<79x128xi32, #tpu.memory_space<vmem>> -> memref<1x128xi32, #tpu.memory_space<vmem>>
      %dma_start3A_325 = tpu.memref_squeeze %dma_start3A_324 : memref<1x128xi32, #tpu.memory_space<vmem>> -> memref<128xi32, #tpu.memory_space<vmem>>
      %dma_start3A_326 = arith.constant 0 : i32
      %dma_start3A_327 = arith.constant 0 : i32
      %dma_start3A_328 = tpu.memref_slice %arg15[%dma_start3A_326, %dma_start3A_327] : memref<10000x48xf32, #tpu.memory_space<vmem_shared>> -> memref<10000x48xf32, #tpu.memory_space<vmem_shared>>
      tpu.enqueue_indirect_dma source(%arg9 : memref<128x48xf32, #tpu.memory_space<vmem>>) target(%dma_start3A_328 : memref<10000x48xf32, #tpu.memory_space<vmem_shared>>) offsets(%dma_start3A_325 : memref<128xi32, #tpu.memory_space<vmem>>) semaphore(%arg26 : memref<!tpu.dma_semaphore, #tpu.memory_space<semaphore_mem>>) {add = true}
      %mul3A_329 = arith.constant 8 : i32
      %mul3A_330 = arith.muli %mul3A_329, %while3A_282 : i32
      %add3A_331 = arith.constant 3 : i32
      %add3A_332 = arith.addi %mul3A_330, %add3A_331 : i32
      %dma_wait3A_333 = arith.constant 0 : i32
      %dma_wait3A_334 = tpu.memref_slice %arg5[%add3A_332, %dma_wait3A_333] : memref<79x128xi32, #tpu.memory_space<vmem>> -> memref<1x128xi32, #tpu.memory_space<vmem>>
      %dma_wait3A_335 = tpu.memref_squeeze %dma_wait3A_334 : memref<1x128xi32, #tpu.memory_space<vmem>> -> memref<128xi32, #tpu.memory_space<vmem>>
      %dma_wait3A_336 = arith.constant 0 : i32
      %dma_wait3A_337 = arith.constant 0 : i32
      %dma_wait3A_338 = tpu.memref_slice %arg2[%dma_wait3A_336, %dma_wait3A_337] : memref<10000x48xf32, #tpu.memory_space<hbm>> -> memref<10000x48xf32, #tpu.memory_space<hbm>>
      tpu.wait_indirect_dma semaphore(%arg19 : memref<!tpu.dma_semaphore, #tpu.memory_space<semaphore_mem>>) src(%dma_wait3A_338 : memref<10000x48xf32, #tpu.memory_space<hbm>>) dst(%arg10 : memref<128x48xf32, #tpu.memory_space<vmem>>)
      %dma_start3A_339 = arith.constant 0 : i32
      %dma_start3A_340 = tpu.memref_slice %arg6[%add3A_332, %dma_start3A_339] : memref<79x128xi32, #tpu.memory_space<vmem>> -> memref<1x128xi32, #tpu.memory_space<vmem>>
      %dma_start3A_341 = tpu.memref_squeeze %dma_start3A_340 : memref<1x128xi32, #tpu.memory_space<vmem>> -> memref<128xi32, #tpu.memory_space<vmem>>
      %dma_start3A_342 = arith.constant 0 : i32
      %dma_start3A_343 = arith.constant 0 : i32
      %dma_start3A_344 = tpu.memref_slice %arg15[%dma_start3A_342, %dma_start3A_343] : memref<10000x48xf32, #tpu.memory_space<vmem_shared>> -> memref<10000x48xf32, #tpu.memory_space<vmem_shared>>
      tpu.enqueue_indirect_dma source(%arg10 : memref<128x48xf32, #tpu.memory_space<vmem>>) target(%dma_start3A_344 : memref<10000x48xf32, #tpu.memory_space<vmem_shared>>) offsets(%dma_start3A_341 : memref<128xi32, #tpu.memory_space<vmem>>) semaphore(%arg27 : memref<!tpu.dma_semaphore, #tpu.memory_space<semaphore_mem>>) {add = true}
      %mul3A_345 = arith.constant 8 : i32
      %mul3A_346 = arith.muli %mul3A_345, %while3A_282 : i32
      %add3A_347 = arith.constant 4 : i32
      %add3A_348 = arith.addi %mul3A_346, %add3A_347 : i32
      %dma_wait3A_349 = arith.constant 0 : i32
      %dma_wait3A_350 = tpu.memref_slice %arg5[%add3A_348, %dma_wait3A_349] : memref<79x128xi32, #tpu.memory_space<vmem>> -> memref<1x128xi32, #tpu.memory_space<vmem>>
      %dma_wait3A_351 = tpu.memref_squeeze %dma_wait3A_350 : memref<1x128xi32, #tpu.memory_space<vmem>> -> memref<128xi32, #tpu.memory_space<vmem>>
      %dma_wait3A_352 = arith.constant 0 : i32
      %dma_wait3A_353 = arith.constant 0 : i32
      %dma_wait3A_354 = tpu.memref_slice %arg2[%dma_wait3A_352, %dma_wait3A_353] : memref<10000x48xf32, #tpu.memory_space<hbm>> -> memref<10000x48xf32, #tpu.memory_space<hbm>>
      tpu.wait_indirect_dma semaphore(%arg20 : memref<!tpu.dma_semaphore, #tpu.memory_space<semaphore_mem>>) src(%dma_wait3A_354 : memref<10000x48xf32, #tpu.memory_space<hbm>>) dst(%arg11 : memref<128x48xf32, #tpu.memory_space<vmem>>)
      %dma_start3A_355 = arith.constant 0 : i32
      %dma_start3A_356 = tpu.memref_slice %arg6[%add3A_348, %dma_start3A_355] : memref<79x128xi32, #tpu.memory_space<vmem>> -> memref<1x128xi32, #tpu.memory_space<vmem>>
      %dma_start3A_357 = tpu.memref_squeeze %dma_start3A_356 : memref<1x128xi32, #tpu.memory_space<vmem>> -> memref<128xi32, #tpu.memory_space<vmem>>
      %dma_start3A_358 = arith.constant 0 : i32
      %dma_start3A_359 = arith.constant 0 : i32
      %dma_start3A_360 = tpu.memref_slice %arg15[%dma_start3A_358, %dma_start3A_359] : memref<10000x48xf32, #tpu.memory_space<vmem_shared>> -> memref<10000x48xf32, #tpu.memory_space<vmem_shared>>
      tpu.enqueue_indirect_dma source(%arg11 : memref<128x48xf32, #tpu.memory_space<vmem>>) target(%dma_start3A_360 : memref<10000x48xf32, #tpu.memory_space<vmem_shared>>) offsets(%dma_start3A_357 : memref<128xi32, #tpu.memory_space<vmem>>) semaphore(%arg28 : memref<!tpu.dma_semaphore, #tpu.memory_space<semaphore_mem>>) {add = true}
      %mul3A_361 = arith.constant 8 : i32
      %mul3A_362 = arith.muli %mul3A_361, %while3A_282 : i32
      %add3A_363 = arith.constant 5 : i32
      %add3A_364 = arith.addi %mul3A_362, %add3A_363 : i32
      %dma_wait3A_365 = arith.constant 0 : i32
      %dma_wait3A_366 = tpu.memref_slice %arg5[%add3A_364, %dma_wait3A_365] : memref<79x128xi32, #tpu.memory_space<vmem>> -> memref<1x128xi32, #tpu.memory_space<vmem>>
      %dma_wait3A_367 = tpu.memref_squeeze %dma_wait3A_366 : memref<1x128xi32, #tpu.memory_space<vmem>> -> memref<128xi32, #tpu.memory_space<vmem>>
      %dma_wait3A_368 = arith.constant 0 : i32
      %dma_wait3A_369 = arith.constant 0 : i32
      %dma_wait3A_370 = tpu.memref_slice %arg2[%dma_wait3A_368, %dma_wait3A_369] : memref<10000x48xf32, #tpu.memory_space<hbm>> -> memref<10000x48xf32, #tpu.memory_space<hbm>>
      tpu.wait_indirect_dma semaphore(%arg21 : memref<!tpu.dma_semaphore, #tpu.memory_space<semaphore_mem>>) src(%dma_wait3A_370 : memref<10000x48xf32, #tpu.memory_space<hbm>>) dst(%arg12 : memref<128x48xf32, #tpu.memory_space<vmem>>)
      %dma_start3A_371 = arith.constant 0 : i32
      %dma_start3A_372 = tpu.memref_slice %arg6[%add3A_364, %dma_start3A_371] : memref<79x128xi32, #tpu.memory_space<vmem>> -> memref<1x128xi32, #tpu.memory_space<vmem>>
      %dma_start3A_373 = tpu.memref_squeeze %dma_start3A_372 : memref<1x128xi32, #tpu.memory_space<vmem>> -> memref<128xi32, #tpu.memory_space<vmem>>
      %dma_start3A_374 = arith.constant 0 : i32
      %dma_start3A_375 = arith.constant 0 : i32
      %dma_start3A_376 = tpu.memref_slice %arg15[%dma_start3A_374, %dma_start3A_375] : memref<10000x48xf32, #tpu.memory_space<vmem_shared>> -> memref<10000x48xf32, #tpu.memory_space<vmem_shared>>
      tpu.enqueue_indirect_dma source(%arg12 : memref<128x48xf32, #tpu.memory_space<vmem>>) target(%dma_start3A_376 : memref<10000x48xf32, #tpu.memory_space<vmem_shared>>) offsets(%dma_start3A_373 : memref<128xi32, #tpu.memory_space<vmem>>) semaphore(%arg29 : memref<!tpu.dma_semaphore, #tpu.memory_space<semaphore_mem>>) {add = true}
      %mul3A_377 = arith.constant 8 : i32
      %mul3A_378 = arith.muli %mul3A_377, %while3A_282 : i32
      %add3A_379 = arith.constant 6 : i32
      %add3A_380 = arith.addi %mul3A_378, %add3A_379 : i32
      %dma_wait3A_381 = arith.constant 0 : i32
      %dma_wait3A_382 = tpu.memref_slice %arg5[%add3A_380, %dma_wait3A_381] : memref<79x128xi32, #tpu.memory_space<vmem>> -> memref<1x128xi32, #tpu.memory_space<vmem>>
      %dma_wait3A_383 = tpu.memref_squeeze %dma_wait3A_382 : memref<1x128xi32, #tpu.memory_space<vmem>> -> memref<128xi32, #tpu.memory_space<vmem>>
      %dma_wait3A_384 = arith.constant 0 : i32
      %dma_wait3A_385 = arith.constant 0 : i32
      %dma_wait3A_386 = tpu.memref_slice %arg2[%dma_wait3A_384, %dma_wait3A_385] : memref<10000x48xf32, #tpu.memory_space<hbm>> -> memref<10000x48xf32, #tpu.memory_space<hbm>>
      tpu.wait_indirect_dma semaphore(%arg22 : memref<!tpu.dma_semaphore, #tpu.memory_space<semaphore_mem>>) src(%dma_wait3A_386 : memref<10000x48xf32, #tpu.memory_space<hbm>>) dst(%arg13 : memref<128x48xf32, #tpu.memory_space<vmem>>)
      %dma_start3A_387 = arith.constant 0 : i32
      %dma_start3A_388 = tpu.memref_slice %arg6[%add3A_380, %dma_start3A_387] : memref<79x128xi32, #tpu.memory_space<vmem>> -> memref<1x128xi32, #tpu.memory_space<vmem>>
      %dma_start3A_389 = tpu.memref_squeeze %dma_start3A_388 : memref<1x128xi32, #tpu.memory_space<vmem>> -> memref<128xi32, #tpu.memory_space<vmem>>
      %dma_start3A_390 = arith.constant 0 : i32
      %dma_start3A_391 = arith.constant 0 : i32
      %dma_start3A_392 = tpu.memref_slice %arg15[%dma_start3A_390, %dma_start3A_391] : memref<10000x48xf32, #tpu.memory_space<vmem_shared>> -> memref<10000x48xf32, #tpu.memory_space<vmem_shared>>
      tpu.enqueue_indirect_dma source(%arg13 : memref<128x48xf32, #tpu.memory_space<vmem>>) target(%dma_start3A_392 : memref<10000x48xf32, #tpu.memory_space<vmem_shared>>) offsets(%dma_start3A_389 : memref<128xi32, #tpu.memory_space<vmem>>) semaphore(%arg30 : memref<!tpu.dma_semaphore, #tpu.memory_space<semaphore_mem>>) {add = true}
      %mul3A_393 = arith.constant 8 : i32
      %mul3A_394 = arith.muli %mul3A_393, %while3A_282 : i32
      %add3A_395 = arith.constant 7 : i32
      %add3A_396 = arith.addi %mul3A_394, %add3A_395 : i32
      %dma_wait3A_397 = arith.constant 0 : i32
      %dma_wait3A_398 = tpu.memref_slice %arg5[%add3A_396, %dma_wait3A_397] : memref<79x128xi32, #tpu.memory_space<vmem>> -> memref<1x128xi32, #tpu.memory_space<vmem>>
      %dma_wait3A_399 = tpu.memref_squeeze %dma_wait3A_398 : memref<1x128xi32, #tpu.memory_space<vmem>> -> memref<128xi32, #tpu.memory_space<vmem>>
      %dma_wait3A_400 = arith.constant 0 : i32
      %dma_wait3A_401 = arith.constant 0 : i32
      %dma_wait3A_402 = tpu.memref_slice %arg2[%dma_wait3A_400, %dma_wait3A_401] : memref<10000x48xf32, #tpu.memory_space<hbm>> -> memref<10000x48xf32, #tpu.memory_space<hbm>>
      tpu.wait_indirect_dma semaphore(%arg23 : memref<!tpu.dma_semaphore, #tpu.memory_space<semaphore_mem>>) src(%dma_wait3A_402 : memref<10000x48xf32, #tpu.memory_space<hbm>>) dst(%arg14 : memref<128x48xf32, #tpu.memory_space<vmem>>)
      %dma_start3A_403 = arith.constant 0 : i32
      %dma_start3A_404 = tpu.memref_slice %arg6[%add3A_396, %dma_start3A_403] : memref<79x128xi32, #tpu.memory_space<vmem>> -> memref<1x128xi32, #tpu.memory_space<vmem>>
      %dma_start3A_405 = tpu.memref_squeeze %dma_start3A_404 : memref<1x128xi32, #tpu.memory_space<vmem>> -> memref<128xi32, #tpu.memory_space<vmem>>
      %dma_start3A_406 = arith.constant 0 : i32
      %dma_start3A_407 = arith.constant 0 : i32
      %dma_start3A_408 = tpu.memref_slice %arg15[%dma_start3A_406, %dma_start3A_407] : memref<10000x48xf32, #tpu.memory_space<vmem_shared>> -> memref<10000x48xf32, #tpu.memory_space<vmem_shared>>
      tpu.enqueue_indirect_dma source(%arg14 : memref<128x48xf32, #tpu.memory_space<vmem>>) target(%dma_start3A_408 : memref<10000x48xf32, #tpu.memory_space<vmem_shared>>) offsets(%dma_start3A_405 : memref<128xi32, #tpu.memory_space<vmem>>) semaphore(%arg31 : memref<!tpu.dma_semaphore, #tpu.memory_space<semaphore_mem>>) {add = true}
      %mul3A_409 = arith.constant 8 : i32
      %mul3A_410 = arith.muli %mul3A_409, %while3A_282 : i32
      %add3A_411 = arith.constant 8 : i32
      %add3A_412 = arith.addi %mul3A_410, %add3A_411 : i32
      %add3A_413 = arith.constant 0 : i32
      %add3A_414 = arith.addi %add3A_412, %add3A_413 : i32
      %lt3A_415 = arith.cmpi slt, %add3A_414, %sub3A_47 : i32
      %convert_element_type3A_416 = arith.extui %lt3A_415 : i1 to i32
      %cond3A_417 = arith.constant 0 : i32
      %cond3A_418 = arith.cmpi ne, %convert_element_type3A_416, %cond3A_417 : i32
      scf.if %cond3A_418 {
        %sub3A_489 = arith.constant 8 : i32
        %sub3A_490 = arith.subi %add3A_414, %sub3A_489 : i32
        %dma_wait3A_491 = arith.constant 0 : i32
        %dma_wait3A_492 = tpu.memref_slice %arg6[%sub3A_490, %dma_wait3A_491] : memref<79x128xi32, #tpu.memory_space<vmem>> -> memref<1x128xi32, #tpu.memory_space<vmem>>
        %dma_wait3A_493 = tpu.memref_squeeze %dma_wait3A_492 : memref<1x128xi32, #tpu.memory_space<vmem>> -> memref<128xi32, #tpu.memory_space<vmem>>
        %dma_wait3A_494 = arith.constant 0 : i32
        %dma_wait3A_495 = arith.constant 0 : i32
        %dma_wait3A_496 = tpu.memref_slice %arg15[%dma_wait3A_494, %dma_wait3A_495] : memref<10000x48xf32, #tpu.memory_space<vmem_shared>> -> memref<10000x48xf32, #tpu.memory_space<vmem_shared>>
        tpu.wait_indirect_dma semaphore(%arg24 : memref<!tpu.dma_semaphore, #tpu.memory_space<semaphore_mem>>) src(%arg7 : memref<128x48xf32, #tpu.memory_space<vmem>>) dst(%dma_wait3A_496 : memref<10000x48xf32, #tpu.memory_space<vmem_shared>>)
        %dma_start3A_497 = arith.constant 0 : i32
        %dma_start3A_498 = tpu.memref_slice %arg5[%add3A_414, %dma_start3A_497] : memref<79x128xi32, #tpu.memory_space<vmem>> -> memref<1x128xi32, #tpu.memory_space<vmem>>
        %dma_start3A_499 = tpu.memref_squeeze %dma_start3A_498 : memref<1x128xi32, #tpu.memory_space<vmem>> -> memref<128xi32, #tpu.memory_space<vmem>>
        %dma_start3A_500 = arith.constant 0 : i32
        %dma_start3A_501 = arith.constant 0 : i32
        %dma_start3A_502 = tpu.memref_slice %arg2[%dma_start3A_500, %dma_start3A_501] : memref<10000x48xf32, #tpu.memory_space<hbm>> -> memref<10000x48xf32, #tpu.memory_space<hbm>>
        tpu.enqueue_indirect_dma source(%dma_start3A_502 : memref<10000x48xf32, #tpu.memory_space<hbm>>) target(%arg7 : memref<128x48xf32, #tpu.memory_space<vmem>>) offsets(%dma_start3A_499 : memref<128xi32, #tpu.memory_space<vmem>>) semaphore(%arg16 : memref<!tpu.dma_semaphore, #tpu.memory_space<semaphore_mem>>)
      } else {
      }
      %mul3A_419 = arith.constant 8 : i32
      %mul3A_420 = arith.muli %mul3A_419, %while3A_282 : i32
      %add3A_421 = arith.constant 8 : i32
      %add3A_422 = arith.addi %mul3A_420, %add3A_421 : i32
      %add3A_423 = arith.constant 1 : i32
      %add3A_424 = arith.addi %add3A_422, %add3A_423 : i32
      %lt3A_425 = arith.cmpi slt, %add3A_424, %sub3A_47 : i32
      %convert_element_type3A_426 = arith.extui %lt3A_425 : i1 to i32
      %cond3A_427 = arith.constant 0 : i32
      %cond3A_428 = arith.cmpi ne, %convert_element_type3A_426, %cond3A_427 : i32
      scf.if %cond3A_428 {
        %sub3A_489 = arith.constant 8 : i32
        %sub3A_490 = arith.subi %add3A_424, %sub3A_489 : i32
        %dma_wait3A_491 = arith.constant 0 : i32
        %dma_wait3A_492 = tpu.memref_slice %arg6[%sub3A_490, %dma_wait3A_491] : memref<79x128xi32, #tpu.memory_space<vmem>> -> memref<1x128xi32, #tpu.memory_space<vmem>>
        %dma_wait3A_493 = tpu.memref_squeeze %dma_wait3A_492 : memref<1x128xi32, #tpu.memory_space<vmem>> -> memref<128xi32, #tpu.memory_space<vmem>>
        %dma_wait3A_494 = arith.constant 0 : i32
        %dma_wait3A_495 = arith.constant 0 : i32
        %dma_wait3A_496 = tpu.memref_slice %arg15[%dma_wait3A_494, %dma_wait3A_495] : memref<10000x48xf32, #tpu.memory_space<vmem_shared>> -> memref<10000x48xf32, #tpu.memory_space<vmem_shared>>
        tpu.wait_indirect_dma semaphore(%arg25 : memref<!tpu.dma_semaphore, #tpu.memory_space<semaphore_mem>>) src(%arg8 : memref<128x48xf32, #tpu.memory_space<vmem>>) dst(%dma_wait3A_496 : memref<10000x48xf32, #tpu.memory_space<vmem_shared>>)
        %dma_start3A_497 = arith.constant 0 : i32
        %dma_start3A_498 = tpu.memref_slice %arg5[%add3A_424, %dma_start3A_497] : memref<79x128xi32, #tpu.memory_space<vmem>> -> memref<1x128xi32, #tpu.memory_space<vmem>>
        %dma_start3A_499 = tpu.memref_squeeze %dma_start3A_498 : memref<1x128xi32, #tpu.memory_space<vmem>> -> memref<128xi32, #tpu.memory_space<vmem>>
        %dma_start3A_500 = arith.constant 0 : i32
        %dma_start3A_501 = arith.constant 0 : i32
        %dma_start3A_502 = tpu.memref_slice %arg2[%dma_start3A_500, %dma_start3A_501] : memref<10000x48xf32, #tpu.memory_space<hbm>> -> memref<10000x48xf32, #tpu.memory_space<hbm>>
        tpu.enqueue_indirect_dma source(%dma_start3A_502 : memref<10000x48xf32, #tpu.memory_space<hbm>>) target(%arg8 : memref<128x48xf32, #tpu.memory_space<vmem>>) offsets(%dma_start3A_499 : memref<128xi32, #tpu.memory_space<vmem>>) semaphore(%arg17 : memref<!tpu.dma_semaphore, #tpu.memory_space<semaphore_mem>>)
      } else {
      }
      %mul3A_429 = arith.constant 8 : i32
      %mul3A_430 = arith.muli %mul3A_429, %while3A_282 : i32
      %add3A_431 = arith.constant 8 : i32
      %add3A_432 = arith.addi %mul3A_430, %add3A_431 : i32
      %add3A_433 = arith.constant 2 : i32
      %add3A_434 = arith.addi %add3A_432, %add3A_433 : i32
      %lt3A_435 = arith.cmpi slt, %add3A_434, %sub3A_47 : i32
      %convert_element_type3A_436 = arith.extui %lt3A_435 : i1 to i32
      %cond3A_437 = arith.constant 0 : i32
      %cond3A_438 = arith.cmpi ne, %convert_element_type3A_436, %cond3A_437 : i32
      scf.if %cond3A_438 {
        %sub3A_489 = arith.constant 8 : i32
        %sub3A_490 = arith.subi %add3A_434, %sub3A_489 : i32
        %dma_wait3A_491 = arith.constant 0 : i32
        %dma_wait3A_492 = tpu.memref_slice %arg6[%sub3A_490, %dma_wait3A_491] : memref<79x128xi32, #tpu.memory_space<vmem>> -> memref<1x128xi32, #tpu.memory_space<vmem>>
        %dma_wait3A_493 = tpu.memref_squeeze %dma_wait3A_492 : memref<1x128xi32, #tpu.memory_space<vmem>> -> memref<128xi32, #tpu.memory_space<vmem>>
        %dma_wait3A_494 = arith.constant 0 : i32
        %dma_wait3A_495 = arith.constant 0 : i32
        %dma_wait3A_496 = tpu.memref_slice %arg15[%dma_wait3A_494, %dma_wait3A_495] : memref<10000x48xf32, #tpu.memory_space<vmem_shared>> -> memref<10000x48xf32, #tpu.memory_space<vmem_shared>>
        tpu.wait_indirect_dma semaphore(%arg26 : memref<!tpu.dma_semaphore, #tpu.memory_space<semaphore_mem>>) src(%arg9 : memref<128x48xf32, #tpu.memory_space<vmem>>) dst(%dma_wait3A_496 : memref<10000x48xf32, #tpu.memory_space<vmem_shared>>)
        %dma_start3A_497 = arith.constant 0 : i32
        %dma_start3A_498 = tpu.memref_slice %arg5[%add3A_434, %dma_start3A_497] : memref<79x128xi32, #tpu.memory_space<vmem>> -> memref<1x128xi32, #tpu.memory_space<vmem>>
        %dma_start3A_499 = tpu.memref_squeeze %dma_start3A_498 : memref<1x128xi32, #tpu.memory_space<vmem>> -> memref<128xi32, #tpu.memory_space<vmem>>
        %dma_start3A_500 = arith.constant 0 : i32
        %dma_start3A_501 = arith.constant 0 : i32
        %dma_start3A_502 = tpu.memref_slice %arg2[%dma_start3A_500, %dma_start3A_501] : memref<10000x48xf32, #tpu.memory_space<hbm>> -> memref<10000x48xf32, #tpu.memory_space<hbm>>
        tpu.enqueue_indirect_dma source(%dma_start3A_502 : memref<10000x48xf32, #tpu.memory_space<hbm>>) target(%arg9 : memref<128x48xf32, #tpu.memory_space<vmem>>) offsets(%dma_start3A_499 : memref<128xi32, #tpu.memory_space<vmem>>) semaphore(%arg18 : memref<!tpu.dma_semaphore, #tpu.memory_space<semaphore_mem>>)
      } else {
      }
      %mul3A_439 = arith.constant 8 : i32
      %mul3A_440 = arith.muli %mul3A_439, %while3A_282 : i32
      %add3A_441 = arith.constant 8 : i32
      %add3A_442 = arith.addi %mul3A_440, %add3A_441 : i32
      %add3A_443 = arith.constant 3 : i32
      %add3A_444 = arith.addi %add3A_442, %add3A_443 : i32
      %lt3A_445 = arith.cmpi slt, %add3A_444, %sub3A_47 : i32
      %convert_element_type3A_446 = arith.extui %lt3A_445 : i1 to i32
      %cond3A_447 = arith.constant 0 : i32
      %cond3A_448 = arith.cmpi ne, %convert_element_type3A_446, %cond3A_447 : i32
      scf.if %cond3A_448 {
        %sub3A_489 = arith.constant 8 : i32
        %sub3A_490 = arith.subi %add3A_444, %sub3A_489 : i32
        %dma_wait3A_491 = arith.constant 0 : i32
        %dma_wait3A_492 = tpu.memref_slice %arg6[%sub3A_490, %dma_wait3A_491] : memref<79x128xi32, #tpu.memory_space<vmem>> -> memref<1x128xi32, #tpu.memory_space<vmem>>
        %dma_wait3A_493 = tpu.memref_squeeze %dma_wait3A_492 : memref<1x128xi32, #tpu.memory_space<vmem>> -> memref<128xi32, #tpu.memory_space<vmem>>
        %dma_wait3A_494 = arith.constant 0 : i32
        %dma_wait3A_495 = arith.constant 0 : i32
        %dma_wait3A_496 = tpu.memref_slice %arg15[%dma_wait3A_494, %dma_wait3A_495] : memref<10000x48xf32, #tpu.memory_space<vmem_shared>> -> memref<10000x48xf32, #tpu.memory_space<vmem_shared>>
        tpu.wait_indirect_dma semaphore(%arg27 : memref<!tpu.dma_semaphore, #tpu.memory_space<semaphore_mem>>) src(%arg10 : memref<128x48xf32, #tpu.memory_space<vmem>>) dst(%dma_wait3A_496 : memref<10000x48xf32, #tpu.memory_space<vmem_shared>>)
        %dma_start3A_497 = arith.constant 0 : i32
        %dma_start3A_498 = tpu.memref_slice %arg5[%add3A_444, %dma_start3A_497] : memref<79x128xi32, #tpu.memory_space<vmem>> -> memref<1x128xi32, #tpu.memory_space<vmem>>
        %dma_start3A_499 = tpu.memref_squeeze %dma_start3A_498 : memref<1x128xi32, #tpu.memory_space<vmem>> -> memref<128xi32, #tpu.memory_space<vmem>>
        %dma_start3A_500 = arith.constant 0 : i32
        %dma_start3A_501 = arith.constant 0 : i32
        %dma_start3A_502 = tpu.memref_slice %arg2[%dma_start3A_500, %dma_start3A_501] : memref<10000x48xf32, #tpu.memory_space<hbm>> -> memref<10000x48xf32, #tpu.memory_space<hbm>>
        tpu.enqueue_indirect_dma source(%dma_start3A_502 : memref<10000x48xf32, #tpu.memory_space<hbm>>) target(%arg10 : memref<128x48xf32, #tpu.memory_space<vmem>>) offsets(%dma_start3A_499 : memref<128xi32, #tpu.memory_space<vmem>>) semaphore(%arg19 : memref<!tpu.dma_semaphore, #tpu.memory_space<semaphore_mem>>)
      } else {
      }
      %mul3A_449 = arith.constant 8 : i32
      %mul3A_450 = arith.muli %mul3A_449, %while3A_282 : i32
      %add3A_451 = arith.constant 8 : i32
      %add3A_452 = arith.addi %mul3A_450, %add3A_451 : i32
      %add3A_453 = arith.constant 4 : i32
      %add3A_454 = arith.addi %add3A_452, %add3A_453 : i32
      %lt3A_455 = arith.cmpi slt, %add3A_454, %sub3A_47 : i32
      %convert_element_type3A_456 = arith.extui %lt3A_455 : i1 to i32
      %cond3A_457 = arith.constant 0 : i32
      %cond3A_458 = arith.cmpi ne, %convert_element_type3A_456, %cond3A_457 : i32
      scf.if %cond3A_458 {
        %sub3A_489 = arith.constant 8 : i32
        %sub3A_490 = arith.subi %add3A_454, %sub3A_489 : i32
        %dma_wait3A_491 = arith.constant 0 : i32
        %dma_wait3A_492 = tpu.memref_slice %arg6[%sub3A_490, %dma_wait3A_491] : memref<79x128xi32, #tpu.memory_space<vmem>> -> memref<1x128xi32, #tpu.memory_space<vmem>>
        %dma_wait3A_493 = tpu.memref_squeeze %dma_wait3A_492 : memref<1x128xi32, #tpu.memory_space<vmem>> -> memref<128xi32, #tpu.memory_space<vmem>>
        %dma_wait3A_494 = arith.constant 0 : i32
        %dma_wait3A_495 = arith.constant 0 : i32
        %dma_wait3A_496 = tpu.memref_slice %arg15[%dma_wait3A_494, %dma_wait3A_495] : memref<10000x48xf32, #tpu.memory_space<vmem_shared>> -> memref<10000x48xf32, #tpu.memory_space<vmem_shared>>
        tpu.wait_indirect_dma semaphore(%arg28 : memref<!tpu.dma_semaphore, #tpu.memory_space<semaphore_mem>>) src(%arg11 : memref<128x48xf32, #tpu.memory_space<vmem>>) dst(%dma_wait3A_496 : memref<10000x48xf32, #tpu.memory_space<vmem_shared>>)
        %dma_start3A_497 = arith.constant 0 : i32
        %dma_start3A_498 = tpu.memref_slice %arg5[%add3A_454, %dma_start3A_497] : memref<79x128xi32, #tpu.memory_space<vmem>> -> memref<1x128xi32, #tpu.memory_space<vmem>>
        %dma_start3A_499 = tpu.memref_squeeze %dma_start3A_498 : memref<1x128xi32, #tpu.memory_space<vmem>> -> memref<128xi32, #tpu.memory_space<vmem>>
        %dma_start3A_500 = arith.constant 0 : i32
        %dma_start3A_501 = arith.constant 0 : i32
        %dma_start3A_502 = tpu.memref_slice %arg2[%dma_start3A_500, %dma_start3A_501] : memref<10000x48xf32, #tpu.memory_space<hbm>> -> memref<10000x48xf32, #tpu.memory_space<hbm>>
        tpu.enqueue_indirect_dma source(%dma_start3A_502 : memref<10000x48xf32, #tpu.memory_space<hbm>>) target(%arg11 : memref<128x48xf32, #tpu.memory_space<vmem>>) offsets(%dma_start3A_499 : memref<128xi32, #tpu.memory_space<vmem>>) semaphore(%arg20 : memref<!tpu.dma_semaphore, #tpu.memory_space<semaphore_mem>>)
      } else {
      }
      %mul3A_459 = arith.constant 8 : i32
      %mul3A_460 = arith.muli %mul3A_459, %while3A_282 : i32
      %add3A_461 = arith.constant 8 : i32
      %add3A_462 = arith.addi %mul3A_460, %add3A_461 : i32
      %add3A_463 = arith.constant 5 : i32
      %add3A_464 = arith.addi %add3A_462, %add3A_463 : i32
      %lt3A_465 = arith.cmpi slt, %add3A_464, %sub3A_47 : i32
      %convert_element_type3A_466 = arith.extui %lt3A_465 : i1 to i32
      %cond3A_467 = arith.constant 0 : i32
      %cond3A_468 = arith.cmpi ne, %convert_element_type3A_466, %cond3A_467 : i32
      scf.if %cond3A_468 {
        %sub3A_489 = arith.constant 8 : i32
        %sub3A_490 = arith.subi %add3A_464, %sub3A_489 : i32
        %dma_wait3A_491 = arith.constant 0 : i32
        %dma_wait3A_492 = tpu.memref_slice %arg6[%sub3A_490, %dma_wait3A_491] : memref<79x128xi32, #tpu.memory_space<vmem>> -> memref<1x128xi32, #tpu.memory_space<vmem>>
        %dma_wait3A_493 = tpu.memref_squeeze %dma_wait3A_492 : memref<1x128xi32, #tpu.memory_space<vmem>> -> memref<128xi32, #tpu.memory_space<vmem>>
        %dma_wait3A_494 = arith.constant 0 : i32
        %dma_wait3A_495 = arith.constant 0 : i32
        %dma_wait3A_496 = tpu.memref_slice %arg15[%dma_wait3A_494, %dma_wait3A_495] : memref<10000x48xf32, #tpu.memory_space<vmem_shared>> -> memref<10000x48xf32, #tpu.memory_space<vmem_shared>>
        tpu.wait_indirect_dma semaphore(%arg29 : memref<!tpu.dma_semaphore, #tpu.memory_space<semaphore_mem>>) src(%arg12 : memref<128x48xf32, #tpu.memory_space<vmem>>) dst(%dma_wait3A_496 : memref<10000x48xf32, #tpu.memory_space<vmem_shared>>)
        %dma_start3A_497 = arith.constant 0 : i32
        %dma_start3A_498 = tpu.memref_slice %arg5[%add3A_464, %dma_start3A_497] : memref<79x128xi32, #tpu.memory_space<vmem>> -> memref<1x128xi32, #tpu.memory_space<vmem>>
        %dma_start3A_499 = tpu.memref_squeeze %dma_start3A_498 : memref<1x128xi32, #tpu.memory_space<vmem>> -> memref<128xi32, #tpu.memory_space<vmem>>
        %dma_start3A_500 = arith.constant 0 : i32
        %dma_start3A_501 = arith.constant 0 : i32
        %dma_start3A_502 = tpu.memref_slice %arg2[%dma_start3A_500, %dma_start3A_501] : memref<10000x48xf32, #tpu.memory_space<hbm>> -> memref<10000x48xf32, #tpu.memory_space<hbm>>
        tpu.enqueue_indirect_dma source(%dma_start3A_502 : memref<10000x48xf32, #tpu.memory_space<hbm>>) target(%arg12 : memref<128x48xf32, #tpu.memory_space<vmem>>) offsets(%dma_start3A_499 : memref<128xi32, #tpu.memory_space<vmem>>) semaphore(%arg21 : memref<!tpu.dma_semaphore, #tpu.memory_space<semaphore_mem>>)
      } else {
      }
      %mul3A_469 = arith.constant 8 : i32
      %mul3A_470 = arith.muli %mul3A_469, %while3A_282 : i32
      %add3A_471 = arith.constant 8 : i32
      %add3A_472 = arith.addi %mul3A_470, %add3A_471 : i32
      %add3A_473 = arith.constant 6 : i32
      %add3A_474 = arith.addi %add3A_472, %add3A_473 : i32
      %lt3A_475 = arith.cmpi slt, %add3A_474, %sub3A_47 : i32
      %convert_element_type3A_476 = arith.extui %lt3A_475 : i1 to i32
      %cond3A_477 = arith.constant 0 : i32
      %cond3A_478 = arith.cmpi ne, %convert_element_type3A_476, %cond3A_477 : i32
      scf.if %cond3A_478 {
        %sub3A_489 = arith.constant 8 : i32
        %sub3A_490 = arith.subi %add3A_474, %sub3A_489 : i32
        %dma_wait3A_491 = arith.constant 0 : i32
        %dma_wait3A_492 = tpu.memref_slice %arg6[%sub3A_490, %dma_wait3A_491] : memref<79x128xi32, #tpu.memory_space<vmem>> -> memref<1x128xi32, #tpu.memory_space<vmem>>
        %dma_wait3A_493 = tpu.memref_squeeze %dma_wait3A_492 : memref<1x128xi32, #tpu.memory_space<vmem>> -> memref<128xi32, #tpu.memory_space<vmem>>
        %dma_wait3A_494 = arith.constant 0 : i32
        %dma_wait3A_495 = arith.constant 0 : i32
        %dma_wait3A_496 = tpu.memref_slice %arg15[%dma_wait3A_494, %dma_wait3A_495] : memref<10000x48xf32, #tpu.memory_space<vmem_shared>> -> memref<10000x48xf32, #tpu.memory_space<vmem_shared>>
        tpu.wait_indirect_dma semaphore(%arg30 : memref<!tpu.dma_semaphore, #tpu.memory_space<semaphore_mem>>) src(%arg13 : memref<128x48xf32, #tpu.memory_space<vmem>>) dst(%dma_wait3A_496 : memref<10000x48xf32, #tpu.memory_space<vmem_shared>>)
        %dma_start3A_497 = arith.constant 0 : i32
        %dma_start3A_498 = tpu.memref_slice %arg5[%add3A_474, %dma_start3A_497] : memref<79x128xi32, #tpu.memory_space<vmem>> -> memref<1x128xi32, #tpu.memory_space<vmem>>
        %dma_start3A_499 = tpu.memref_squeeze %dma_start3A_498 : memref<1x128xi32, #tpu.memory_space<vmem>> -> memref<128xi32, #tpu.memory_space<vmem>>
        %dma_start3A_500 = arith.constant 0 : i32
        %dma_start3A_501 = arith.constant 0 : i32
        %dma_start3A_502 = tpu.memref_slice %arg2[%dma_start3A_500, %dma_start3A_501] : memref<10000x48xf32, #tpu.memory_space<hbm>> -> memref<10000x48xf32, #tpu.memory_space<hbm>>
        tpu.enqueue_indirect_dma source(%dma_start3A_502 : memref<10000x48xf32, #tpu.memory_space<hbm>>) target(%arg13 : memref<128x48xf32, #tpu.memory_space<vmem>>) offsets(%dma_start3A_499 : memref<128xi32, #tpu.memory_space<vmem>>) semaphore(%arg22 : memref<!tpu.dma_semaphore, #tpu.memory_space<semaphore_mem>>)
      } else {
      }
      %mul3A_479 = arith.constant 8 : i32
      %mul3A_480 = arith.muli %mul3A_479, %while3A_282 : i32
      %add3A_481 = arith.constant 8 : i32
      %add3A_482 = arith.addi %mul3A_480, %add3A_481 : i32
      %add3A_483 = arith.constant 7 : i32
      %add3A_484 = arith.addi %add3A_482, %add3A_483 : i32
      %lt3A_485 = arith.cmpi slt, %add3A_484, %sub3A_47 : i32
      %convert_element_type3A_486 = arith.extui %lt3A_485 : i1 to i32
      %cond3A_487 = arith.constant 0 : i32
      %cond3A_488 = arith.cmpi ne, %convert_element_type3A_486, %cond3A_487 : i32
      scf.if %cond3A_488 {
        %sub3A_489 = arith.constant 8 : i32
        %sub3A_490 = arith.subi %add3A_484, %sub3A_489 : i32
        %dma_wait3A_491 = arith.constant 0 : i32
        %dma_wait3A_492 = tpu.memref_slice %arg6[%sub3A_490, %dma_wait3A_491] : memref<79x128xi32, #tpu.memory_space<vmem>> -> memref<1x128xi32, #tpu.memory_space<vmem>>
        %dma_wait3A_493 = tpu.memref_squeeze %dma_wait3A_492 : memref<1x128xi32, #tpu.memory_space<vmem>> -> memref<128xi32, #tpu.memory_space<vmem>>
        %dma_wait3A_494 = arith.constant 0 : i32
        %dma_wait3A_495 = arith.constant 0 : i32
        %dma_wait3A_496 = tpu.memref_slice %arg15[%dma_wait3A_494, %dma_wait3A_495] : memref<10000x48xf32, #tpu.memory_space<vmem_shared>> -> memref<10000x48xf32, #tpu.memory_space<vmem_shared>>
        tpu.wait_indirect_dma semaphore(%arg31 : memref<!tpu.dma_semaphore, #tpu.memory_space<semaphore_mem>>) src(%arg14 : memref<128x48xf32, #tpu.memory_space<vmem>>) dst(%dma_wait3A_496 : memref<10000x48xf32, #tpu.memory_space<vmem_shared>>)
        %dma_start3A_497 = arith.constant 0 : i32
        %dma_start3A_498 = tpu.memref_slice %arg5[%add3A_484, %dma_start3A_497] : memref<79x128xi32, #tpu.memory_space<vmem>> -> memref<1x128xi32, #tpu.memory_space<vmem>>
        %dma_start3A_499 = tpu.memref_squeeze %dma_start3A_498 : memref<1x128xi32, #tpu.memory_space<vmem>> -> memref<128xi32, #tpu.memory_space<vmem>>
        %dma_start3A_500 = arith.constant 0 : i32
        %dma_start3A_501 = arith.constant 0 : i32
        %dma_start3A_502 = tpu.memref_slice %arg2[%dma_start3A_500, %dma_start3A_501] : memref<10000x48xf32, #tpu.memory_space<hbm>> -> memref<10000x48xf32, #tpu.memory_space<hbm>>
        tpu.enqueue_indirect_dma source(%dma_start3A_502 : memref<10000x48xf32, #tpu.memory_space<hbm>>) target(%arg14 : memref<128x48xf32, #tpu.memory_space<vmem>>) offsets(%dma_start3A_499 : memref<128xi32, #tpu.memory_space<vmem>>) semaphore(%arg23 : memref<!tpu.dma_semaphore, #tpu.memory_space<semaphore_mem>>)
      } else {
      }
    }
    %jit3A_145 = arith.constant 8 : i32
    %div3A_146 = arith.divsi %sub3A_47, %jit3A_145 : i32
    %sign3A_147 = arith.constant 0 : i32
    %sign3A_148 = arith.cmpi sgt, %sub3A_47, %sign3A_147 : i32
    %sign3A_149 = arith.extui %sign3A_148 : i1 to i32
    %sign3A_150 = arith.constant 0 : i32
    %sign3A_151 = arith.cmpi slt, %sub3A_47, %sign3A_150 : i32
    %sign3A_152 = arith.extui %sign3A_151 : i1 to i32
    %sign3A_153 = arith.subi %sign3A_149, %sign3A_152 : i32
    %sign3A_154 = arith.constant 0 : i32
    %sign3A_155 = arith.cmpi sgt, %jit3A_145, %sign3A_154 : i32
    %sign3A_156 = arith.extui %sign3A_155 : i1 to i32
    %sign3A_157 = arith.constant 0 : i32
    %sign3A_158 = arith.cmpi slt, %jit3A_145, %sign3A_157 : i32
    %sign3A_159 = arith.extui %sign3A_158 : i1 to i32
    %sign3A_160 = arith.subi %sign3A_156, %sign3A_159 : i32
    %ne3A_161 = arith.cmpi ne, %sign3A_153, %sign3A_160 : i32
    %rem3A_162 = arith.remsi %sub3A_47, %jit3A_145 : i32
    %ne3A_163 = arith.constant 0 : i32
    %ne3A_164 = arith.cmpi ne, %rem3A_162, %ne3A_163 : i32
    %and3A_165 = arith.andi %ne3A_161, %ne3A_164 : i1
    %sub3A_166 = arith.constant 1 : i32
    %sub3A_167 = arith.subi %div3A_146, %sub3A_166 : i32
    %select_n3A_168 = arith.select %and3A_165, %sub3A_167, %div3A_146 : i32
    %mul3A_169 = arith.constant 8 : i32
    %mul3A_170 = arith.muli %select_n3A_168, %mul3A_169 : i32
    %add3A_171 = arith.constant 0 : i32
    %add3A_172 = arith.addi %mul3A_170, %add3A_171 : i32
    %lt3A = arith.cmpi slt, %add3A_172, %sub3A_47 : i32
    %add3A_173 = arith.constant 0 : i32
    %add3A_174 = arith.addi %mul3A_170, %add3A_173 : i32
    %convert_element_type3A_175 = arith.extui %lt3A : i1 to i32
    %cond3A_176 = arith.constant 0 : i32
    %cond3A_177 = arith.cmpi ne, %convert_element_type3A_175, %cond3A_176 : i32
    scf.if %cond3A_177 {
      %dma_wait3A = arith.constant 0 : i32
      %dma_wait3A_282 = tpu.memref_slice %arg5[%add3A_174, %dma_wait3A] : memref<79x128xi32, #tpu.memory_space<vmem>> -> memref<1x128xi32, #tpu.memory_space<vmem>>
      %dma_wait3A_283 = tpu.memref_squeeze %dma_wait3A_282 : memref<1x128xi32, #tpu.memory_space<vmem>> -> memref<128xi32, #tpu.memory_space<vmem>>
      %dma_wait3A_284 = arith.constant 0 : i32
      %dma_wait3A_285 = arith.constant 0 : i32
      %dma_wait3A_286 = tpu.memref_slice %arg2[%dma_wait3A_284, %dma_wait3A_285] : memref<10000x48xf32, #tpu.memory_space<hbm>> -> memref<10000x48xf32, #tpu.memory_space<hbm>>
      tpu.wait_indirect_dma semaphore(%arg16 : memref<!tpu.dma_semaphore, #tpu.memory_space<semaphore_mem>>) src(%dma_wait3A_286 : memref<10000x48xf32, #tpu.memory_space<hbm>>) dst(%arg7 : memref<128x48xf32, #tpu.memory_space<vmem>>)
      %dma_start3A = arith.constant 0 : i32
      %dma_start3A_287 = tpu.memref_slice %arg6[%add3A_174, %dma_start3A] : memref<79x128xi32, #tpu.memory_space<vmem>> -> memref<1x128xi32, #tpu.memory_space<vmem>>
      %dma_start3A_288 = tpu.memref_squeeze %dma_start3A_287 : memref<1x128xi32, #tpu.memory_space<vmem>> -> memref<128xi32, #tpu.memory_space<vmem>>
      %dma_start3A_289 = arith.constant 0 : i32
      %dma_start3A_290 = arith.constant 0 : i32
      %dma_start3A_291 = tpu.memref_slice %arg15[%dma_start3A_289, %dma_start3A_290] : memref<10000x48xf32, #tpu.memory_space<vmem_shared>> -> memref<10000x48xf32, #tpu.memory_space<vmem_shared>>
      tpu.enqueue_indirect_dma source(%arg7 : memref<128x48xf32, #tpu.memory_space<vmem>>) target(%dma_start3A_291 : memref<10000x48xf32, #tpu.memory_space<vmem_shared>>) offsets(%dma_start3A_288 : memref<128xi32, #tpu.memory_space<vmem>>) semaphore(%arg24 : memref<!tpu.dma_semaphore, #tpu.memory_space<semaphore_mem>>) {add = true}
    } else {
    }
    %add3A_178 = arith.constant 1 : i32
    %add3A_179 = arith.addi %mul3A_170, %add3A_178 : i32
    %lt3A_180 = arith.cmpi slt, %add3A_179, %sub3A_47 : i32
    %add3A_181 = arith.constant 1 : i32
    %add3A_182 = arith.addi %mul3A_170, %add3A_181 : i32
    %convert_element_type3A_183 = arith.extui %lt3A_180 : i1 to i32
    %cond3A_184 = arith.constant 0 : i32
    %cond3A_185 = arith.cmpi ne, %convert_element_type3A_183, %cond3A_184 : i32
    scf.if %cond3A_185 {
      %dma_wait3A = arith.constant 0 : i32
      %dma_wait3A_282 = tpu.memref_slice %arg5[%add3A_182, %dma_wait3A] : memref<79x128xi32, #tpu.memory_space<vmem>> -> memref<1x128xi32, #tpu.memory_space<vmem>>
      %dma_wait3A_283 = tpu.memref_squeeze %dma_wait3A_282 : memref<1x128xi32, #tpu.memory_space<vmem>> -> memref<128xi32, #tpu.memory_space<vmem>>
      %dma_wait3A_284 = arith.constant 0 : i32
      %dma_wait3A_285 = arith.constant 0 : i32
      %dma_wait3A_286 = tpu.memref_slice %arg2[%dma_wait3A_284, %dma_wait3A_285] : memref<10000x48xf32, #tpu.memory_space<hbm>> -> memref<10000x48xf32, #tpu.memory_space<hbm>>
      tpu.wait_indirect_dma semaphore(%arg17 : memref<!tpu.dma_semaphore, #tpu.memory_space<semaphore_mem>>) src(%dma_wait3A_286 : memref<10000x48xf32, #tpu.memory_space<hbm>>) dst(%arg8 : memref<128x48xf32, #tpu.memory_space<vmem>>)
      %dma_start3A = arith.constant 0 : i32
      %dma_start3A_287 = tpu.memref_slice %arg6[%add3A_182, %dma_start3A] : memref<79x128xi32, #tpu.memory_space<vmem>> -> memref<1x128xi32, #tpu.memory_space<vmem>>
      %dma_start3A_288 = tpu.memref_squeeze %dma_start3A_287 : memref<1x128xi32, #tpu.memory_space<vmem>> -> memref<128xi32, #tpu.memory_space<vmem>>
      %dma_start3A_289 = arith.constant 0 : i32
      %dma_start3A_290 = arith.constant 0 : i32
      %dma_start3A_291 = tpu.memref_slice %arg15[%dma_start3A_289, %dma_start3A_290] : memref<10000x48xf32, #tpu.memory_space<vmem_shared>> -> memref<10000x48xf32, #tpu.memory_space<vmem_shared>>
      tpu.enqueue_indirect_dma source(%arg8 : memref<128x48xf32, #tpu.memory_space<vmem>>) target(%dma_start3A_291 : memref<10000x48xf32, #tpu.memory_space<vmem_shared>>) offsets(%dma_start3A_288 : memref<128xi32, #tpu.memory_space<vmem>>) semaphore(%arg25 : memref<!tpu.dma_semaphore, #tpu.memory_space<semaphore_mem>>) {add = true}
    } else {
    }
    %add3A_186 = arith.constant 2 : i32
    %add3A_187 = arith.addi %mul3A_170, %add3A_186 : i32
    %lt3A_188 = arith.cmpi slt, %add3A_187, %sub3A_47 : i32
    %add3A_189 = arith.constant 2 : i32
    %add3A_190 = arith.addi %mul3A_170, %add3A_189 : i32
    %convert_element_type3A_191 = arith.extui %lt3A_188 : i1 to i32
    %cond3A_192 = arith.constant 0 : i32
    %cond3A_193 = arith.cmpi ne, %convert_element_type3A_191, %cond3A_192 : i32
    scf.if %cond3A_193 {
      %dma_wait3A = arith.constant 0 : i32
      %dma_wait3A_282 = tpu.memref_slice %arg5[%add3A_190, %dma_wait3A] : memref<79x128xi32, #tpu.memory_space<vmem>> -> memref<1x128xi32, #tpu.memory_space<vmem>>
      %dma_wait3A_283 = tpu.memref_squeeze %dma_wait3A_282 : memref<1x128xi32, #tpu.memory_space<vmem>> -> memref<128xi32, #tpu.memory_space<vmem>>
      %dma_wait3A_284 = arith.constant 0 : i32
      %dma_wait3A_285 = arith.constant 0 : i32
      %dma_wait3A_286 = tpu.memref_slice %arg2[%dma_wait3A_284, %dma_wait3A_285] : memref<10000x48xf32, #tpu.memory_space<hbm>> -> memref<10000x48xf32, #tpu.memory_space<hbm>>
      tpu.wait_indirect_dma semaphore(%arg18 : memref<!tpu.dma_semaphore, #tpu.memory_space<semaphore_mem>>) src(%dma_wait3A_286 : memref<10000x48xf32, #tpu.memory_space<hbm>>) dst(%arg9 : memref<128x48xf32, #tpu.memory_space<vmem>>)
      %dma_start3A = arith.constant 0 : i32
      %dma_start3A_287 = tpu.memref_slice %arg6[%add3A_190, %dma_start3A] : memref<79x128xi32, #tpu.memory_space<vmem>> -> memref<1x128xi32, #tpu.memory_space<vmem>>
      %dma_start3A_288 = tpu.memref_squeeze %dma_start3A_287 : memref<1x128xi32, #tpu.memory_space<vmem>> -> memref<128xi32, #tpu.memory_space<vmem>>
      %dma_start3A_289 = arith.constant 0 : i32
      %dma_start3A_290 = arith.constant 0 : i32
      %dma_start3A_291 = tpu.memref_slice %arg15[%dma_start3A_289, %dma_start3A_290] : memref<10000x48xf32, #tpu.memory_space<vmem_shared>> -> memref<10000x48xf32, #tpu.memory_space<vmem_shared>>
      tpu.enqueue_indirect_dma source(%arg9 : memref<128x48xf32, #tpu.memory_space<vmem>>) target(%dma_start3A_291 : memref<10000x48xf32, #tpu.memory_space<vmem_shared>>) offsets(%dma_start3A_288 : memref<128xi32, #tpu.memory_space<vmem>>) semaphore(%arg26 : memref<!tpu.dma_semaphore, #tpu.memory_space<semaphore_mem>>) {add = true}
    } else {
    }
    %add3A_194 = arith.constant 3 : i32
    %add3A_195 = arith.addi %mul3A_170, %add3A_194 : i32
    %lt3A_196 = arith.cmpi slt, %add3A_195, %sub3A_47 : i32
    %add3A_197 = arith.constant 3 : i32
    %add3A_198 = arith.addi %mul3A_170, %add3A_197 : i32
    %convert_element_type3A_199 = arith.extui %lt3A_196 : i1 to i32
    %cond3A_200 = arith.constant 0 : i32
    %cond3A_201 = arith.cmpi ne, %convert_element_type3A_199, %cond3A_200 : i32
    scf.if %cond3A_201 {
      %dma_wait3A = arith.constant 0 : i32
      %dma_wait3A_282 = tpu.memref_slice %arg5[%add3A_198, %dma_wait3A] : memref<79x128xi32, #tpu.memory_space<vmem>> -> memref<1x128xi32, #tpu.memory_space<vmem>>
      %dma_wait3A_283 = tpu.memref_squeeze %dma_wait3A_282 : memref<1x128xi32, #tpu.memory_space<vmem>> -> memref<128xi32, #tpu.memory_space<vmem>>
      %dma_wait3A_284 = arith.constant 0 : i32
      %dma_wait3A_285 = arith.constant 0 : i32
      %dma_wait3A_286 = tpu.memref_slice %arg2[%dma_wait3A_284, %dma_wait3A_285] : memref<10000x48xf32, #tpu.memory_space<hbm>> -> memref<10000x48xf32, #tpu.memory_space<hbm>>
      tpu.wait_indirect_dma semaphore(%arg19 : memref<!tpu.dma_semaphore, #tpu.memory_space<semaphore_mem>>) src(%dma_wait3A_286 : memref<10000x48xf32, #tpu.memory_space<hbm>>) dst(%arg10 : memref<128x48xf32, #tpu.memory_space<vmem>>)
      %dma_start3A = arith.constant 0 : i32
      %dma_start3A_287 = tpu.memref_slice %arg6[%add3A_198, %dma_start3A] : memref<79x128xi32, #tpu.memory_space<vmem>> -> memref<1x128xi32, #tpu.memory_space<vmem>>
      %dma_start3A_288 = tpu.memref_squeeze %dma_start3A_287 : memref<1x128xi32, #tpu.memory_space<vmem>> -> memref<128xi32, #tpu.memory_space<vmem>>
      %dma_start3A_289 = arith.constant 0 : i32
      %dma_start3A_290 = arith.constant 0 : i32
      %dma_start3A_291 = tpu.memref_slice %arg15[%dma_start3A_289, %dma_start3A_290] : memref<10000x48xf32, #tpu.memory_space<vmem_shared>> -> memref<10000x48xf32, #tpu.memory_space<vmem_shared>>
      tpu.enqueue_indirect_dma source(%arg10 : memref<128x48xf32, #tpu.memory_space<vmem>>) target(%dma_start3A_291 : memref<10000x48xf32, #tpu.memory_space<vmem_shared>>) offsets(%dma_start3A_288 : memref<128xi32, #tpu.memory_space<vmem>>) semaphore(%arg27 : memref<!tpu.dma_semaphore, #tpu.memory_space<semaphore_mem>>) {add = true}
    } else {
    }
    %add3A_202 = arith.constant 4 : i32
    %add3A_203 = arith.addi %mul3A_170, %add3A_202 : i32
    %lt3A_204 = arith.cmpi slt, %add3A_203, %sub3A_47 : i32
    %add3A_205 = arith.constant 4 : i32
    %add3A_206 = arith.addi %mul3A_170, %add3A_205 : i32
    %convert_element_type3A_207 = arith.extui %lt3A_204 : i1 to i32
    %cond3A_208 = arith.constant 0 : i32
    %cond3A_209 = arith.cmpi ne, %convert_element_type3A_207, %cond3A_208 : i32
    scf.if %cond3A_209 {
      %dma_wait3A = arith.constant 0 : i32
      %dma_wait3A_282 = tpu.memref_slice %arg5[%add3A_206, %dma_wait3A] : memref<79x128xi32, #tpu.memory_space<vmem>> -> memref<1x128xi32, #tpu.memory_space<vmem>>
      %dma_wait3A_283 = tpu.memref_squeeze %dma_wait3A_282 : memref<1x128xi32, #tpu.memory_space<vmem>> -> memref<128xi32, #tpu.memory_space<vmem>>
      %dma_wait3A_284 = arith.constant 0 : i32
      %dma_wait3A_285 = arith.constant 0 : i32
      %dma_wait3A_286 = tpu.memref_slice %arg2[%dma_wait3A_284, %dma_wait3A_285] : memref<10000x48xf32, #tpu.memory_space<hbm>> -> memref<10000x48xf32, #tpu.memory_space<hbm>>
      tpu.wait_indirect_dma semaphore(%arg20 : memref<!tpu.dma_semaphore, #tpu.memory_space<semaphore_mem>>) src(%dma_wait3A_286 : memref<10000x48xf32, #tpu.memory_space<hbm>>) dst(%arg11 : memref<128x48xf32, #tpu.memory_space<vmem>>)
      %dma_start3A = arith.constant 0 : i32
      %dma_start3A_287 = tpu.memref_slice %arg6[%add3A_206, %dma_start3A] : memref<79x128xi32, #tpu.memory_space<vmem>> -> memref<1x128xi32, #tpu.memory_space<vmem>>
      %dma_start3A_288 = tpu.memref_squeeze %dma_start3A_287 : memref<1x128xi32, #tpu.memory_space<vmem>> -> memref<128xi32, #tpu.memory_space<vmem>>
      %dma_start3A_289 = arith.constant 0 : i32
      %dma_start3A_290 = arith.constant 0 : i32
      %dma_start3A_291 = tpu.memref_slice %arg15[%dma_start3A_289, %dma_start3A_290] : memref<10000x48xf32, #tpu.memory_space<vmem_shared>> -> memref<10000x48xf32, #tpu.memory_space<vmem_shared>>
      tpu.enqueue_indirect_dma source(%arg11 : memref<128x48xf32, #tpu.memory_space<vmem>>) target(%dma_start3A_291 : memref<10000x48xf32, #tpu.memory_space<vmem_shared>>) offsets(%dma_start3A_288 : memref<128xi32, #tpu.memory_space<vmem>>) semaphore(%arg28 : memref<!tpu.dma_semaphore, #tpu.memory_space<semaphore_mem>>) {add = true}
    } else {
    }
    %add3A_210 = arith.constant 5 : i32
    %add3A_211 = arith.addi %mul3A_170, %add3A_210 : i32
    %lt3A_212 = arith.cmpi slt, %add3A_211, %sub3A_47 : i32
    %add3A_213 = arith.constant 5 : i32
    %add3A_214 = arith.addi %mul3A_170, %add3A_213 : i32
    %convert_element_type3A_215 = arith.extui %lt3A_212 : i1 to i32
    %cond3A_216 = arith.constant 0 : i32
    %cond3A_217 = arith.cmpi ne, %convert_element_type3A_215, %cond3A_216 : i32
    scf.if %cond3A_217 {
      %dma_wait3A = arith.constant 0 : i32
      %dma_wait3A_282 = tpu.memref_slice %arg5[%add3A_214, %dma_wait3A] : memref<79x128xi32, #tpu.memory_space<vmem>> -> memref<1x128xi32, #tpu.memory_space<vmem>>
      %dma_wait3A_283 = tpu.memref_squeeze %dma_wait3A_282 : memref<1x128xi32, #tpu.memory_space<vmem>> -> memref<128xi32, #tpu.memory_space<vmem>>
      %dma_wait3A_284 = arith.constant 0 : i32
      %dma_wait3A_285 = arith.constant 0 : i32
      %dma_wait3A_286 = tpu.memref_slice %arg2[%dma_wait3A_284, %dma_wait3A_285] : memref<10000x48xf32, #tpu.memory_space<hbm>> -> memref<10000x48xf32, #tpu.memory_space<hbm>>
      tpu.wait_indirect_dma semaphore(%arg21 : memref<!tpu.dma_semaphore, #tpu.memory_space<semaphore_mem>>) src(%dma_wait3A_286 : memref<10000x48xf32, #tpu.memory_space<hbm>>) dst(%arg12 : memref<128x48xf32, #tpu.memory_space<vmem>>)
      %dma_start3A = arith.constant 0 : i32
      %dma_start3A_287 = tpu.memref_slice %arg6[%add3A_214, %dma_start3A] : memref<79x128xi32, #tpu.memory_space<vmem>> -> memref<1x128xi32, #tpu.memory_space<vmem>>
      %dma_start3A_288 = tpu.memref_squeeze %dma_start3A_287 : memref<1x128xi32, #tpu.memory_space<vmem>> -> memref<128xi32, #tpu.memory_space<vmem>>
      %dma_start3A_289 = arith.constant 0 : i32
      %dma_start3A_290 = arith.constant 0 : i32
      %dma_start3A_291 = tpu.memref_slice %arg15[%dma_start3A_289, %dma_start3A_290] : memref<10000x48xf32, #tpu.memory_space<vmem_shared>> -> memref<10000x48xf32, #tpu.memory_space<vmem_shared>>
      tpu.enqueue_indirect_dma source(%arg12 : memref<128x48xf32, #tpu.memory_space<vmem>>) target(%dma_start3A_291 : memref<10000x48xf32, #tpu.memory_space<vmem_shared>>) offsets(%dma_start3A_288 : memref<128xi32, #tpu.memory_space<vmem>>) semaphore(%arg29 : memref<!tpu.dma_semaphore, #tpu.memory_space<semaphore_mem>>) {add = true}
    } else {
    }
    %add3A_218 = arith.constant 6 : i32
    %add3A_219 = arith.addi %mul3A_170, %add3A_218 : i32
    %lt3A_220 = arith.cmpi slt, %add3A_219, %sub3A_47 : i32
    %add3A_221 = arith.constant 6 : i32
    %add3A_222 = arith.addi %mul3A_170, %add3A_221 : i32
    %convert_element_type3A_223 = arith.extui %lt3A_220 : i1 to i32
    %cond3A_224 = arith.constant 0 : i32
    %cond3A_225 = arith.cmpi ne, %convert_element_type3A_223, %cond3A_224 : i32
    scf.if %cond3A_225 {
      %dma_wait3A = arith.constant 0 : i32
      %dma_wait3A_282 = tpu.memref_slice %arg5[%add3A_222, %dma_wait3A] : memref<79x128xi32, #tpu.memory_space<vmem>> -> memref<1x128xi32, #tpu.memory_space<vmem>>
      %dma_wait3A_283 = tpu.memref_squeeze %dma_wait3A_282 : memref<1x128xi32, #tpu.memory_space<vmem>> -> memref<128xi32, #tpu.memory_space<vmem>>
      %dma_wait3A_284 = arith.constant 0 : i32
      %dma_wait3A_285 = arith.constant 0 : i32
      %dma_wait3A_286 = tpu.memref_slice %arg2[%dma_wait3A_284, %dma_wait3A_285] : memref<10000x48xf32, #tpu.memory_space<hbm>> -> memref<10000x48xf32, #tpu.memory_space<hbm>>
      tpu.wait_indirect_dma semaphore(%arg22 : memref<!tpu.dma_semaphore, #tpu.memory_space<semaphore_mem>>) src(%dma_wait3A_286 : memref<10000x48xf32, #tpu.memory_space<hbm>>) dst(%arg13 : memref<128x48xf32, #tpu.memory_space<vmem>>)
      %dma_start3A = arith.constant 0 : i32
      %dma_start3A_287 = tpu.memref_slice %arg6[%add3A_222, %dma_start3A] : memref<79x128xi32, #tpu.memory_space<vmem>> -> memref<1x128xi32, #tpu.memory_space<vmem>>
      %dma_start3A_288 = tpu.memref_squeeze %dma_start3A_287 : memref<1x128xi32, #tpu.memory_space<vmem>> -> memref<128xi32, #tpu.memory_space<vmem>>
      %dma_start3A_289 = arith.constant 0 : i32
      %dma_start3A_290 = arith.constant 0 : i32
      %dma_start3A_291 = tpu.memref_slice %arg15[%dma_start3A_289, %dma_start3A_290] : memref<10000x48xf32, #tpu.memory_space<vmem_shared>> -> memref<10000x48xf32, #tpu.memory_space<vmem_shared>>
      tpu.enqueue_indirect_dma source(%arg13 : memref<128x48xf32, #tpu.memory_space<vmem>>) target(%dma_start3A_291 : memref<10000x48xf32, #tpu.memory_space<vmem_shared>>) offsets(%dma_start3A_288 : memref<128xi32, #tpu.memory_space<vmem>>) semaphore(%arg30 : memref<!tpu.dma_semaphore, #tpu.memory_space<semaphore_mem>>) {add = true}
    } else {
    }
    %add3A_226 = arith.constant 7 : i32
    %add3A_227 = arith.addi %mul3A_170, %add3A_226 : i32
    %lt3A_228 = arith.cmpi slt, %add3A_227, %sub3A_47 : i32
    %add3A_229 = arith.constant 7 : i32
    %add3A_230 = arith.addi %mul3A_170, %add3A_229 : i32
    %convert_element_type3A_231 = arith.extui %lt3A_228 : i1 to i32
    %cond3A_232 = arith.constant 0 : i32
    %cond3A_233 = arith.cmpi ne, %convert_element_type3A_231, %cond3A_232 : i32
    scf.if %cond3A_233 {
      %dma_wait3A = arith.constant 0 : i32
      %dma_wait3A_282 = tpu.memref_slice %arg5[%add3A_230, %dma_wait3A] : memref<79x128xi32, #tpu.memory_space<vmem>> -> memref<1x128xi32, #tpu.memory_space<vmem>>
      %dma_wait3A_283 = tpu.memref_squeeze %dma_wait3A_282 : memref<1x128xi32, #tpu.memory_space<vmem>> -> memref<128xi32, #tpu.memory_space<vmem>>
      %dma_wait3A_284 = arith.constant 0 : i32
      %dma_wait3A_285 = arith.constant 0 : i32
      %dma_wait3A_286 = tpu.memref_slice %arg2[%dma_wait3A_284, %dma_wait3A_285] : memref<10000x48xf32, #tpu.memory_space<hbm>> -> memref<10000x48xf32, #tpu.memory_space<hbm>>
      tpu.wait_indirect_dma semaphore(%arg23 : memref<!tpu.dma_semaphore, #tpu.memory_space<semaphore_mem>>) src(%dma_wait3A_286 : memref<10000x48xf32, #tpu.memory_space<hbm>>) dst(%arg14 : memref<128x48xf32, #tpu.memory_space<vmem>>)
      %dma_start3A = arith.constant 0 : i32
      %dma_start3A_287 = tpu.memref_slice %arg6[%add3A_230, %dma_start3A] : memref<79x128xi32, #tpu.memory_space<vmem>> -> memref<1x128xi32, #tpu.memory_space<vmem>>
      %dma_start3A_288 = tpu.memref_squeeze %dma_start3A_287 : memref<1x128xi32, #tpu.memory_space<vmem>> -> memref<128xi32, #tpu.memory_space<vmem>>
      %dma_start3A_289 = arith.constant 0 : i32
      %dma_start3A_290 = arith.constant 0 : i32
      %dma_start3A_291 = tpu.memref_slice %arg15[%dma_start3A_289, %dma_start3A_290] : memref<10000x48xf32, #tpu.memory_space<vmem_shared>> -> memref<10000x48xf32, #tpu.memory_space<vmem_shared>>
      tpu.enqueue_indirect_dma source(%arg14 : memref<128x48xf32, #tpu.memory_space<vmem>>) target(%dma_start3A_291 : memref<10000x48xf32, #tpu.memory_space<vmem_shared>>) offsets(%dma_start3A_288 : memref<128xi32, #tpu.memory_space<vmem>>) semaphore(%arg31 : memref<!tpu.dma_semaphore, #tpu.memory_space<semaphore_mem>>) {add = true}
    } else {
    }
    %gt3A_234 = arith.constant 0 : i32
    %gt3A_235 = arith.cmpi sgt, %sub3A_47, %gt3A_234 : i32
    %convert_element_type3A_236 = arith.extui %gt3A_235 : i1 to i32
    %cond3A_237 = arith.constant 0 : i32
    %cond3A_238 = arith.cmpi ne, %convert_element_type3A_236, %cond3A_237 : i32
    scf.if %cond3A_238 {
      %sub3A_282 = arith.constant 1 : i32
      %sub3A_283 = arith.subi %sub3A_47, %sub3A_282 : i32
      %sub3A_284 = arith.constant 0 : i32
      %sub3A_285 = arith.subi %sub3A_283, %sub3A_284 : i32
      %jit3A_286 = arith.constant 8 : i32
      %div3A_287 = arith.divsi %sub3A_285, %jit3A_286 : i32
      %sign3A_288 = arith.constant 0 : i32
      %sign3A_289 = arith.cmpi sgt, %sub3A_285, %sign3A_288 : i32
      %sign3A_290 = arith.extui %sign3A_289 : i1 to i32
      %sign3A_291 = arith.constant 0 : i32
      %sign3A_292 = arith.cmpi slt, %sub3A_285, %sign3A_291 : i32
      %sign3A_293 = arith.extui %sign3A_292 : i1 to i32
      %sign3A_294 = arith.subi %sign3A_290, %sign3A_293 : i32
      %sign3A_295 = arith.constant 0 : i32
      %sign3A_296 = arith.cmpi sgt, %jit3A_286, %sign3A_295 : i32
      %sign3A_297 = arith.extui %sign3A_296 : i1 to i32
      %sign3A_298 = arith.constant 0 : i32
      %sign3A_299 = arith.cmpi slt, %jit3A_286, %sign3A_298 : i32
      %sign3A_300 = arith.extui %sign3A_299 : i1 to i32
      %sign3A_301 = arith.subi %sign3A_297, %sign3A_300 : i32
      %ne3A_302 = arith.cmpi ne, %sign3A_294, %sign3A_301 : i32
      %rem3A_303 = arith.remsi %sub3A_285, %jit3A_286 : i32
      %ne3A_304 = arith.constant 0 : i32
      %ne3A_305 = arith.cmpi ne, %rem3A_303, %ne3A_304 : i32
      %and3A_306 = arith.andi %ne3A_302, %ne3A_305 : i1
      %sub3A_307 = arith.constant 1 : i32
      %sub3A_308 = arith.subi %div3A_287, %sub3A_307 : i32
      %select_n3A_309 = arith.select %and3A_306, %sub3A_308, %div3A_287 : i32
      %mul3A_310 = arith.constant 8 : i32
      %mul3A_311 = arith.muli %select_n3A_309, %mul3A_310 : i32
      %add3A_312 = arith.constant 0 : i32
      %add3A_313 = arith.addi %mul3A_311, %add3A_312 : i32
      %dma_wait3A = arith.constant 0 : i32
      %dma_wait3A_314 = tpu.memref_slice %arg6[%add3A_313, %dma_wait3A] : memref<79x128xi32, #tpu.memory_space<vmem>> -> memref<1x128xi32, #tpu.memory_space<vmem>>
      %dma_wait3A_315 = tpu.memref_squeeze %dma_wait3A_314 : memref<1x128xi32, #tpu.memory_space<vmem>> -> memref<128xi32, #tpu.memory_space<vmem>>
      %dma_wait3A_316 = arith.constant 0 : i32
      %dma_wait3A_317 = arith.constant 0 : i32
      %dma_wait3A_318 = tpu.memref_slice %arg15[%dma_wait3A_316, %dma_wait3A_317] : memref<10000x48xf32, #tpu.memory_space<vmem_shared>> -> memref<10000x48xf32, #tpu.memory_space<vmem_shared>>
      tpu.wait_indirect_dma semaphore(%arg24 : memref<!tpu.dma_semaphore, #tpu.memory_space<semaphore_mem>>) src(%arg7 : memref<128x48xf32, #tpu.memory_space<vmem>>) dst(%dma_wait3A_318 : memref<10000x48xf32, #tpu.memory_space<vmem_shared>>)
    } else {
    }
    %gt3A_239 = arith.constant 1 : i32
    %gt3A_240 = arith.cmpi sgt, %sub3A_47, %gt3A_239 : i32
    %convert_element_type3A_241 = arith.extui %gt3A_240 : i1 to i32
    %cond3A_242 = arith.constant 0 : i32
    %cond3A_243 = arith.cmpi ne, %convert_element_type3A_241, %cond3A_242 : i32
    scf.if %cond3A_243 {
      %sub3A_282 = arith.constant 1 : i32
      %sub3A_283 = arith.subi %sub3A_47, %sub3A_282 : i32
      %sub3A_284 = arith.constant 1 : i32
      %sub3A_285 = arith.subi %sub3A_283, %sub3A_284 : i32
      %jit3A_286 = arith.constant 8 : i32
      %div3A_287 = arith.divsi %sub3A_285, %jit3A_286 : i32
      %sign3A_288 = arith.constant 0 : i32
      %sign3A_289 = arith.cmpi sgt, %sub3A_285, %sign3A_288 : i32
      %sign3A_290 = arith.extui %sign3A_289 : i1 to i32
      %sign3A_291 = arith.constant 0 : i32
      %sign3A_292 = arith.cmpi slt, %sub3A_285, %sign3A_291 : i32
      %sign3A_293 = arith.extui %sign3A_292 : i1 to i32
      %sign3A_294 = arith.subi %sign3A_290, %sign3A_293 : i32
      %sign3A_295 = arith.constant 0 : i32
      %sign3A_296 = arith.cmpi sgt, %jit3A_286, %sign3A_295 : i32
      %sign3A_297 = arith.extui %sign3A_296 : i1 to i32
      %sign3A_298 = arith.constant 0 : i32
      %sign3A_299 = arith.cmpi slt, %jit3A_286, %sign3A_298 : i32
      %sign3A_300 = arith.extui %sign3A_299 : i1 to i32
      %sign3A_301 = arith.subi %sign3A_297, %sign3A_300 : i32
      %ne3A_302 = arith.cmpi ne, %sign3A_294, %sign3A_301 : i32
      %rem3A_303 = arith.remsi %sub3A_285, %jit3A_286 : i32
      %ne3A_304 = arith.constant 0 : i32
      %ne3A_305 = arith.cmpi ne, %rem3A_303, %ne3A_304 : i32
      %and3A_306 = arith.andi %ne3A_302, %ne3A_305 : i1
      %sub3A_307 = arith.constant 1 : i32
      %sub3A_308 = arith.subi %div3A_287, %sub3A_307 : i32
      %select_n3A_309 = arith.select %and3A_306, %sub3A_308, %div3A_287 : i32
      %mul3A_310 = arith.constant 8 : i32
      %mul3A_311 = arith.muli %select_n3A_309, %mul3A_310 : i32
      %add3A_312 = arith.constant 1 : i32
      %add3A_313 = arith.addi %mul3A_311, %add3A_312 : i32
      %dma_wait3A = arith.constant 0 : i32
      %dma_wait3A_314 = tpu.memref_slice %arg6[%add3A_313, %dma_wait3A] : memref<79x128xi32, #tpu.memory_space<vmem>> -> memref<1x128xi32, #tpu.memory_space<vmem>>
      %dma_wait3A_315 = tpu.memref_squeeze %dma_wait3A_314 : memref<1x128xi32, #tpu.memory_space<vmem>> -> memref<128xi32, #tpu.memory_space<vmem>>
      %dma_wait3A_316 = arith.constant 0 : i32
      %dma_wait3A_317 = arith.constant 0 : i32
      %dma_wait3A_318 = tpu.memref_slice %arg15[%dma_wait3A_316, %dma_wait3A_317] : memref<10000x48xf32, #tpu.memory_space<vmem_shared>> -> memref<10000x48xf32, #tpu.memory_space<vmem_shared>>
      tpu.wait_indirect_dma semaphore(%arg25 : memref<!tpu.dma_semaphore, #tpu.memory_space<semaphore_mem>>) src(%arg8 : memref<128x48xf32, #tpu.memory_space<vmem>>) dst(%dma_wait3A_318 : memref<10000x48xf32, #tpu.memory_space<vmem_shared>>)
    } else {
    }
    %gt3A_244 = arith.constant 2 : i32
    %gt3A_245 = arith.cmpi sgt, %sub3A_47, %gt3A_244 : i32
    %convert_element_type3A_246 = arith.extui %gt3A_245 : i1 to i32
    %cond3A_247 = arith.constant 0 : i32
    %cond3A_248 = arith.cmpi ne, %convert_element_type3A_246, %cond3A_247 : i32
    scf.if %cond3A_248 {
      %sub3A_282 = arith.constant 1 : i32
      %sub3A_283 = arith.subi %sub3A_47, %sub3A_282 : i32
      %sub3A_284 = arith.constant 2 : i32
      %sub3A_285 = arith.subi %sub3A_283, %sub3A_284 : i32
      %jit3A_286 = arith.constant 8 : i32
      %div3A_287 = arith.divsi %sub3A_285, %jit3A_286 : i32
      %sign3A_288 = arith.constant 0 : i32
      %sign3A_289 = arith.cmpi sgt, %sub3A_285, %sign3A_288 : i32
      %sign3A_290 = arith.extui %sign3A_289 : i1 to i32
      %sign3A_291 = arith.constant 0 : i32
      %sign3A_292 = arith.cmpi slt, %sub3A_285, %sign3A_291 : i32
      %sign3A_293 = arith.extui %sign3A_292 : i1 to i32
      %sign3A_294 = arith.subi %sign3A_290, %sign3A_293 : i32
      %sign3A_295 = arith.constant 0 : i32
      %sign3A_296 = arith.cmpi sgt, %jit3A_286, %sign3A_295 : i32
      %sign3A_297 = arith.extui %sign3A_296 : i1 to i32
      %sign3A_298 = arith.constant 0 : i32
      %sign3A_299 = arith.cmpi slt, %jit3A_286, %sign3A_298 : i32
      %sign3A_300 = arith.extui %sign3A_299 : i1 to i32
      %sign3A_301 = arith.subi %sign3A_297, %sign3A_300 : i32
      %ne3A_302 = arith.cmpi ne, %sign3A_294, %sign3A_301 : i32
      %rem3A_303 = arith.remsi %sub3A_285, %jit3A_286 : i32
      %ne3A_304 = arith.constant 0 : i32
      %ne3A_305 = arith.cmpi ne, %rem3A_303, %ne3A_304 : i32
      %and3A_306 = arith.andi %ne3A_302, %ne3A_305 : i1
      %sub3A_307 = arith.constant 1 : i32
      %sub3A_308 = arith.subi %div3A_287, %sub3A_307 : i32
      %select_n3A_309 = arith.select %and3A_306, %sub3A_308, %div3A_287 : i32
      %mul3A_310 = arith.constant 8 : i32
      %mul3A_311 = arith.muli %select_n3A_309, %mul3A_310 : i32
      %add3A_312 = arith.constant 2 : i32
      %add3A_313 = arith.addi %mul3A_311, %add3A_312 : i32
      %dma_wait3A = arith.constant 0 : i32
      %dma_wait3A_314 = tpu.memref_slice %arg6[%add3A_313, %dma_wait3A] : memref<79x128xi32, #tpu.memory_space<vmem>> -> memref<1x128xi32, #tpu.memory_space<vmem>>
      %dma_wait3A_315 = tpu.memref_squeeze %dma_wait3A_314 : memref<1x128xi32, #tpu.memory_space<vmem>> -> memref<128xi32, #tpu.memory_space<vmem>>
      %dma_wait3A_316 = arith.constant 0 : i32
      %dma_wait3A_317 = arith.constant 0 : i32
      %dma_wait3A_318 = tpu.memref_slice %arg15[%dma_wait3A_316, %dma_wait3A_317] : memref<10000x48xf32, #tpu.memory_space<vmem_shared>> -> memref<10000x48xf32, #tpu.memory_space<vmem_shared>>
      tpu.wait_indirect_dma semaphore(%arg26 : memref<!tpu.dma_semaphore, #tpu.memory_space<semaphore_mem>>) src(%arg9 : memref<128x48xf32, #tpu.memory_space<vmem>>) dst(%dma_wait3A_318 : memref<10000x48xf32, #tpu.memory_space<vmem_shared>>)
    } else {
    }
    %gt3A_249 = arith.constant 3 : i32
    %gt3A_250 = arith.cmpi sgt, %sub3A_47, %gt3A_249 : i32
    %convert_element_type3A_251 = arith.extui %gt3A_250 : i1 to i32
    %cond3A_252 = arith.constant 0 : i32
    %cond3A_253 = arith.cmpi ne, %convert_element_type3A_251, %cond3A_252 : i32
    scf.if %cond3A_253 {
      %sub3A_282 = arith.constant 1 : i32
      %sub3A_283 = arith.subi %sub3A_47, %sub3A_282 : i32
      %sub3A_284 = arith.constant 3 : i32
      %sub3A_285 = arith.subi %sub3A_283, %sub3A_284 : i32
      %jit3A_286 = arith.constant 8 : i32
      %div3A_287 = arith.divsi %sub3A_285, %jit3A_286 : i32
      %sign3A_288 = arith.constant 0 : i32
      %sign3A_289 = arith.cmpi sgt, %sub3A_285, %sign3A_288 : i32
      %sign3A_290 = arith.extui %sign3A_289 : i1 to i32
      %sign3A_291 = arith.constant 0 : i32
      %sign3A_292 = arith.cmpi slt, %sub3A_285, %sign3A_291 : i32
      %sign3A_293 = arith.extui %sign3A_292 : i1 to i32
      %sign3A_294 = arith.subi %sign3A_290, %sign3A_293 : i32
      %sign3A_295 = arith.constant 0 : i32
      %sign3A_296 = arith.cmpi sgt, %jit3A_286, %sign3A_295 : i32
      %sign3A_297 = arith.extui %sign3A_296 : i1 to i32
      %sign3A_298 = arith.constant 0 : i32
      %sign3A_299 = arith.cmpi slt, %jit3A_286, %sign3A_298 : i32
      %sign3A_300 = arith.extui %sign3A_299 : i1 to i32
      %sign3A_301 = arith.subi %sign3A_297, %sign3A_300 : i32
      %ne3A_302 = arith.cmpi ne, %sign3A_294, %sign3A_301 : i32
      %rem3A_303 = arith.remsi %sub3A_285, %jit3A_286 : i32
      %ne3A_304 = arith.constant 0 : i32
      %ne3A_305 = arith.cmpi ne, %rem3A_303, %ne3A_304 : i32
      %and3A_306 = arith.andi %ne3A_302, %ne3A_305 : i1
      %sub3A_307 = arith.constant 1 : i32
      %sub3A_308 = arith.subi %div3A_287, %sub3A_307 : i32
      %select_n3A_309 = arith.select %and3A_306, %sub3A_308, %div3A_287 : i32
      %mul3A_310 = arith.constant 8 : i32
      %mul3A_311 = arith.muli %select_n3A_309, %mul3A_310 : i32
      %add3A_312 = arith.constant 3 : i32
      %add3A_313 = arith.addi %mul3A_311, %add3A_312 : i32
      %dma_wait3A = arith.constant 0 : i32
      %dma_wait3A_314 = tpu.memref_slice %arg6[%add3A_313, %dma_wait3A] : memref<79x128xi32, #tpu.memory_space<vmem>> -> memref<1x128xi32, #tpu.memory_space<vmem>>
      %dma_wait3A_315 = tpu.memref_squeeze %dma_wait3A_314 : memref<1x128xi32, #tpu.memory_space<vmem>> -> memref<128xi32, #tpu.memory_space<vmem>>
      %dma_wait3A_316 = arith.constant 0 : i32
      %dma_wait3A_317 = arith.constant 0 : i32
      %dma_wait3A_318 = tpu.memref_slice %arg15[%dma_wait3A_316, %dma_wait3A_317] : memref<10000x48xf32, #tpu.memory_space<vmem_shared>> -> memref<10000x48xf32, #tpu.memory_space<vmem_shared>>
      tpu.wait_indirect_dma semaphore(%arg27 : memref<!tpu.dma_semaphore, #tpu.memory_space<semaphore_mem>>) src(%arg10 : memref<128x48xf32, #tpu.memory_space<vmem>>) dst(%dma_wait3A_318 : memref<10000x48xf32, #tpu.memory_space<vmem_shared>>)
    } else {
    }
    %gt3A_254 = arith.constant 4 : i32
    %gt3A_255 = arith.cmpi sgt, %sub3A_47, %gt3A_254 : i32
    %convert_element_type3A_256 = arith.extui %gt3A_255 : i1 to i32
    %cond3A_257 = arith.constant 0 : i32
    %cond3A_258 = arith.cmpi ne, %convert_element_type3A_256, %cond3A_257 : i32
    scf.if %cond3A_258 {
      %sub3A_282 = arith.constant 1 : i32
      %sub3A_283 = arith.subi %sub3A_47, %sub3A_282 : i32
      %sub3A_284 = arith.constant 4 : i32
      %sub3A_285 = arith.subi %sub3A_283, %sub3A_284 : i32
      %jit3A_286 = arith.constant 8 : i32
      %div3A_287 = arith.divsi %sub3A_285, %jit3A_286 : i32
      %sign3A_288 = arith.constant 0 : i32
      %sign3A_289 = arith.cmpi sgt, %sub3A_285, %sign3A_288 : i32
      %sign3A_290 = arith.extui %sign3A_289 : i1 to i32
      %sign3A_291 = arith.constant 0 : i32
      %sign3A_292 = arith.cmpi slt, %sub3A_285, %sign3A_291 : i32
      %sign3A_293 = arith.extui %sign3A_292 : i1 to i32
      %sign3A_294 = arith.subi %sign3A_290, %sign3A_293 : i32
      %sign3A_295 = arith.constant 0 : i32
      %sign3A_296 = arith.cmpi sgt, %jit3A_286, %sign3A_295 : i32
      %sign3A_297 = arith.extui %sign3A_296 : i1 to i32
      %sign3A_298 = arith.constant 0 : i32
      %sign3A_299 = arith.cmpi slt, %jit3A_286, %sign3A_298 : i32
      %sign3A_300 = arith.extui %sign3A_299 : i1 to i32
      %sign3A_301 = arith.subi %sign3A_297, %sign3A_300 : i32
      %ne3A_302 = arith.cmpi ne, %sign3A_294, %sign3A_301 : i32
      %rem3A_303 = arith.remsi %sub3A_285, %jit3A_286 : i32
      %ne3A_304 = arith.constant 0 : i32
      %ne3A_305 = arith.cmpi ne, %rem3A_303, %ne3A_304 : i32
      %and3A_306 = arith.andi %ne3A_302, %ne3A_305 : i1
      %sub3A_307 = arith.constant 1 : i32
      %sub3A_308 = arith.subi %div3A_287, %sub3A_307 : i32
      %select_n3A_309 = arith.select %and3A_306, %sub3A_308, %div3A_287 : i32
      %mul3A_310 = arith.constant 8 : i32
      %mul3A_311 = arith.muli %select_n3A_309, %mul3A_310 : i32
      %add3A_312 = arith.constant 4 : i32
      %add3A_313 = arith.addi %mul3A_311, %add3A_312 : i32
      %dma_wait3A = arith.constant 0 : i32
      %dma_wait3A_314 = tpu.memref_slice %arg6[%add3A_313, %dma_wait3A] : memref<79x128xi32, #tpu.memory_space<vmem>> -> memref<1x128xi32, #tpu.memory_space<vmem>>
      %dma_wait3A_315 = tpu.memref_squeeze %dma_wait3A_314 : memref<1x128xi32, #tpu.memory_space<vmem>> -> memref<128xi32, #tpu.memory_space<vmem>>
      %dma_wait3A_316 = arith.constant 0 : i32
      %dma_wait3A_317 = arith.constant 0 : i32
      %dma_wait3A_318 = tpu.memref_slice %arg15[%dma_wait3A_316, %dma_wait3A_317] : memref<10000x48xf32, #tpu.memory_space<vmem_shared>> -> memref<10000x48xf32, #tpu.memory_space<vmem_shared>>
      tpu.wait_indirect_dma semaphore(%arg28 : memref<!tpu.dma_semaphore, #tpu.memory_space<semaphore_mem>>) src(%arg11 : memref<128x48xf32, #tpu.memory_space<vmem>>) dst(%dma_wait3A_318 : memref<10000x48xf32, #tpu.memory_space<vmem_shared>>)
    } else {
    }
    %gt3A_259 = arith.constant 5 : i32
    %gt3A_260 = arith.cmpi sgt, %sub3A_47, %gt3A_259 : i32
    %convert_element_type3A_261 = arith.extui %gt3A_260 : i1 to i32
    %cond3A_262 = arith.constant 0 : i32
    %cond3A_263 = arith.cmpi ne, %convert_element_type3A_261, %cond3A_262 : i32
    scf.if %cond3A_263 {
      %sub3A_282 = arith.constant 1 : i32
      %sub3A_283 = arith.subi %sub3A_47, %sub3A_282 : i32
      %sub3A_284 = arith.constant 5 : i32
      %sub3A_285 = arith.subi %sub3A_283, %sub3A_284 : i32
      %jit3A_286 = arith.constant 8 : i32
      %div3A_287 = arith.divsi %sub3A_285, %jit3A_286 : i32
      %sign3A_288 = arith.constant 0 : i32
      %sign3A_289 = arith.cmpi sgt, %sub3A_285, %sign3A_288 : i32
      %sign3A_290 = arith.extui %sign3A_289 : i1 to i32
      %sign3A_291 = arith.constant 0 : i32
      %sign3A_292 = arith.cmpi slt, %sub3A_285, %sign3A_291 : i32
      %sign3A_293 = arith.extui %sign3A_292 : i1 to i32
      %sign3A_294 = arith.subi %sign3A_290, %sign3A_293 : i32
      %sign3A_295 = arith.constant 0 : i32
      %sign3A_296 = arith.cmpi sgt, %jit3A_286, %sign3A_295 : i32
      %sign3A_297 = arith.extui %sign3A_296 : i1 to i32
      %sign3A_298 = arith.constant 0 : i32
      %sign3A_299 = arith.cmpi slt, %jit3A_286, %sign3A_298 : i32
      %sign3A_300 = arith.extui %sign3A_299 : i1 to i32
      %sign3A_301 = arith.subi %sign3A_297, %sign3A_300 : i32
      %ne3A_302 = arith.cmpi ne, %sign3A_294, %sign3A_301 : i32
      %rem3A_303 = arith.remsi %sub3A_285, %jit3A_286 : i32
      %ne3A_304 = arith.constant 0 : i32
      %ne3A_305 = arith.cmpi ne, %rem3A_303, %ne3A_304 : i32
      %and3A_306 = arith.andi %ne3A_302, %ne3A_305 : i1
      %sub3A_307 = arith.constant 1 : i32
      %sub3A_308 = arith.subi %div3A_287, %sub3A_307 : i32
      %select_n3A_309 = arith.select %and3A_306, %sub3A_308, %div3A_287 : i32
      %mul3A_310 = arith.constant 8 : i32
      %mul3A_311 = arith.muli %select_n3A_309, %mul3A_310 : i32
      %add3A_312 = arith.constant 5 : i32
      %add3A_313 = arith.addi %mul3A_311, %add3A_312 : i32
      %dma_wait3A = arith.constant 0 : i32
      %dma_wait3A_314 = tpu.memref_slice %arg6[%add3A_313, %dma_wait3A] : memref<79x128xi32, #tpu.memory_space<vmem>> -> memref<1x128xi32, #tpu.memory_space<vmem>>
      %dma_wait3A_315 = tpu.memref_squeeze %dma_wait3A_314 : memref<1x128xi32, #tpu.memory_space<vmem>> -> memref<128xi32, #tpu.memory_space<vmem>>
      %dma_wait3A_316 = arith.constant 0 : i32
      %dma_wait3A_317 = arith.constant 0 : i32
      %dma_wait3A_318 = tpu.memref_slice %arg15[%dma_wait3A_316, %dma_wait3A_317] : memref<10000x48xf32, #tpu.memory_space<vmem_shared>> -> memref<10000x48xf32, #tpu.memory_space<vmem_shared>>
      tpu.wait_indirect_dma semaphore(%arg29 : memref<!tpu.dma_semaphore, #tpu.memory_space<semaphore_mem>>) src(%arg12 : memref<128x48xf32, #tpu.memory_space<vmem>>) dst(%dma_wait3A_318 : memref<10000x48xf32, #tpu.memory_space<vmem_shared>>)
    } else {
    }
    %gt3A_264 = arith.constant 6 : i32
    %gt3A_265 = arith.cmpi sgt, %sub3A_47, %gt3A_264 : i32
    %convert_element_type3A_266 = arith.extui %gt3A_265 : i1 to i32
    %cond3A_267 = arith.constant 0 : i32
    %cond3A_268 = arith.cmpi ne, %convert_element_type3A_266, %cond3A_267 : i32
    scf.if %cond3A_268 {
      %sub3A_282 = arith.constant 1 : i32
      %sub3A_283 = arith.subi %sub3A_47, %sub3A_282 : i32
      %sub3A_284 = arith.constant 6 : i32
      %sub3A_285 = arith.subi %sub3A_283, %sub3A_284 : i32
      %jit3A_286 = arith.constant 8 : i32
      %div3A_287 = arith.divsi %sub3A_285, %jit3A_286 : i32
      %sign3A_288 = arith.constant 0 : i32
      %sign3A_289 = arith.cmpi sgt, %sub3A_285, %sign3A_288 : i32
      %sign3A_290 = arith.extui %sign3A_289 : i1 to i32
      %sign3A_291 = arith.constant 0 : i32
      %sign3A_292 = arith.cmpi slt, %sub3A_285, %sign3A_291 : i32
      %sign3A_293 = arith.extui %sign3A_292 : i1 to i32
      %sign3A_294 = arith.subi %sign3A_290, %sign3A_293 : i32
      %sign3A_295 = arith.constant 0 : i32
      %sign3A_296 = arith.cmpi sgt, %jit3A_286, %sign3A_295 : i32
      %sign3A_297 = arith.extui %sign3A_296 : i1 to i32
      %sign3A_298 = arith.constant 0 : i32
      %sign3A_299 = arith.cmpi slt, %jit3A_286, %sign3A_298 : i32
      %sign3A_300 = arith.extui %sign3A_299 : i1 to i32
      %sign3A_301 = arith.subi %sign3A_297, %sign3A_300 : i32
      %ne3A_302 = arith.cmpi ne, %sign3A_294, %sign3A_301 : i32
      %rem3A_303 = arith.remsi %sub3A_285, %jit3A_286 : i32
      %ne3A_304 = arith.constant 0 : i32
      %ne3A_305 = arith.cmpi ne, %rem3A_303, %ne3A_304 : i32
      %and3A_306 = arith.andi %ne3A_302, %ne3A_305 : i1
      %sub3A_307 = arith.constant 1 : i32
      %sub3A_308 = arith.subi %div3A_287, %sub3A_307 : i32
      %select_n3A_309 = arith.select %and3A_306, %sub3A_308, %div3A_287 : i32
      %mul3A_310 = arith.constant 8 : i32
      %mul3A_311 = arith.muli %select_n3A_309, %mul3A_310 : i32
      %add3A_312 = arith.constant 6 : i32
      %add3A_313 = arith.addi %mul3A_311, %add3A_312 : i32
      %dma_wait3A = arith.constant 0 : i32
      %dma_wait3A_314 = tpu.memref_slice %arg6[%add3A_313, %dma_wait3A] : memref<79x128xi32, #tpu.memory_space<vmem>> -> memref<1x128xi32, #tpu.memory_space<vmem>>
      %dma_wait3A_315 = tpu.memref_squeeze %dma_wait3A_314 : memref<1x128xi32, #tpu.memory_space<vmem>> -> memref<128xi32, #tpu.memory_space<vmem>>
      %dma_wait3A_316 = arith.constant 0 : i32
      %dma_wait3A_317 = arith.constant 0 : i32
      %dma_wait3A_318 = tpu.memref_slice %arg15[%dma_wait3A_316, %dma_wait3A_317] : memref<10000x48xf32, #tpu.memory_space<vmem_shared>> -> memref<10000x48xf32, #tpu.memory_space<vmem_shared>>
      tpu.wait_indirect_dma semaphore(%arg30 : memref<!tpu.dma_semaphore, #tpu.memory_space<semaphore_mem>>) src(%arg13 : memref<128x48xf32, #tpu.memory_space<vmem>>) dst(%dma_wait3A_318 : memref<10000x48xf32, #tpu.memory_space<vmem_shared>>)
    } else {
    }
    %gt3A_269 = arith.constant 7 : i32
    %gt3A_270 = arith.cmpi sgt, %sub3A_47, %gt3A_269 : i32
    %convert_element_type3A_271 = arith.extui %gt3A_270 : i1 to i32
    %cond3A_272 = arith.constant 0 : i32
    %cond3A_273 = arith.cmpi ne, %convert_element_type3A_271, %cond3A_272 : i32
    scf.if %cond3A_273 {
      %sub3A_282 = arith.constant 1 : i32
      %sub3A_283 = arith.subi %sub3A_47, %sub3A_282 : i32
      %sub3A_284 = arith.constant 7 : i32
      %sub3A_285 = arith.subi %sub3A_283, %sub3A_284 : i32
      %jit3A_286 = arith.constant 8 : i32
      %div3A_287 = arith.divsi %sub3A_285, %jit3A_286 : i32
      %sign3A_288 = arith.constant 0 : i32
      %sign3A_289 = arith.cmpi sgt, %sub3A_285, %sign3A_288 : i32
      %sign3A_290 = arith.extui %sign3A_289 : i1 to i32
      %sign3A_291 = arith.constant 0 : i32
      %sign3A_292 = arith.cmpi slt, %sub3A_285, %sign3A_291 : i32
      %sign3A_293 = arith.extui %sign3A_292 : i1 to i32
      %sign3A_294 = arith.subi %sign3A_290, %sign3A_293 : i32
      %sign3A_295 = arith.constant 0 : i32
      %sign3A_296 = arith.cmpi sgt, %jit3A_286, %sign3A_295 : i32
      %sign3A_297 = arith.extui %sign3A_296 : i1 to i32
      %sign3A_298 = arith.constant 0 : i32
      %sign3A_299 = arith.cmpi slt, %jit3A_286, %sign3A_298 : i32
      %sign3A_300 = arith.extui %sign3A_299 : i1 to i32
      %sign3A_301 = arith.subi %sign3A_297, %sign3A_300 : i32
      %ne3A_302 = arith.cmpi ne, %sign3A_294, %sign3A_301 : i32
      %rem3A_303 = arith.remsi %sub3A_285, %jit3A_286 : i32
      %ne3A_304 = arith.constant 0 : i32
      %ne3A_305 = arith.cmpi ne, %rem3A_303, %ne3A_304 : i32
      %and3A_306 = arith.andi %ne3A_302, %ne3A_305 : i1
      %sub3A_307 = arith.constant 1 : i32
      %sub3A_308 = arith.subi %div3A_287, %sub3A_307 : i32
      %select_n3A_309 = arith.select %and3A_306, %sub3A_308, %div3A_287 : i32
      %mul3A_310 = arith.constant 8 : i32
      %mul3A_311 = arith.muli %select_n3A_309, %mul3A_310 : i32
      %add3A_312 = arith.constant 7 : i32
      %add3A_313 = arith.addi %mul3A_311, %add3A_312 : i32
      %dma_wait3A = arith.constant 0 : i32
      %dma_wait3A_314 = tpu.memref_slice %arg6[%add3A_313, %dma_wait3A] : memref<79x128xi32, #tpu.memory_space<vmem>> -> memref<1x128xi32, #tpu.memory_space<vmem>>
      %dma_wait3A_315 = tpu.memref_squeeze %dma_wait3A_314 : memref<1x128xi32, #tpu.memory_space<vmem>> -> memref<128xi32, #tpu.memory_space<vmem>>
      %dma_wait3A_316 = arith.constant 0 : i32
      %dma_wait3A_317 = arith.constant 0 : i32
      %dma_wait3A_318 = tpu.memref_slice %arg15[%dma_wait3A_316, %dma_wait3A_317] : memref<10000x48xf32, #tpu.memory_space<vmem_shared>> -> memref<10000x48xf32, #tpu.memory_space<vmem_shared>>
      tpu.wait_indirect_dma semaphore(%arg31 : memref<!tpu.dma_semaphore, #tpu.memory_space<semaphore_mem>>) src(%arg14 : memref<128x48xf32, #tpu.memory_space<vmem>>) dst(%dma_wait3A_318 : memref<10000x48xf32, #tpu.memory_space<vmem_shared>>)
    } else {
    }
    %barrier3A_274 = arith.constant 0 : index
    tpu.barrier barrier_id(%barrier3A_274)
    %mul3A_275 = arith.constant 625 : i32
    %mul3A_276 = arith.muli %arg1, %mul3A_275 : i32
    %mul3A_277 = arith.constant 10000 : i32
    %mul3A_278 = arith.muli %arg0, %mul3A_277 : i32
    %mul3A_279 = arith.constant 625 : i32
    %mul3A_280 = arith.muli %arg1, %mul3A_279 : i32
    %add3A_281 = arith.addi %mul3A_278, %mul3A_280 : i32
    "tpu.region"() ({
      %run_scoped3A_282 = tpu.sem_alloc : memref<!tpu.dma_semaphore, #tpu.memory_space<semaphore_mem>>
      %dma_start3A = arith.constant 0 : i32
      %dma_start3A_283 = tpu.memref_slice %arg4[%add3A_281, %dma_start3A] : memref<20000x128xf32, #tpu.memory_space<hbm>> -> memref<625x48xf32, #tpu.memory_space<hbm>>
      %dma_start3A_284 = arith.constant 0 : i32
      %dma_start3A_285 = tpu.memref_slice %arg15[%mul3A_276, %dma_start3A_284] : memref<10000x48xf32, #tpu.memory_space<vmem_shared>> -> memref<625x48xf32, #tpu.memory_space<vmem_shared>>
      tpu.enqueue_dma source(%dma_start3A_285 : memref<625x48xf32, #tpu.memory_space<vmem_shared>>) target(%dma_start3A_283 : memref<625x48xf32, #tpu.memory_space<hbm>>) target_semaphore(%run_scoped3A_282 : memref<!tpu.dma_semaphore, #tpu.memory_space<semaphore_mem>>)
      %dma_wait3A = arith.constant 0 : i32
      %dma_wait3A_286 = tpu.memref_slice %arg4[%add3A_281, %dma_wait3A] : memref<20000x128xf32, #tpu.memory_space<hbm>> -> memref<625x48xf32, #tpu.memory_space<hbm>>
      %dma_wait3A_287 = arith.constant 0 : i32
      %dma_wait3A_288 = tpu.memref_slice %arg15[%mul3A_276, %dma_wait3A_287] : memref<10000x48xf32, #tpu.memory_space<vmem_shared>> -> memref<625x48xf32, #tpu.memory_space<vmem_shared>>
      tpu.wait_dma2 semaphore(%run_scoped3A_282 : memref<!tpu.dma_semaphore, #tpu.memory_space<semaphore_mem>>) src(%dma_wait3A_288 : memref<625x48xf32, #tpu.memory_space<vmem_shared>>) dst(%dma_wait3A_286 : memref<625x48xf32, #tpu.memory_space<hbm>>)
      tpu.yield
    }) : () -> ()
    return
  }
}

module attributes {stable_mosaic.version = 14 : i64} {
  func.func @_matmul_body(%arg0: i32, %arg1: memref<5000x128xf32, #tpu.memory_space<vmem>>, %arg2: memref<128x48xf32, #tpu.memory_space<vmem>>, %arg3: memref<5000x48xf32, #tpu.memory_space<vmem>>) attributes {dimension_semantics = [#tpu.dimension_semantics<arbitrary>], iteration_bounds = array<i64: 2>, scalar_prefetch = 0 : i64, scratch_operands = 0 : i64, tpu.core_type = #tpu.core_type<tc>, window_params = [{transform_indices = @transform_0, window_bounds = array<i64: 5000, 128>}, {pipeline_mode = #tpu.pipeline_mode<synchronous>, transform_indices = @transform_1, window_bounds = array<i64: 128, 48>}, {transform_indices = @transform_2, window_bounds = array<i64: 5000, 48>}]} {
    %get3A = arith.constant 0 : index
    %get3A_0 = arith.constant 0 : index
    %get3A_1 = vector.load %arg1[%get3A, %get3A_0] : memref<5000x128xf32, #tpu.memory_space<vmem>>, vector<5000x128xf32>
    %get3A_2 = arith.constant 0 : index
    %get3A_3 = arith.constant 0 : index
    %get3A_4 = vector.load %arg2[%get3A_2, %get3A_3] : memref<128x48xf32, #tpu.memory_space<vmem>>, vector<128x48xf32>
    %dot_general3A = arith.constant dense<0.000000e+00> : vector<5000x48xf32>
    %dot_general3A_5 = tpu.matmul %get3A_1, %get3A_4, %dot_general3A {dimension_numbers = #tpu.dot_dimension_numbers<[1], [0], [0], [1], [0, 0, 1, 1], [], []>, transpose_lhs_hint = false} : vector<5000x128xf32>, vector<128x48xf32>, vector<5000x48xf32> -> vector<5000x48xf32>
    %iota3A = tpu.iota {dimensions = array<i32: 1>} : vector<5000x48xi32>
    %eq3A = arith.constant 40 : i32
    %eq3A_6 = vector.broadcast %eq3A : i32 to vector<5000x48xi32>
    %eq3A_7 = arith.cmpi eq, %iota3A, %eq3A_6 : vector<5000x48xi32>
    %convert_element_type3A = arith.extui %eq3A_7 : vector<5000x48xi1> to vector<5000x48xi32>
    %convert_element_type3A_8 = arith.sitofp %convert_element_type3A : vector<5000x48xi32> to vector<5000x48xf32>
    %add3A = arith.addf %dot_general3A_5, %convert_element_type3A_8 : vector<5000x48xf32>
    %swap3A = arith.constant 0 : index
    %swap3A_9 = arith.constant 0 : index
    %swap3A_10 = vector.load %arg3[%swap3A, %swap3A_9] : memref<5000x48xf32, #tpu.memory_space<vmem>>, vector<5000x48xf32>
    tpu.vector_store %arg3[%swap3A, %swap3A_9], %add3A {strides = array<i32>} : memref<5000x48xf32, #tpu.memory_space<vmem>>, vector<5000x48xf32>,
    return
  }
  func.func @transform_0(%arg0: i32) -> (i32, i32) {
    %c0_i32 = arith.constant 0 : i32
    %c0_i32_0 = arith.constant 0 : i32
    return %arg0, %c0_i32 : i32, i32
  }
  func.func @transform_1(%arg0: i32) -> (i32, i32) {
    %c0_i32 = arith.constant 0 : i32
    %c0_i32_0 = arith.constant 0 : i32
    %c0_i32_1 = arith.constant 0 : i32
    return %c0_i32, %c0_i32_0 : i32, i32
  }
  func.func @transform_2(%arg0: i32) -> (i32, i32) {
    %c0_i32 = arith.constant 0 : i32
    %c0_i32_0 = arith.constant 0 : i32
    return %arg0, %c0_i32 : i32, i32
  }
}

module attributes {stable_mosaic.version = 14 : i64} {
  func.func @_combine_body(%arg0: i32, %arg1: memref<10000x128xf32, #tpu.memory_space<vmem>>, %arg2: memref<10000x128xf32, #tpu.memory_space<vmem>>, %arg3: memref<10000x48xf32, #tpu.memory_space<vmem>>, %arg4: memref<1x40xf32, #tpu.memory_space<vmem>>, %arg5: memref<40x10000xf32, #tpu.memory_space<vmem>>) attributes {dimension_semantics = [#tpu.dimension_semantics<arbitrary>], iteration_bounds = array<i64: 1>, scalar_prefetch = 0 : i64, scratch_operands = 0 : i64, tpu.core_type = #tpu.core_type<tc>, window_params = [{transform_indices = @transform_0, window_bounds = array<i64: 10000, 128>}, {transform_indices = @transform_1, window_bounds = array<i64: 10000, 128>}, {pipeline_mode = #tpu.pipeline_mode<synchronous>, transform_indices = @transform_2, window_bounds = array<i64: 10000, 48>}, {pipeline_mode = #tpu.pipeline_mode<synchronous>, transform_indices = @transform_3, window_bounds = array<i64: 1, 40>}, {pipeline_mode = #tpu.pipeline_mode<synchronous>, transform_indices = @transform_4, window_bounds = array<i64: 40, 10000>}]} {
    %get3A = arith.constant 0 : index
    %get3A_0 = arith.constant 0 : index
    %get3A_1 = vector.load %arg1[%get3A, %get3A_0] : memref<10000x128xf32, #tpu.memory_space<vmem>>, vector<10000x41xf32>
    %get3A_2 = arith.constant 0 : index
    %get3A_3 = arith.constant 0 : index
    %get3A_4 = vector.load %arg2[%get3A_2, %get3A_3] : memref<10000x128xf32, #tpu.memory_space<vmem>>, vector<10000x41xf32>
    %add3A = arith.addf %get3A_1, %get3A_4 : vector<10000x41xf32>
    %slice3A = vector.extract_strided_slice %add3A {offsets = [0, 40], sizes = [10000, 1], strides = [1, 1]} : vector<10000x41xf32> to vector<10000x1xf32>
    %max3A = arith.constant 1.000000e+00 : f32
    %max3A_5 = vector.broadcast %max3A : f32 to vector<10000x1xf32>
    %max3A_6 = arith.maximumf %slice3A, %max3A_5 : vector<10000x1xf32>
    %slice3A_7 = vector.extract_strided_slice %add3A {offsets = [0, 0], sizes = [10000, 40], strides = [1, 1]} : vector<10000x41xf32> to vector<10000x40xf32>
    %div3A = vector.broadcast %max3A_6 : vector<10000x1xf32> to vector<10000x40xf32>
    %div3A_8 = arith.divf %slice3A_7, %div3A : vector<10000x40xf32>
    %get3A_9 = arith.constant 0 : index
    %get3A_10 = arith.constant 0 : index
    %get3A_11 = vector.load %arg3[%get3A_9, %get3A_10] : memref<10000x48xf32, #tpu.memory_space<vmem>>, vector<10000x40xf32>
    %add3A_12 = arith.addf %div3A_8, %get3A_11 : vector<10000x40xf32>
    %get3A_13 = arith.constant 0 : index
    %get3A_14 = arith.constant 0 : index
    %get3A_15 = vector.load %arg4[%get3A_13, %get3A_14] : memref<1x40xf32, #tpu.memory_space<vmem>>, vector<1x40xf32>
    %add3A_16 = vector.broadcast %get3A_15 : vector<1x40xf32> to vector<10000x40xf32>
    %add3A_17 = arith.addf %add3A_12, %add3A_16 : vector<10000x40xf32>
    %transpose3A = tpu.transpose %add3A_17, [1, 0] : vector<10000x40xf32> -> vector<40x10000xf32>
    %swap3A = arith.constant 0 : index
    %swap3A_18 = arith.constant 0 : index
    %swap3A_19 = vector.load %arg5[%swap3A, %swap3A_18] : memref<40x10000xf32, #tpu.memory_space<vmem>>, vector<40x10000xf32>
    tpu.vector_store %arg5[%swap3A, %swap3A_18], %transpose3A {strides = array<i32>} : memref<40x10000xf32, #tpu.memory_space<vmem>>, vector<40x10000xf32>,
    return
  }
  func.func @transform_0(%arg0: i32) -> (i32, i32) {
    %c0_i32 = arith.constant 0 : i32
    %c0_i32_0 = arith.constant 0 : i32
    %c0_i32_1 = arith.constant 0 : i32
    return %c0_i32, %c0_i32_0 : i32, i32
  }
  func.func @transform_1(%arg0: i32) -> (i32, i32) {
    %c1_i32 = arith.constant 1 : i32
    %c0_i32 = arith.constant 0 : i32
    %c0_i32_0 = arith.constant 0 : i32
    return %c1_i32, %c0_i32 : i32, i32
  }
  func.func @transform_2(%arg0: i32) -> (i32, i32) {
    %c0_i32 = arith.constant 0 : i32
    %c0_i32_0 = arith.constant 0 : i32
    %c0_i32_1 = arith.constant 0 : i32
    return %c0_i32, %c0_i32_0 : i32, i32
  }
  func.func @transform_3(%arg0: i32) -> (i32, i32) {
    %c0_i32 = arith.constant 0 : i32
    %c0_i32_0 = arith.constant 0 : i32
    %c0_i32_1 = arith.constant 0 : i32
    return %c0_i32, %c0_i32_0 : i32, i32
  }
  func.func @transform_4(%arg0: i32) -> (i32, i32) {
    %c0_i32 = arith.constant 0 : i32
    %c0_i32_0 = arith.constant 0 : i32
    %c0_i32_1 = arith.constant 0 : i32
    return %c0_i32, %c0_i32_0 : i32, i32
  }
}

</mosaic_0001>

<sc_bundles>
// kernel: kernel.5.cloned.1.call-start
scs
__scs_entry_jumppad:
0x0: {  	(pc) =	sbr.rel $0x88, $3  }
0x1: {  	(tag) =	ssettag $0x0;
	lr =	simm.s32 $0x1  }
0x2: {  	[smem:$0x3F9D] =	sst lr;
	_ =	strace $0xD0000000  }
0x3: {  	_ = 	snop  }
0x4: {  	_ = 	snop  }
0x5: {  	_ = 	snop  }
0x6: {  	_ = 	snop  }
0x7: {  	_ = 	snop  }
__scs_overlays_trampoline_lowered:
0x8: {  	[smem:$0x3FAC] =	sst s0  }
0x9: {  	[smem:$0x3FAD] =	sst s1  }
0xa: {  	[smem:$0x3FAE] =	sst s2  }
0xb: {  	[smem:$0x3FAF] =	sst s3  }
0xc: {  	[smem:$0x3FB0] =	sst s4  }
0xd: {  	[smem:$0x3FB1] =	sst s5  }
0xe: {  	[smem:$0x3FB2] =	sst s6  }
0xf: {  	[smem:$0x3FB3] =	sst s7  }
0x10: {  	[smem:$0x3FB4] =	sst s8  }
0x11: {  	[smem:$0x3FB5] =	sst s9;
	s0 =	simm.s32 @!p0 $0x0  }
0x12: {  	s1 =	sld [smem:$0x3F9B];
	s0 =	simm.s32 @p0 $0x1  }
0x13: {  	[smem:$0x3FB6] =	sst s0;
	s0 =	simm.s32 @!p1 $0x0  }
0x14: {  	s2 =	sld [smem:$0x3F9A];
	s0 =	simm.s32 @p1 $0x1  }
0x15: {  	[smem:$0x3FB7] =	sst s0;
	s0 =	simm.s32 @!p2 $0x0  }
0x16: {  	s3 =	sld [smem:$0x3FDB];
	s0 =	simm.s32 @p2 $0x1  }
0x17: {  	s4 =	simm.s32 $0x1BF5;
	[smem:$0x3FB9] =	sst s0  }
0x18: {  	s0 =	sld [smem:$0x3F9C];
	_ =	swait.ge [sflag:s4], $0x0  }
0x19: {  	s7 =	sld [smem:$0x3F9D]  }
0x1a: {  	s8 =	sadd.s32 $0xFFFFE003, lr  }
0x1b: {  	s9 =	sadd.s32 $0xFFFFFEF7, lr;
	s5 =	simm.s32 $0xFFFFFFFF;
	p2 =	slt.u32 s8, $0xFFFFF086  }
0x1c: {  	p1 =	slt.u32 s9, $0xF7A;
	s5 =	simm.s32 @!p2 $0x0  }
0x1d: {  	s5 =	simm.s32 @p1 $0x1;
	p0 =	seq.s32 s7, s2  }
0x1e: {  	s7 =	smul.u32 @!p0 $0xF7A, s2;
	p2 =	seq.s32 @!p0 s5, $0x0  }
0x1f: {  	s9 =	smul.u32 $0xF7A, s1;
	s8 =	simm.s32 @!p0 $0x1BF5;
	p2 =	por !p2, p0  }
0x20: {  	[sflag:s8] =	ssyncset.s32 @!p0 $0xFFFFF086;
	s6 =	sadd.s32 @!p0 s3, s7;
	s7 =	simm.s32 @!p0 $0x108  }
0x21: {  	s3 =	sadd.s32 s3, s9;
	s6 =	sadd.s32 @!p0 $0x88, s6;
	s7 =	simm.s32 @p2 $0x1082  }
0x22: {  	[simem:s7], [sflag:s8] =	dma.local @!p0 [hbm:s6], $0xF7A  }
0x23: {  	s9 =	sor.u32 $0xD0000000, s2;
	s6 =	simm.s32 $0x108;
	_ =	swait.ge @!p0 [sflag:s8], $0x0  }
0x24: {  	s3 =	sadd.s32 $0x88, s3;
	s6 =	simm.s32 @!p1 $0x1082;
	[sflag:s4] =	ssyncset.s32 $0xFFFFF086  }
0x25: {  	[simem:s6], [sflag:s4] =	dma.local [hbm:s3], $0xF7A  }
0x26: {  	[smem:$0x3F9D] =	sst s1;
	(tag) =	ssettag s2;
	_ =	strace s9  }
0x27: {  	s1 =	sld [smem:$0x3FAD]  }
0x28: {  	s2 =	sld [smem:$0x3FAE]  }
0x29: {  	s4 =	sld [smem:$0x3FB0]  }
0x2a: {  	p0 =	seq.s32 s5, $0x0;
	s5 =	sld [smem:$0x3FB1]  }
0x2b: {  	s6 =	sld [smem:$0x3FB2]  }
0x2c: {  	s7 =	sld [smem:$0x3FB3]  }
0x2d: {  	s3 =	simm.s32 $0x108;
	s8 =	sld [smem:$0x3FB4]  }
0x2e: {  	s3 =	simm.s32 @!p0 $0x1082;
	s9 =	sld [smem:$0x3FB5]  }
0x2f: {  	lr =	sadd.s32 s0, s3;
	s0 =	sld [smem:$0x3FAC]  }
0x30: {  	s3 =	sld [smem:$0x3FAF]  }
0x31: {  	[smem:$0x3FB8] =	sst s10  }
0x32: {  	s10 =	sld [smem:$0x3FB6];
	_ =	sdelay $0x3  }
0x33: {  	p0 =	seq.s32 s10, $0x1;
	s10 =	sld [smem:$0x3FB8];
	_ =	sdelay $0x3  }
0x34: {  	[smem:$0x3FB8] =	sst s10  }
0x35: {  	s10 =	sld [smem:$0x3FB7];
	_ =	sdelay $0x3  }
0x36: {  	p1 =	seq.s32 s10, $0x1;
	s10 =	sld [smem:$0x3FB8];
	_ =	sdelay $0x3  }
0x37: {  	[smem:$0x3FB8] =	sst s10  }
0x38: {  	s10 =	sld [smem:$0x3FB9]  }
0x39: {  	_ = 	snop;
	(pc) =	sbr.ind lr, $3  }
0x3a: {  	_ = 	snop  }
0x3b: {  	_ = 	snop  }
0x3c: {  	p2 =	seq.s32 s10, $0x1;
	s10 =	sld [smem:$0x3FB8]  }
0x3d: {  	_ =	shalt  }
0x3e: {  	_ =	shalt  }
0x3f: {  	_ =	shalt  }
0x40: {  	_ =	shalt  }
0x41: {  	_ =	shalt  }
0x42: {  	_ =	shalt  }
0x43: {  	_ =	shalt  }
0x44: {  	_ =	shalt  }
0x45: {  	_ =	shalt  }
0x46: {  	_ =	shalt  }
0x47: {  	_ =	shalt  }
0x48: {  	_ =	shalt  }
0x49: {  	_ =	shalt  }
0x4a: {  	_ =	shalt  }
0x4b: {  	_ =	shalt  }
0x4c: {  	_ =	shalt  }
0x4d: {  	_ =	shalt  }
0x4e: {  	_ =	shalt  }
0x4f: {  	_ =	shalt  }
0x50: {  	_ =	shalt  }
0x51: {  	_ =	shalt  }
0x52: {  	_ =	shalt  }
0x53: {  	_ =	shalt  }
0x54: {  	_ =	shalt  }
0x55: {  	_ =	shalt  }
0x56: {  	_ =	shalt  }
0x57: {  	_ =	shalt  }
0x58: {  	_ =	shalt  }
0x59: {  	_ =	shalt  }
0x5a: {  	_ =	shalt  }
0x5b: {  	_ =	shalt  }
0x5c: {  	_ =	shalt  }
0x5d: {  	_ =	shalt  }
0x5e: {  	_ =	shalt  }
0x5f: {  	_ =	shalt  }
0x60: {  	_ =	shalt  }
0x61: {  	_ =	shalt  }
0x62: {  	_ =	shalt  }
0x63: {  	_ =	shalt  }
0x64: {  	_ =	shalt  }
0x65: {  	_ =	shalt  }
0x66: {  	_ =	shalt  }
0x67: {  	_ =	shalt  }
0x68: {  	_ =	shalt  }
0x69: {  	_ =	shalt  }
0x6a: {  	_ =	shalt  }
0x6b: {  	_ =	shalt  }
0x6c: {  	_ =	shalt  }
0x6d: {  	_ =	shalt  }
0x6e: {  	_ =	shalt  }
0x6f: {  	_ =	shalt  }
0x70: {  	_ =	shalt  }
0x71: {  	_ =	shalt  }
0x72: {  	_ =	shalt  }
0x73: {  	_ =	shalt  }
0x74: {  	_ =	shalt  }
0x75: {  	_ =	shalt  }
0x76: {  	_ =	shalt  }
0x77: {  	_ =	shalt  }
0x78: {  	_ =	shalt  }
0x79: {  	_ =	shalt  }
0x7a: {  	_ =	shalt  }
0x7b: {  	_ =	shalt  }
0x7c: {  	_ =	shalt  }
0x7d: {  	_ =	shalt  }
0x7e: {  	_ =	shalt  }
0x7f: {  	_ =	shalt  }
0x80: {  	_ =	shalt  }
0x81: {  	_ =	shalt  }
0x82: {  	_ =	shalt  }
0x83: {  	_ =	shalt  }
0x84: {  	_ =	shalt  }
0x85: {  	_ =	shalt  }
0x86: {  	_ =	shalt  }
0x87: {  	_ =	shalt  }
.Lfunc_end0:
.L_simem_size_0:
called_computation_lowered:
.L_overlay_start_0:
0x88: {  	s2 =	sld [smem:$0x3FD9]  }
0x89: {  	s3 =	sld [smem:$0x3FFE];
	_ =	sdelay $0x1  }
0x8a: {  	s1 =	srdreg.scid  }
0x8b: {  	s0 =	sand.u32 $0x1, s1  }
0x8c: {  	s16 =	sshll.u32 s0, $0xA;
	s2 =	sadd.s32 s3, s2  }
0x8d: {  	s2 =	sadd.s32 s2, s16  }
0x8e: {  	[smem:$0x3FC4] =	sst s2  }
0x8f: {  	_ = 	snop  }
0x90: {  	(tm) =	ssettm $0x1  }
0x91: {  	s17 =	sld [smem:$0x3FFB];
	_ =	sdelay $0x3  }
0x92: {  	_ =	strace s17  }
0x93: {  	s2 =	sld [smem:$0x3FFC];
	_ =	sdelay $0x3  }
0x94: {  	_ =	strace s2  }
0x95: {  	s2 =	sld [smem:$0x3FFD];
	_ =	sdelay $0x3  }
0x96: {  	_ =	strace s2  }
0x97: {  	_ =	strace $0x8FFFFFFF  }
0x98: {  	s18 =	sld [smem:$0x3FDB];
	_ =	sdelay $0x1  }
0x99: {  	s19 =	simm.s32 $_scs_section_size  }
0x9a: {  	s4 =	simm.s32 $_size__tile_overlayer_lowered;
	s5 =	simm.s32 $_tile_overlayer_lowered  }
0x9b: {  	s22 =	simm.s32 $0x1BFF;
	s21 =	sshll.u32 s5, $0x1;
	s2 =	sadd.s32 s19, s18  }
0x9c: {  	s6 =	simm.s32 $0x0;
	s20 =	sshll.u32 s4, $0x1;
	s4 =	sadd.s32 s21, s2  }
0x9d: {  	[timem:s6], [sflag:s22] =	dma.local [hbm:s4], s20  }
0x9e: {  	_ =	swait.ge [sflag:s22], s20  }
0x9f: {  	s3 =	ssub.s32 $0x0, s20;
	[sflag:s22] =	ssyncset.done $0x0  }
0xa0: {  	[sflag:s22] =	ssyncadd.s32 s3;
	_ =	sdelay $0x1  }
0xa1: {  	s23 =	simm.s32 $0x1B8B  }
0xa2: {  	_ =	swait.ge [sflag:s23], $0x1  }
0xa3: {  	[sflag:s23] =	ssyncset.done $0x0  }
0xa4: {  	s25 =	simm.s32 $0x1B8E;
	s24 =	sld [smem:$0x3FFE];
	[sflag:s23] =	ssyncadd.s32 $0xFFFFFFFF  }
0xa5: {  	s26 =	simm.s32 $execute0_lowered;
	[smem:$0x3FD2] =	sst s25  }
0xa6: {  	s4 =	sshll.u32 s26, $0x1;
	_ =	strace $0x80000046;
	[dreg:$0x1] =	wrdreg $0xFFFFFFFF  }
0xa7: {  	s28 =	simm.s32 $_size_execute0_lowered;
	s2 =	sadd.s32 s2, s4;
	[dreg:$0x0] =	wrdreg $0x0  }
0xa8: {  	s4 =	sshll.u32 s28, $0x1;
	[dreg:$0x2] =	wrdreg s2  }
0xa9: {  	[dreg:$0x3] =	wrdreg s4  }
0xaa: {  	[dreg:$0x4] =	wrdreg $0xC0  }
0xab: {  	_ =	task [dreg:s6], $0x5FFFF  }
0xac: {  	[dreg:$0x1] =	wrdreg $0xFFFFFFFF  }
0xad: {  	[dreg:$0x0] =	wrdreg $0x60  }
0xae: {  	[dreg:$0x2] =	wrdreg s24  }
0xaf: {  	[dreg:$0x3] =	wrdreg $0x10F000  }
0xb0: {  	[dreg:$0x4] =	wrdreg $0x9  }
0xb1: {  	_ =	task.clear_ibuf [dreg:s6], $0x5FFFF;
	_ =	strace $0x90000046  }
0xb2: {  	s29 =	simm.s32 $0x9;
	_ =	strace $0x80000048  }
0xb3: {  	_ =	swait.ge [sflag:s29], $0x1  }
0xb4: {  	[sflag:s29] =	ssyncadd.s32 $0xFFFFFFFF  }
0xb5: {  	_ =	strace $0x90000048  }
0xb6: {  	_ =	sfence  }
0xb7: {  	s30 =	sld [smem:$0x0];
	_ =	sdelay $0x2  }
0xb8: {  	s31 =	sshll.u32 s1, $0xD;
	s1 =	sshrl.u32 s1, $0x2  }
0xb9: {  	s3 =	sand.u32 $0x4000, s31;
	s1 =	sadd.s32 s1, s30  }
0xba: {  	s0 =	sor.u32 s3, s0;
	s1 =	sshll.u32 s1, $0x11  }
0xbb: {  	s0 =	sor.u32 s1, s0  }
0xbc: {  	s0 =	sadd.s32 $0x8F2B, s0  }
0xbd: {  	[sflag:s0] =	ssyncadd.remote.s32 $0x1  }
0xbe: {  	_ =	sfence.sel $0xFFFF  }
0xbf: {  	[dreg:$0x0] =	wrdreg $0xFFFFFFFF;
	(pc) =	sbr.abs _section_cstart, $3  }
0xc0: {  	[dreg:$0x1] =	wrdreg $0xFFFFFFFF  }
0xc1: {  	_ =	task.clear_ibuf [dreg:s6], $0x2FFFF;
	_ =	strace $0x9FFFFFFF  }
0xc2: {  	(tm) =	ssettm $0x7FFFFFFF  }
0xc3: {  	_ =	shalt  }
tec
execute0_lowered:
.L_overlay_start_1:
0x0: {  	(tag) =	ssettag $0x1  }
0x1: {  	s0 =	srdreg.scid;
	s1 =	rddreg [dreg:$0x0]  }
0x2: {  	s11 =	stileid.u32;
	s2 =	rddreg [dreg:$0x1];
	s4 =	simm.s32 $0x0  }
0x3: {  	s7 =	simm.s32 $0x1;
	s16 =	simm.s32 $0x6700;
	s18 =	simm.s32 $0x7F00  }
0x4: {  	s19 =	simm.s32 $0x9700;
	s20 =	simm.s32 $0xC700;
	s0 =	sand.u32 $0x1, s0  }
0x5: {  	[smem:$0x7FF] =	sst s4;
	s4 =	sadd.s32 $0x14400, s1;
	s21 =	smul.u32 $0x2710, s11  }
0x6: {  	s25 =	smul.u32 $0x1D4C0, s11;
	_ =	strace $0x80000047;
	[dreg:$0x3] =	wrdreg s16  }
0x7: {  	s3 =	sshll.u32 s0, $0x4;
	s22 =	smul.u32 $0x27100, s0;
	[dreg:$0x4] =	wrdreg s18  }
0x8: {  	s0 =	ssub.s32 $0x2, s0;
	[dreg:$0x5] =	wrdreg s19;
	s3 =	sor.u32 s11, s3  }
0x9: {  	[dreg:$0x6] =	wrdreg s20;
	s26 =	sshrl.u32 s0, $0x1;
	s3 =	smul.u32 $0x9C4, s3  }
0xa: {  	s18 =	simm.s32 $0x4;
	s19 =	simm.s32 $0x5;
	s0 =	ssub.s32 s0, s26  }
0xb: {  	s0 =	smax.u32 s0, $0x1;
	s5 =	sshrl.u32 s3, $0x5;
	s3 =	sadd.s32 $0x9C4, s3  }
0xc: {  	[dreg:$0x1c] =	wrdreg s0;
	s6 =	sshll.u32 s5, $0x4;
	s3 =	sshrl.u32 s3, $0x5  }
0xd: {  	s9 =	sadd.s32 s6, s1;
	s5 =	ssub.s32 s3, s5;
	s3 =	sadd.s32 s21, s22  }
0xe: {  	s21 =	simm.s32 $0xDF00;
	s22 =	simm.s32 $0xF700;
	p0 =	sgt.s32 s5, $0x0  }
0xf: {  	s8 =	sshll.u32 s5, $0x10;
	s10 =	sshra.s32 s5, $0x1F;
	s23 =	sand.u32 $0x7, s5  }
0x10: {  	s1 =	sadd.s32 s3, s1;
	s29 =	sadd.s32 $0xA00, s9;
	[dreg:$0x7] =	wrdreg s21  }
0x11: {  	s9 =	sadd.s32 $0xA640, s9;
	[dreg:$0x8] =	wrdreg s22;
	p5 =	slt.s32 s5, $0x1  }
0x12: {  	s21 =	simm.s32 $0x8;
	s7 =	simm.s32 @!p0 $0x0;
	[dreg:$0xb] =	wrdreg s29  }
0x13: {  	s8 =	sshra.s32 s8, $0x1F;
	p1 =	sne.s32 s23, $0x0;
	[dreg:$0xc] =	wrdreg s9  }
0x14: {  	s1 =	sadd.s32 $0x23000, s1;
	s7 =	sadd.s32 s7, s10;
	s8 =	sand.u32 $0x7, s8  }
0x15: {  	[dreg:$0x1b] =	wrdreg s1;
	p6 =	sne.s32 s7, $0x1;
	s24 =	sadd.s32 s8, s5  }
0x16: {  	s7 =	simm.s32 $0x1;
	s8 =	sshrl.u32 s25, $0x2;
	p0 =	por !p1, !p6  }
0x17: {  	s6 =	sshll.u32 s24, $0x10;
	s8 =	sadd.s32 s8, s2;
	p6 =	seq.s32 s5, $0x5  }
0x18: {  	p0 =	por !p0, !p0;
	s6 =	sshra.s32 s6, $0x13;
	p1 =	slt.u32 @!p6 s5, $0x7  }
0x19: {  	s29 =	sadd.s32 $0x3000, s8;
	s7 =	simm.s32 @!p0 $0x0;
	p0 =	seq.s32 @!p5 s5, $0x1  }
0x1a: {  	p3 =	por p1, p6;
	[dreg:$0x1e] =	wrdreg s29;
	s6 =	ssub.s32 s6, s7  }
0x1b: {  	p4 =	por p5, p0;
	s0 =	simm.s32 @!p3 $0x0;
	s7 =	sshll.u32 s6, $0x3  }
0x1c: {  	s30 =	sshll.u32 s6, $0xC;
	s24 =	sshllo.u32 s6, $0x3;
	p0 =	slt.u32 @!p4 s5, $0x3  }
0x1d: {  	s0 =	simm.s32 @p3 $0x1;
	p3 =	seq.s32 @!p3 s5, $0x7;
	[dreg:$0x9] =	wrdreg s7  }
0x1e: {  	s1 =	simm.s32 @!p4 $0x0;
	s28 =	sor.u32 $0x1, s7;
	[dreg:$0x18] =	wrdreg s24  }
0x1f: {  	s3 =	sshra.s32 s30, $0x2;
	s11 =	sor.u32 $0x3, s7;
	[smem:$0x7F3] =	sst s0  }
0x20: {  	s12 =	sor.u32 $0x4, s7;
	s17 =	sor.u32 $0x5, s7;
	[dreg:$0xa] =	wrdreg s28  }
0x21: {  	s25 =	sshll.u32 s24, $0x9;
	p2 =	por p4, p0;
	[dreg:$0x10] =	wrdreg s11  }
0x22: {  	s30 =	sadd.s32 $0x4800, s8;
	s1 =	simm.s32 @p4 $0x1;
	[dreg:$0x11] =	wrdreg s12  }
0x23: {  	s10 =	sshll.u32 s28, $0x9;
	s3 =	sadd.s32 $0x2780, s3;
	[dreg:$0x15] =	wrdreg s17  }
0x24: {  	p0 =	seq.s32 @!p2 s5, $0x3;
	s28 =	sadd.s32 $0x1800, s8;
	[dreg:$0x1f] =	wrdreg s30  }
0x25: {  	[smem:$0x7FB] =	sst s1;
	s1 =	simm.s32 @!p5 $0x0;
	s31 =	sshra.s32 s10, $0x2  }
0x26: {  	[dreg:$0xd] =	wrdreg s3;
	s10 =	sor.u32 $0x2, s7;
	s7 =	sor.u32 $0x6, s7  }
0x27: {  	p0 =	por p2, p0;
	[dreg:$0x1d] =	wrdreg s28;
	s1 =	simm.s32 @p5 $0x1  }
0x28: {  	s9 =	sadd.s32 $0x2780, s31;
	[dreg:$0xf] =	wrdreg s10;
	s3 =	sshll.u32 s10, $0x9  }
0x29: {  	[dreg:$0xe] =	wrdreg s9;
	s3 =	sshra.s32 s3, $0x2;
	s9 =	sshll.u32 s11, $0x9  }
0x2a: {  	[dreg:$0x17] =	wrdreg s7;
	s3 =	sadd.s32 $0x2780, s3;
	s13 =	sshra.s32 s9, $0x2  }
0x2b: {  	s23 =	sshll.u32 s7, $0x9;
	[dreg:$0x12] =	wrdreg s3;
	s3 =	sadd.s32 $0x2780, s13  }
0x2c: {  	s10 =	sshll.u32 s12, $0x9;
	[dreg:$0x13] =	wrdreg s3;
	s3 =	sshra.s32 s23, $0x2  }
0x2d: {  	s31 =	sadd.s32 $0x6000, s8;
	[smem:$0x7FC] =	sst s1;
	s3 =	sadd.s32 $0x2780, s3  }
0x2e: {  	s12 =	simm.s32 $0xAF00;
	[dreg:$0x19] =	wrdreg s3;
	s3 =	sshra.s32 s25, $0x2  }
0x2f: {  	s14 =	sshra.s32 s10, $0x2;
	[smem:$0x7FA] =	sst s31;
	s3 =	sadd.s32 $0x2780, s3  }
0x30: {  	s10 =	simm.s32 $0x11;
	[dreg:$0x1a] =	wrdreg s3;
	s3 =	simm.s32 @!p2 $0x0  }
0x31: {  	s3 =	simm.s32 @p2 $0x1;
	p2 =	por @!p6 p3, p1;
	p3 =	por @!p6 !p3, p1  }
0x32: {  	s11 =	simm.s32 $0x80;
	s15 =	sadd.s32 $0x2780, s14;
	s0 =	simm.s32 @!p3 $0x0  }
0x33: {  	s9 =	sshll.u32 s17, $0x9;
	s17 =	simm.s32 $0x3;
	s0 =	simm.s32 @p3 $0x1  }
0x34: {  	s14 =	simm.s32 $0x7;
	p3 =	slt.u32 @!p0 s5, $0x5;
	[smem:$0x7F6] =	sst s0  }
0x35: {  	s9 =	sshra.s32 s9, $0x2;
	p3 =	por p0, p3;
	s26 =	sld [smem:$0x7F6]  }
0x36: {  	[dreg:$0x14] =	wrdreg s15;
	s9 =	sadd.s32 $0x2780, s9;
	s0 =	simm.s32 @!p3 $0x0  }
0x37: {  	s0 =	simm.s32 @p3 $0x1;
	p3 =	por p0, p0;
	p0 =	por p2, p6  }
0x38: {  	[smem:$0x7F4] =	sst s0;
	s0 =	simm.s32 @!p0 $0x0;
	p2 =	seq.s32 s26, $0x1  }
0x39: {  	[dreg:$0x16] =	wrdreg s9;
	s0 =	simm.s32 @p0 $0x1;
	p0 =	por !p2, p6  }
0x3a: {  	s13 =	simm.s32 $0x2;
	[smem:$0x7F5] =	sst s0;
	s0 =	simm.s32 @!p0 $0x0  }
0x3b: {  	s15 =	simm.s32 $0x0;
	[smem:$0x7F2] =	sst s3;
	s0 =	simm.s32 @p0 $0x1  }
.Ltmp0:
0x3c: {  	[smem:$0x7F7] =	sst s0;
	s0 =	simm.s32 @!p6 $0x0;
	(pc) =	sbr.rel .LBB2_1-.Ltmp0, $4  }
0x3d: {  	s1 =	simm.s32 @!p3 $0x0;
	p0 =	por !p1, p6;
	s0 =	simm.s32 @p6 $0x1  }
0x3e: {  	s1 =	simm.s32 @p3 $0x1;
	[smem:$0x7F8] =	sst s0;
	s0 =	simm.s32 @!p0 $0x0  }
0x3f: {  	s9 =	simm.s32 $0x6;
	[smem:$0x7FD] =	sst s1;
	s0 =	simm.s32 @p0 $0x1  }
0x40: {  	v0 =	vimm.f32 $0.0e+00;
	s3 =	simm.s32 $0x4F00;
	[smem:$0x7F9] =	sst s0;
	s0 =	simm.s32 $0x1  }
.LBB2_9:
0x41: {  	s1 =	sld [smem:$0x7FC]  }
0x42: {  	s31 =	sld [smem:$0x7FD]  }
0x43: {  	[sflag:s22] =	ssyncadd.s32 @!p3 $0xFFFFE800  }
0x44: {  	[tilespmem:s28], [sflag:$0x8] =	stream.indirect.gather @!p3 [hbm4b:s4+s26], $0x30, s25, s26, $0xb8;
	[tilespmem:$0x18430] =	vst v63  }
0x45: {  	p4 =	por p6, p6;
	p5 =	seq.s32 s1, $0x1;
	p3 =	seq.s32 s31, $0x1  }
.LBB2_10:
0x46: {  	s1 =	rddreg [dreg:$0x9]  }
0x47: {  	p0 =	sge.s32 s1, s5  }
0x48: {  	s1 =	simm.s32 @!p0 $0x1  }
0x49: {  	_ =	swait.ge @!p0 [sflag:s1], $0x1800  }
0x4a: {  	s7 =	simm.s32 @!p0 $0x4F00;
	[sflag:s1] =	ssyncset.done @!p0 $0x0;
	s16 =	rddreg [dreg:$0xd]  }
0x4b: {  	s28 =	rddreg [dreg:$0xa];
	[sflag:s1] =	ssyncadd.s32 @!p0 $0xFFFFE800;
	s1 =	simm.s32 @!p0 $0x80  }
0x4c: {  	[spmem:s2] =	stream.indirect.scatter.add.f32 @!p0 [tilespmem:s7], [sflag:$0x9], $0x30, s16, s1, $0xb8;
	[tilespmem:$0x18430] =	vst v63  }
0x4d: {  	p0 =	sge.s32 s28, s5  }
0x4e: {  	s1 =	simm.s32 @!p0 $0x2  }
0x4f: {  	_ =	swait.ge @!p0 [sflag:s1], $0x1800  }
0x50: {  	s7 =	simm.s32 @!p0 $0x6700;
	[sflag:s1] =	ssyncset.done @!p0 $0x0;
	s16 =	rddreg [dreg:$0xe]  }
0x51: {  	s29 =	rddreg [dreg:$0xf];
	[sflag:s1] =	ssyncadd.s32 @!p0 $0xFFFFE800;
	s1 =	simm.s32 @!p0 $0x80  }
0x52: {  	[spmem:s2] =	stream.indirect.scatter.add.f32 @!p0 [tilespmem:s7], [sflag:$0xA], $0x30, s16, s1, $0xb8;
	[tilespmem:$0x18430] =	vst v63  }
0x53: {  	p0 =	sge.s32 s29, s5  }
0x54: {  	s1 =	simm.s32 @!p0 $0x3  }
0x55: {  	_ =	swait.ge @!p0 [sflag:s1], $0x1800  }
0x56: {  	s7 =	simm.s32 @!p0 $0x7F00;
	[sflag:s1] =	ssyncset.done @!p0 $0x0;
	s16 =	rddreg [dreg:$0x12]  }
0x57: {  	s30 =	rddreg [dreg:$0x10];
	[sflag:s1] =	ssyncadd.s32 @!p0 $0xFFFFE800;
	s1 =	simm.s32 @!p0 $0x80  }
0x58: {  	[spmem:s2] =	stream.indirect.scatter.add.f32 @!p0 [tilespmem:s7], [sflag:$0xB], $0x30, s16, s1, $0xb8;
	[tilespmem:$0x18430] =	vst v63  }
0x59: {  	p0 =	sge.s32 s30, s5  }
0x5a: {  	s1 =	simm.s32 @!p0 $0x4  }
0x5b: {  	_ =	swait.ge @!p0 [sflag:s1], $0x1800  }
0x5c: {  	s7 =	simm.s32 @!p0 $0x9700;
	[sflag:s1] =	ssyncset.done @!p0 $0x0;
	s16 =	rddreg [dreg:$0x13]  }
0x5d: {  	s31 =	rddreg [dreg:$0x11];
	[sflag:s1] =	ssyncadd.s32 @!p0 $0xFFFFE800;
	s1 =	simm.s32 @!p0 $0x80  }
0x5e: {  	[spmem:s2] =	stream.indirect.scatter.add.f32 @!p0 [tilespmem:s7], [sflag:$0xC], $0x30, s16, s1, $0xb8;
	[tilespmem:$0x18430] =	vst v63  }
0x5f: {  	p0 =	sge.s32 s31, s5  }
0x60: {  	s1 =	simm.s32 @!p0 $0x5  }
0x61: {  	_ =	swait.ge @!p0 [sflag:s1], $0x1800  }
0x62: {  	s7 =	simm.s32 @!p0 $0xAF00;
	[sflag:s1] =	ssyncset.done @!p0 $0x0  }
0x63: {  	s16 =	rddreg [dreg:$0x14];
	[sflag:s1] =	ssyncadd.s32 @!p0 $0xFFFFE800;
	s1 =	simm.s32 @!p0 $0x80  }
0x64: {  	[spmem:s2] =	stream.indirect.scatter.add.f32 @!p0 [tilespmem:s7], [sflag:$0xD], $0x30, s16, s1, $0xb8;
	[tilespmem:$0x18430] =	vst v63  }
0x65: {  	s7 =	rddreg [dreg:$0x15]  }
0x66: {  	p0 =	sge.s32 s7, s5  }
0x67: {  	s1 =	simm.s32 @!p0 $0x6  }
0x68: {  	_ =	swait.ge @!p0 [sflag:s1], $0x1800  }
0x69: {  	s7 =	simm.s32 @!p0 $0xC700;
	[sflag:s1] =	ssyncset.done @!p0 $0x0  }
0x6a: {  	s16 =	rddreg [dreg:$0x16];
	[sflag:s1] =	ssyncadd.s32 @!p0 $0xFFFFE800;
	s1 =	simm.s32 @!p0 $0x80  }
0x6b: {  	[spmem:s2] =	stream.indirect.scatter.add.f32 @!p0 [tilespmem:s7], [sflag:$0xE], $0x30, s16, s1, $0xb8;
	[tilespmem:$0x18430] =	vst v63  }
0x6c: {  	s16 =	rddreg [dreg:$0x17]  }
0x6d: {  	p0 =	sge.s32 s16, s5  }
0x6e: {  	s1 =	simm.s32 @!p0 $0x7  }
0x6f: {  	_ =	swait.ge @!p0 [sflag:s1], $0x1800  }
0x70: {  	s7 =	simm.s32 @!p0 $0xDF00;
	[sflag:s1] =	ssyncset.done @!p0 $0x0;
	s16 =	rddreg [dreg:$0x19]  }
0x71: {  	s20 =	rddreg [dreg:$0x18];
	[sflag:s1] =	ssyncadd.s32 @!p0 $0xFFFFE800;
	s1 =	simm.s32 @!p0 $0x80  }
0x72: {  	[spmem:s2] =	stream.indirect.scatter.add.f32 @!p0 [tilespmem:s7], [sflag:$0xF], $0x30, s16, s1, $0xb8;
	[tilespmem:$0x18430] =	vst v63  }
0x73: {  	p0 =	sge.s32 s20, s5  }
0x74: {  	s1 =	simm.s32 @!p0 $0x8  }
0x75: {  	_ =	swait.ge @!p0 [sflag:s1], $0x1800  }
0x76: {  	s7 =	simm.s32 @!p0 $0xF700;
	[sflag:s1] =	ssyncset.done @!p0 $0x0  }
0x77: {  	s16 =	rddreg [dreg:$0x1a];
	[sflag:s1] =	ssyncadd.s32 @!p0 $0xFFFFE800;
	s1 =	simm.s32 @!p0 $0x80  }
0x78: {  	[spmem:s2] =	stream.indirect.scatter.add.f32 @!p0 [tilespmem:s7], [sflag:$0x10], $0x30, s16, s1, $0xb8;
	[tilespmem:$0x18430] =	vst v63  }
0x79: {  	s1 =	simm.s32 @!p5 $0x9  }
0x7a: {  	_ =	swait.ge @!p5 [sflag:s1], $0x1800  }
0x7b: {  	s22 =	sld [smem:$0x7EF];
	_ =	sdelay $0x2  }
0x7c: {  	[sflag:s1] =	ssyncset.done @!p5 $0x0;
	p0 =	seq.s32 s22, $0x1  }
0x7d: {  	[sflag:s1] =	ssyncadd.s32 @!p5 $0xFFFFE800;
	s1 =	simm.s32 @p0 $0xA  }
0x7e: {  	_ =	swait.ge @p0 [sflag:s1], $0x1800  }
0x7f: {  	[sflag:s1] =	ssyncset.done @p0 $0x0  }
0x80: {  	[sflag:s1] =	ssyncadd.s32 @p0 $0xFFFFE800;
	s1 =	simm.s32 @p1 $0xB  }
0x81: {  	_ =	swait.ge @p1 [sflag:s1], $0x1800  }
0x82: {  	s23 =	sld [smem:$0x7EE];
	_ =	sdelay $0x2  }
0x83: {  	[sflag:s1] =	ssyncset.done @p1 $0x0;
	p0 =	seq.s32 s23, $0x1  }
0x84: {  	[sflag:s1] =	ssyncadd.s32 @p1 $0xFFFFE800;
	s1 =	simm.s32 @p0 $0xC  }
0x85: {  	_ =	swait.ge @p0 [sflag:s1], $0x1800  }
0x86: {  	[sflag:s1] =	ssyncset.done @p0 $0x0  }
0x87: {  	[sflag:s1] =	ssyncadd.s32 @p0 $0xFFFFE800;
	s1 =	simm.s32 @p4 $0xD  }
0x88: {  	_ =	swait.ge @p4 [sflag:s1], $0x1800  }
0x89: {  	s24 =	sld [smem:$0x7F1];
	_ =	sdelay $0x2  }
0x8a: {  	[sflag:s1] =	ssyncset.done @p4 $0x0;
	p0 =	seq.s32 s24, $0x1  }
0x8b: {  	[sflag:s1] =	ssyncadd.s32 @p4 $0xFFFFE800;
	s1 =	simm.s32 @p0 $0xE  }
0x8c: {  	_ =	swait.ge @p0 [sflag:s1], $0x1800  }
0x8d: {  	[sflag:s1] =	ssyncset.done @p0 $0x0  }
0x8e: {  	[sflag:s1] =	ssyncadd.s32 @p0 $0xFFFFE800;
	s1 =	simm.s32 @p2 $0xF  }
0x8f: {  	_ =	swait.ge @p2 [sflag:s1], $0x1800  }
0x90: {  	s25 =	sld [smem:$0x7F0];
	_ =	sdelay $0x2  }
0x91: {  	[sflag:s1] =	ssyncset.done @p2 $0x0;
	p0 =	seq.s32 s25, $0x1  }
0x92: {  	[sflag:s1] =	ssyncadd.s32 @p2 $0xFFFFE800;
	s1 =	simm.s32 @p0 $0x10  }
0x93: {  	_ =	swait.ge @p0 [sflag:s1], $0x1800  }
0x94: {  	[sflag:s1] =	ssyncset.done @p0 $0x0  }
0x95: {  	s26 =	stileid.u32;
	[sflag:s1] =	ssyncadd.s32 @p0 $0xFFFFE800  }
0x96: {  	s28 =	sshrl.u32 s8, $0x3;
	s1 =	sshll.u32 s26, $0x6;
	[bflag:$0x0] =	sbarrier.arrive $0xFFFF  }
0x97: {  	s20 =	simm.s32 $0x10;
	s1 =	sor.u32 $0x1C11, s1;
	s29 =	rddreg [dreg:$0x1b]  }
0x98: {  	[hbm:s29@s20], [sflag:s1] =	dma.strided [spmem:s28@s9], $0xEA6, s0, $0x6   }
0x99: {  	_ =	swait.ge [sflag:s10], $0xEA6  }
0x9a: {  	s15 =	sadd.s32 $0x1, s15;
	s30 =	rddreg [dreg:$0x1c]  }
0x9b: {  	p0 =	sne.s32 s15, s30  }
.Ltmp1:
0x9c: {  	_ = 	snop;
	(pc) =	sbr.rel @!p0 .LBB2_11-.Ltmp1, $3  }
0x9d: {  	s31 =	sld [smem:$0x7FB];
	_ =	sdelay $0x1  }
0x9e: {  	[sflag:s10] =	ssyncset.done $0x0  }
0x9f: {  	[sflag:s10] =	ssyncadd.s32 $0xFFFFF15A;
	p4 =	seq.s32 s31, $0x1  }
.LBB2_1:
0xa0: {  	s16 =	simm.s32 $0xC0;
	s20 =	simm.s32 $0x0  }
.LBB2_2:
0xa1: {  	p0 =	sne.s32 s16, $0x5F40;
	[tilespmem:s20+$0x4F20] =	vst v0;
	s22 =	smov.u32 s16;
	s16 =	sadd.s32 $0xC0, s16  }
.Ltmp2:
0xa2: {  	[tilespmem:s20+$0x4F00] =	vst v0;
	(pc) =	sbr.rel @p0 .LBB2_2-.Ltmp2, $2  }
0xa3: {  	[tilespmem:s20+$0x4F10] =	vst v0;
	_ =	sdelay $0x2  }
0xa4: {  	s20 =	sshra.s32 s22, $0x2  }
0xa5: {  	[tilespmem:s20+$0x4F20] =	vst v0  }
0xa6: {  	[tilespmem:s20+$0x4F00] =	vst v0  }
0xa7: {  	[tilespmem:s20+$0x4F10] =	vst v0  }
0xa8: {  	[spmem:s8] =	stream.linear.scatter [tilespmem:s3], [sflag:$0x11], $0x1800, $0x38;
	[tilespmem:$0x18430] =	vst v63  }
0xa9: {  	_ =	swait.ge [sflag:s10], $0x1800  }
0xaa: {  	[sflag:s10] =	ssyncset.done $0x0  }
0xab: {  	s1 =	rddreg [dreg:$0x1d];
	[sflag:s10] =	ssyncadd.s32 $0xFFFFE800  }
0xac: {  	[spmem:s1] =	stream.linear.scatter [tilespmem:s3], [sflag:$0x11], $0x1800, $0x38;
	[tilespmem:$0x18430] =	vst v63  }
0xad: {  	_ =	swait.ge [sflag:s10], $0x1800  }
0xae: {  	[sflag:s10] =	ssyncset.done $0x0  }
0xaf: {  	s24 =	rddreg [dreg:$0x1e];
	[sflag:s10] =	ssyncadd.s32 $0xFFFFE800  }
0xb0: {  	[spmem:s24] =	stream.linear.scatter [tilespmem:s3], [sflag:$0x11], $0x1800, $0x38;
	[tilespmem:$0x18430] =	vst v63  }
0xb1: {  	_ =	swait.ge [sflag:s10], $0x1800  }
0xb2: {  	[sflag:s10] =	ssyncset.done $0x0  }
0xb3: {  	s25 =	rddreg [dreg:$0x1f];
	[sflag:s10] =	ssyncadd.s32 $0xFFFFE800  }
0xb4: {  	[spmem:s25] =	stream.linear.scatter [tilespmem:s3], [sflag:$0x11], $0x1800, $0x38;
	[tilespmem:$0x18430] =	vst v63  }
0xb5: {  	_ =	swait.ge [sflag:s10], $0x1800  }
0xb6: {  	s26 =	sld [smem:$0x7FA]  }
0xb7: {  	[sflag:s10] =	ssyncset.done $0x0  }
0xb8: {  	[sflag:s10] =	ssyncadd.s32 $0xFFFFE800  }
0xb9: {  	[spmem:s26] =	stream.linear.scatter [tilespmem:s3], [sflag:$0x11], $0x1530, $0x38;
	[tilespmem:$0x18430] =	vst v63  }
0xba: {  	_ =	swait.ge [sflag:s10], $0x1530  }
0xbb: {  	[sflag:s10] =	ssyncset.done $0x0  }
0xbc: {  	s28 =	simm.s32 $0x0;
	s7 =	rddreg [dreg:$0xb];
	[sflag:s10] =	ssyncadd.s32 $0xFFFFEAD0  }
0xbd: {  	[tilespmem:s28], [sflag:$0x11] =	stream.linear.gather [hbm4b:s7+s28], $0x2780, $0x38;
	[tilespmem:$0x18430] =	vst v63  }
0xbe: {  	_ =	swait.ge [sflag:s10], $0x2780  }
0xbf: {  	[sflag:s10] =	ssyncset.done $0x0  }
0xc0: {  	s16 =	simm.s32 $0x2780;
	s29 =	rddreg [dreg:$0xc];
	[sflag:s10] =	ssyncadd.s32 $0xFFFFD880  }
0xc1: {  	[tilespmem:s16], [sflag:$0x11] =	stream.linear.gather [hbm4b:s29+s28], $0x2780, $0x38;
	[tilespmem:$0x18430] =	vst v63  }
0xc2: {  	s20 =	simm.s32 @!p5 $0x0;
	_ =	swait.ge [sflag:s10], $0x2780  }
0xc3: {  	s22 =	simm.s32 @!p5 $0x4F00;
	[sflag:s10] =	ssyncset.done $0x0;
	s30 =	sld [smem:$0x7F2]  }
0xc4: {  	s16 =	simm.s32 @!p5 $0x80;
	s31 =	sld [smem:$0x7F4];
	[sflag:s10] =	ssyncadd.s32 $0xFFFFD880  }
0xc5: {  	[tilespmem:s22], [sflag:$0x1] =	stream.indirect.gather @!p5 [hbm4b:s4+s16], $0x30, s20, s16, $0xb8;
	[tilespmem:$0x18430] =	vst v63  }
0xc6: {  	s16 =	simm.s32 @!p4 $0x80;
	s20 =	simm.s32 @!p4 $0x6700;
	p0 =	seq.s32 s30, $0x1  }
0xc7: {  	[tilespmem:s20], [sflag:$0x2] =	stream.indirect.gather @!p4 [hbm4b:s4+s16], $0x30, s16, s16, $0xb8;
	[tilespmem:$0x18430] =	vst v63  }
0xc8: {  	s16 =	simm.s32 @!p0 $0x80;
	s20 =	simm.s32 @!p0 $0x100;
	s22 =	simm.s32 @!p0 $0x7F00  }
0xc9: {  	[tilespmem:s22], [sflag:$0x3] =	stream.indirect.gather @!p0 [hbm4b:s4+s16], $0x30, s20, s16, $0xb8;
	[tilespmem:$0x18430] =	vst v63  }
0xca: {  	p0 =	seq.s32 s31, $0x1  }
.Ltmp3:
0xcb: {  	_ = 	snop;
	(pc) =	sbr.rel @p0 .LBB2_4-.Ltmp3, $3  }
0xcc: {  	_ =	sdelay $0x1  }
0xcd: {  	s16 =	simm.s32 @!p3 $0x80;
	s20 =	simm.s32 @!p3 $0x180;
	s22 =	simm.s32 @!p3 $0x9700  }
0xce: {  	[tilespmem:s22], [sflag:$0x4] =	stream.indirect.gather @!p3 [hbm4b:s4+s16], $0x30, s20, s16, $0xb8;
	[tilespmem:$0x18430] =	vst v63  }
0xcf: {  	s25 =	sld [smem:$0x7F8]  }
0xd0: {  	s26 =	sld [smem:$0x7F3]  }
0xd1: {  	s28 =	sld [smem:$0x7F5]  }
0xd2: {  	s1 =	simm.s32 $0x200;
	s29 =	sld [smem:$0x7F7]  }
0xd3: {  	[tilespmem:s12], [sflag:$0x5] =	stream.indirect.gather [hbm4b:s4+s11], $0x30, s1, s11, $0xb8;
	[tilespmem:$0x18430] =	vst v63  }
0xd4: {  	s30 =	sld [smem:$0x7F9];
	p2 =	seq.s32 s25, $0x1;
	p1 =	seq.s32 s26, $0x1  }
0xd5: {  	p0 =	seq.s32 s28, $0x1;
	s16 =	simm.s32 @!p2 $0x80;
	s20 =	simm.s32 @!p2 $0x280  }
0xd6: {  	s22 =	simm.s32 @!p2 $0xC700;
	p3 =	por @!p1 $0x1, $0x1;
	p4 =	por @!p0 $0x1, $0x1  }
0xd7: {  	[tilespmem:s22], [sflag:$0x6] =	stream.indirect.gather @!p2 [hbm4b:s4+s16], $0x30, s20, s16, $0xb8;
	[tilespmem:$0x18430] =	vst v63  }
0xd8: {  	s16 =	simm.s32 @!p1 $0x80;
	s20 =	simm.s32 @!p1 $0x300;
	s22 =	simm.s32 @!p1 $0xDF00  }
0xd9: {  	[tilespmem:s22], [sflag:$0x7] =	stream.indirect.gather @!p1 [hbm4b:s4+s16], $0x30, s20, s16, $0xb8;
	[tilespmem:$0x18430] =	vst v63  }
0xda: {  	s16 =	simm.s32 @!p0 $0x80;
	s20 =	simm.s32 @!p0 $0x380;
	s22 =	simm.s32 @!p0 $0xF700  }
0xdb: {  	[tilespmem:s22], [sflag:$0x8] =	stream.indirect.gather @!p0 [hbm4b:s4+s16], $0x30, s20, s16, $0xb8;
	[tilespmem:$0x18430] =	vst v63  }
0xdc: {  	p5 =	por @!p2 $0x0, $0x0;
	p1 =	por @!p1 $0x0, $0x0;
	p0 =	seq.s32 s29, $0x1  }
0xdd: {  	p3 =	por @!p0 p4, p4;
	p1 =	por @!p0 p4, p4;
	p4 =	seq.s32 s30, $0x1  }
0xde: {  	p0 =	por p3, p3;
	p1 =	por @!p4 p5, p5;
	p5 =	por @!p2 $0x1, $0x1  }
0xdf: {  	p6 =	por @!p2 $0x0, $0x0;
	p0 =	por @!p4 p5, p5;
	p5 =	por $0x0, $0x0  }
0xe0: {  	s31 =	sld [smem:$0x7FD];
	p3 =	por @!p4 p6, p6;
	p5 =	por @!p2 p1, p1  }
0xe1: {  	p4 =	por $0x1, $0x1;
	p1 =	por $0x0, $0x0;
	s1 =	simm.s32 @!p5 $0x0  }
0xe2: {  	p4 =	por @!p2 p0, p0;
	p1 =	por @!p2 p0, p0;
	s1 =	simm.s32 @p5 $0x1  }
0xe3: {  	p5 =	por $0x0, $0x0;
	[smem:$0x7F0] =	sst s1;
	s1 =	simm.s32 @!p1 $0x0  }
0xe4: {  	p5 =	por @!p2 p3, p3;
	s1 =	simm.s32 @p1 $0x1;
	p1 =	por $0x1, $0x1  }
.Ltmp4:
0xe5: {  	[smem:$0x7F1] =	sst s1;
	s1 =	simm.s32 @!p4 $0x0;
	(pc) =	sbr.rel .LBB2_6-.Ltmp4, $4  }
0xe6: {  	p3 =	seq.s32 s31, $0x1;
	p1 =	por @!p2 p0, p0;
	s1 =	simm.s32 @p4 $0x1  }
0xe7: {  	p4 =	por $0x1, $0x1;
	[smem:$0x7EE] =	sst s1;
	s1 =	simm.s32 @!p1 $0x0  }
0xe8: {  	p4 =	por @!p2 p0, p0;
	s1 =	simm.s32 @p1 $0x1;
	p1 =	por $0x1, $0x1  }
0xe9: {  	[smem:$0x7EF] =	sst s1;
	p1 =	por @!p2 p0, p0;
	p2 =	por p5, p5  }
.LBB2_4:
0xea: {  	p0 =	por @!p5 $0x0, $0x0;
	p1 =	por $0x0, $0x0  }
0xeb: {  	s1 =	sld [smem:$0x7F2];
	p1 =	por @!p5 p0, p0  }
0xec: {  	p0 =	por @!p4 $0x0, $0x0;
	p5 =	por p1, p1  }
0xed: {  	p6 =	por p3, p3;
	p3 =	por @!p4 $0x1, $0x1;
	p5 =	por @!p4 p0, p0  }
0xee: {  	p2 =	seq.s32 s1, $0x1;
	p0 =	por p4, p4;
	p4 =	por p5, p5  }
0xef: {  	p1 =	por @!p0 p3, p3;
	p0 =	por @!p2 $0x1, $0x1;
	p3 =	por @!p2 $0x0, $0x0  }
0xf0: {  	p4 =	por @!p2 p3, p3;
	p1 =	por @!p2 p0, p0;
	p3 =	por @!p2 $0x1, $0x1  }
0xf1: {  	p0 =	por p4, p4;
	p5 =	por @!p2 p3, p3;
	p3 =	por @!p6 $0x1, $0x1  }
0xf2: {  	p0 =	por @!p6 p3, p3  }
0xf3: {  	s1 =	simm.s32 @!p0 $0x0  }
0xf4: {  	p2 =	por p4, p4;
	p1 =	por @!p6 p3, p3;
	s1 =	simm.s32 @p0 $0x1  }
0xf5: {  	p0 =	por @!p6 $0x0, $0x0;
	[smem:$0x7EE] =	sst s1;
	s1 =	simm.s32 @!p1 $0x0  }
0xf6: {  	p5 =	por @!p6 p3, p3;
	p2 =	por @!p6 p0, p0;
	s1 =	simm.s32 @p1 $0x1  }
0xf7: {  	p3 =	por p4, p4;
	[smem:$0x7EF] =	sst s1;
	s1 =	simm.s32 @!p2 $0x0  }
0xf8: {  	p3 =	por @!p6 p0, p0;
	s1 =	simm.s32 @p2 $0x1  }
0xf9: {  	p1 =	por p5, p5;
	[smem:$0x7F0] =	sst s1;
	s1 =	simm.s32 @!p3 $0x0  }
0xfa: {  	p2 =	por p4, p4;
	p4 =	por @!p6 p0, p0;
	s1 =	simm.s32 @p3 $0x1  }
0xfb: {  	p2 =	por @!p6 p0, p0;
	p3 =	por p6, p6;
	[smem:$0x7F1] =	sst s1  }
.LBB2_6:
0xfc: {  	p0 =	slt.s32 s6, $0x1  }
.Ltmp5:
0xfd: {  	[bflag:$0x0] =	sbarrier.arrive $0xFFFF;
	(pc) =	sbr.rel @p0 .LBB2_10-.Ltmp5, $2  }
0xfe: {  	s1 =	sld [smem:$0x7FC];
	_ =	sdelay $0x2  }
0xff: {  	p5 =	seq.s32 s1, $0x1  }
0x100: {  	_ =	swait.ge [sflag:s0], $0x1800  }
0x101: {  	[sflag:s0] =	ssyncset.done $0x0  }
0x102: {  	s16 =	simm.s32 $0x2780;
	[sflag:s0] =	ssyncadd.s32 $0xFFFFE800  }
0x103: {  	[spmem:s2] =	stream.indirect.scatter.add.f32 [tilespmem:s3], [sflag:$0x9], $0x30, s16, s11, $0xb8;
	[tilespmem:$0x18430] =	vst v63  }
0x104: {  	_ =	swait.ge [sflag:s13], $0x1800  }
0x105: {  	[sflag:s13] =	ssyncset.done $0x0  }
0x106: {  	s20 =	simm.s32 $0x2800;
	s31 =	rddreg [dreg:$0x3];
	[sflag:s13] =	ssyncadd.s32 $0xFFFFE800  }
0x107: {  	[spmem:s2] =	stream.indirect.scatter.add.f32 [tilespmem:s31], [sflag:$0xA], $0x30, s20, s11, $0xb8;
	[tilespmem:$0x18430] =	vst v63  }
0x108: {  	_ =	swait.ge [sflag:s17], $0x1800  }
0x109: {  	[sflag:s17] =	ssyncset.done $0x0  }
0x10a: {  	s7 =	simm.s32 $0x2880;
	s1 =	rddreg [dreg:$0x4];
	[sflag:s17] =	ssyncadd.s32 $0xFFFFE800  }
0x10b: {  	[spmem:s2] =	stream.indirect.scatter.add.f32 [tilespmem:s1], [sflag:$0xB], $0x30, s7, s11, $0xb8;
	[tilespmem:$0x18430] =	vst v63  }
0x10c: {  	_ =	swait.ge [sflag:s18], $0x1800  }
0x10d: {  	[sflag:s18] =	ssyncset.done $0x0  }
0x10e: {  	s22 =	simm.s32 $0x2900;
	s20 =	rddreg [dreg:$0x5];
	[sflag:s18] =	ssyncadd.s32 $0xFFFFE800  }
0x10f: {  	[spmem:s2] =	stream.indirect.scatter.add.f32 [tilespmem:s20], [sflag:$0xC], $0x30, s22, s11, $0xb8;
	[tilespmem:$0x18430] =	vst v63  }
0x110: {  	_ =	swait.ge [sflag:s19], $0x1800  }
0x111: {  	[sflag:s19] =	ssyncset.done $0x0  }
0x112: {  	s23 =	simm.s32 $0x2980;
	[sflag:s19] =	ssyncadd.s32 $0xFFFFE800  }
0x113: {  	[spmem:s2] =	stream.indirect.scatter.add.f32 [tilespmem:s12], [sflag:$0xD], $0x30, s23, s11, $0xb8;
	[tilespmem:$0x18430] =	vst v63  }
0x114: {  	_ =	swait.ge [sflag:s9], $0x1800  }
0x115: {  	[sflag:s9] =	ssyncset.done $0x0  }
0x116: {  	s25 =	simm.s32 $0x2A00;
	s24 =	rddreg [dreg:$0x6];
	[sflag:s9] =	ssyncadd.s32 $0xFFFFE800  }
0x117: {  	[spmem:s2] =	stream.indirect.scatter.add.f32 [tilespmem:s24], [sflag:$0xE], $0x30, s25, s11, $0xb8;
	[tilespmem:$0x18430] =	vst v63  }
0x118: {  	_ =	swait.ge [sflag:s14], $0x1800  }
0x119: {  	[sflag:s14] =	ssyncset.done $0x0  }
0x11a: {  	s29 =	simm.s32 $0x2A80;
	s26 =	rddreg [dreg:$0x7];
	[sflag:s14] =	ssyncadd.s32 $0xFFFFE800  }
0x11b: {  	[spmem:s2] =	stream.indirect.scatter.add.f32 [tilespmem:s26], [sflag:$0xF], $0x30, s29, s11, $0xb8;
	[tilespmem:$0x18430] =	vst v63  }
0x11c: {  	_ =	swait.ge [sflag:s21], $0x1800  }
0x11d: {  	p0 =	sle.s32 s5, $0x8;
	s31 =	simm.s32 $0x2B00;
	[sflag:s21] =	ssyncset.done $0x0  }
0x11e: {  	s22 =	simm.s32 @!p0 $0x9;
	s30 =	rddreg [dreg:$0x8];
	[sflag:s21] =	ssyncadd.s32 $0xFFFFE800  }
0x11f: {  	[spmem:s2] =	stream.indirect.scatter.add.f32 [tilespmem:s30], [sflag:$0x10], $0x30, s31, s11, $0xb8;
	[tilespmem:$0x18430] =	vst v63  }
0x120: {  	p3 =	sle.s32 s5, $0x9;
	_ =	swait.ge @!p0 [sflag:s22], $0x1800  }
0x121: {  	s16 =	simm.s32 @!p0 $0x4F00;
	s20 =	simm.s32 @!p0 $0x400;
	[sflag:s22] =	ssyncset.done @!p0 $0x0  }
0x122: {  	s24 =	simm.s32 @!p0 $0x80;
	[sflag:s22] =	ssyncadd.s32 @!p0 $0xFFFFE800;
	s22 =	simm.s32 @!p3 $0xA  }
0x123: {  	[tilespmem:s16], [sflag:$0x1] =	stream.indirect.gather @!p0 [hbm4b:s4+s24], $0x30, s20, s24, $0xb8;
	[tilespmem:$0x18430] =	vst v63  }
0x124: {  	s16 =	simm.s32 @!p3 $0x480;
	_ =	swait.ge @!p3 [sflag:s22], $0x1800  }
0x125: {  	s20 =	simm.s32 @!p3 $0x6700;
	p0 =	sle.s32 s5, $0xA;
	[sflag:s22] =	ssyncset.done @!p3 $0x0  }
0x126: {  	s24 =	simm.s32 @!p3 $0x80;
	[sflag:s22] =	ssyncadd.s32 @!p3 $0xFFFFE800;
	s22 =	simm.s32 @!p0 $0xB  }
0x127: {  	[tilespmem:s20], [sflag:$0x2] =	stream.indirect.gather @!p3 [hbm4b:s4+s24], $0x30, s16, s24, $0xb8;
	[tilespmem:$0x18430] =	vst v63  }
0x128: {  	p6 =	por p4, p4;
	s16 =	simm.s32 @!p0 $0x500;
	_ =	swait.ge @!p0 [sflag:s22], $0x1800  }
0x129: {  	s20 =	simm.s32 @!p0 $0x7F00;
	p3 =	sle.s32 s5, $0xB;
	[sflag:s22] =	ssyncset.done @!p0 $0x0  }
0x12a: {  	s24 =	simm.s32 @!p0 $0x80;
	[sflag:s22] =	ssyncadd.s32 @!p0 $0xFFFFE800;
	s22 =	simm.s32 @!p3 $0xC  }
0x12b: {  	[tilespmem:s20], [sflag:$0x3] =	stream.indirect.gather @!p0 [hbm4b:s4+s24], $0x30, s16, s24, $0xb8;
	[tilespmem:$0x18430] =	vst v63  }
0x12c: {  	p4 =	sle.s32 s5, $0xE;
	s16 =	simm.s32 @!p3 $0x580;
	_ =	swait.ge @!p3 [sflag:s22], $0x1800  }
0x12d: {  	s20 =	simm.s32 @!p3 $0x9700;
	p0 =	sle.s32 s5, $0xC;
	[sflag:s22] =	ssyncset.done @!p3 $0x0  }
0x12e: {  	s24 =	simm.s32 @!p3 $0x80;
	[sflag:s22] =	ssyncadd.s32 @!p3 $0xFFFFE800;
	s22 =	simm.s32 @!p0 $0xD  }
0x12f: {  	[tilespmem:s20], [sflag:$0x4] =	stream.indirect.gather @!p3 [hbm4b:s4+s24], $0x30, s16, s24, $0xb8;
	[tilespmem:$0x18430] =	vst v63  }
0x130: {  	s25 =	simm.s32 @!p0 $0x80;
	s16 =	simm.s32 $0x0;
	_ =	swait.ge @!p0 [sflag:s22], $0x1800  }
0x131: {  	s20 =	simm.s32 @!p0 $0x600;
	p3 =	sle.s32 s5, $0xD;
	[sflag:s22] =	ssyncset.done @!p0 $0x0  }
0x132: {  	s24 =	simm.s32 @!p0 $0xAF00;
	[sflag:s22] =	ssyncadd.s32 @!p0 $0xFFFFE800;
	s22 =	simm.s32 @!p3 $0xE  }
0x133: {  	[tilespmem:s24], [sflag:$0x5] =	stream.indirect.gather @!p0 [hbm4b:s4+s25], $0x30, s20, s25, $0xb8;
	[tilespmem:$0x18430] =	vst v63  }
0x134: {  	s26 =	simm.s32 @!p3 $0x80;
	s20 =	sadd.s32 $0xFFFFFFFF, s6;
	_ =	swait.ge @!p3 [sflag:s22], $0x1800  }
0x135: {  	s24 =	simm.s32 @!p3 $0x680;
	s25 =	simm.s32 @!p3 $0xC700;
	[sflag:s22] =	ssyncset.done @!p3 $0x0  }
0x136: {  	p0 =	sne.s32 s20, $0x0;
	[sflag:s22] =	ssyncadd.s32 @!p3 $0xFFFFE800;
	s22 =	simm.s32 @!p4 $0xF  }
0x137: {  	[tilespmem:s25], [sflag:$0x6] =	stream.indirect.gather @!p3 [hbm4b:s4+s26], $0x30, s24, s26, $0xb8;
	[tilespmem:$0x18430] =	vst v63  }
0x138: {  	p3 =	sle.s32 s5, $0xF;
	s24 =	simm.s32 @!p4 $0x700;
	_ =	swait.ge @!p4 [sflag:s22], $0x1800  }
.Ltmp6:
0x139: {  	s25 =	simm.s32 @!p4 $0xDF00;
	[sflag:s22] =	ssyncset.done @!p4 $0x0;
	(pc) =	sbr.rel @!p0 .LBB2_9-.Ltmp6, $4  }
0x13a: {  	s26 =	simm.s32 @!p4 $0x80;
	[sflag:s22] =	ssyncadd.s32 @!p4 $0xFFFFE800;
	s22 =	simm.s32 @!p3 $0x10  }
0x13b: {  	[tilespmem:s25], [sflag:$0x7] =	stream.indirect.gather @!p4 [hbm4b:s4+s26], $0x30, s24, s26, $0xb8;
	[tilespmem:$0x18430] =	vst v63  }
0x13c: {  	s28 =	simm.s32 @!p3 $0xF700;
	s25 =	simm.s32 @!p3 $0x780;
	_ =	swait.ge @!p3 [sflag:s22], $0x1800  }
0x13d: {  	s24 =	simm.s32 $0x10;
	s26 =	simm.s32 @!p3 $0x80;
	[sflag:s22] =	ssyncset.done @!p3 $0x0  }
.LBB2_8:
0x13e: {  	[sflag:s22] =	ssyncadd.s32 @!p3 $0xFFFFE800  }
0x13f: {  	[tilespmem:s28], [sflag:$0x8] =	stream.indirect.gather @!p3 [hbm4b:s4+s26], $0x30, s25, s26, $0xb8;
	[tilespmem:$0x18430] =	vst v63  }
0x140: {  	s16 =	sadd.s32 $0x1000, s16;
	_ =	swait.ge [sflag:s0], $0x1800  }
0x141: {  	s26 =	sshra.s32 s16, $0x2;
	[sflag:s0] =	ssyncset.done $0x0  }
0x142: {  	s25 =	sadd.s32 $0x2780, s26;
	[sflag:s0] =	ssyncadd.s32 $0xFFFFE800  }
0x143: {  	[spmem:s2] =	stream.indirect.scatter.add.f32 [tilespmem:s3], [sflag:$0x9], $0x30, s25, s11, $0xb8;
	[tilespmem:$0x18430] =	vst v63  }
0x144: {  	_ =	swait.ge [sflag:s13], $0x1800  }
0x145: {  	[sflag:s13] =	ssyncset.done $0x0  }
0x146: {  	s30 =	sadd.s32 $0x2800, s26;
	s29 =	rddreg [dreg:$0x3];
	[sflag:s13] =	ssyncadd.s32 $0xFFFFE800  }
0x147: {  	[spmem:s2] =	stream.indirect.scatter.add.f32 [tilespmem:s29], [sflag:$0xA], $0x30, s30, s11, $0xb8;
	[tilespmem:$0x18430] =	vst v63  }
0x148: {  	_ =	swait.ge [sflag:s17], $0x1800  }
0x149: {  	[sflag:s17] =	ssyncset.done $0x0  }
0x14a: {  	s1 =	sadd.s32 $0x2880, s26;
	s31 =	rddreg [dreg:$0x4];
	[sflag:s17] =	ssyncadd.s32 $0xFFFFE800  }
0x14b: {  	[spmem:s2] =	stream.indirect.scatter.add.f32 [tilespmem:s31], [sflag:$0xB], $0x30, s1, s11, $0xb8;
	[tilespmem:$0x18430] =	vst v63  }
0x14c: {  	_ =	swait.ge [sflag:s18], $0x1800  }
0x14d: {  	[sflag:s18] =	ssyncset.done $0x0  }
0x14e: {  	s23 =	sadd.s32 $0x2900, s26;
	s7 =	rddreg [dreg:$0x5];
	[sflag:s18] =	ssyncadd.s32 $0xFFFFE800  }
0x14f: {  	[spmem:s2] =	stream.indirect.scatter.add.f32 [tilespmem:s7], [sflag:$0xC], $0x30, s23, s11, $0xb8;
	[tilespmem:$0x18430] =	vst v63  }
0x150: {  	_ =	swait.ge [sflag:s19], $0x1800  }
0x151: {  	[sflag:s19] =	ssyncset.done $0x0  }
0x152: {  	s20 =	sadd.s32 $0xFFFFFFFF, s20;
	s29 =	sadd.s32 $0x2980, s26;
	[sflag:s19] =	ssyncadd.s32 $0xFFFFE800  }
0x153: {  	[spmem:s2] =	stream.indirect.scatter.add.f32 [tilespmem:s12], [sflag:$0xD], $0x30, s29, s11, $0xb8;
	[tilespmem:$0x18430] =	vst v63  }
0x154: {  	s22 =	sadd.s32 $0x5, s24;
	p5 =	sge.s32 s24, s5;
	_ =	swait.ge [sflag:s9], $0x1800  }
0x155: {  	p4 =	sne.s32 s20, $0x0;
	s28 =	sadd.s32 $0x4, s24;
	[sflag:s9] =	ssyncset.done $0x0  }
0x156: {  	s31 =	sadd.s32 $0x2A00, s26;
	s30 =	rddreg [dreg:$0x6];
	[sflag:s9] =	ssyncadd.s32 $0xFFFFE800  }
0x157: {  	[spmem:s2] =	stream.indirect.scatter.add.f32 [tilespmem:s30], [sflag:$0xE], $0x30, s31, s11, $0xb8;
	[tilespmem:$0x18430] =	vst v63  }
0x158: {  	s25 =	sadd.s32 $0x6, s24;
	s1 =	sshra.s32 @!p5 s16, $0x2;
	_ =	swait.ge [sflag:s14], $0x1800  }
0x159: {  	s1 =	sadd.s32 @!p5 $0x400, s1;
	s7 =	simm.s32 @!p5 $0x4F00;
	[sflag:s14] =	ssyncset.done $0x0  }
0x15a: {  	s29 =	sadd.s32 $0x2A80, s26;
	s23 =	rddreg [dreg:$0x7];
	[sflag:s14] =	ssyncadd.s32 $0xFFFFE800  }
0x15b: {  	[spmem:s2] =	stream.indirect.scatter.add.f32 [tilespmem:s23], [sflag:$0xF], $0x30, s29, s11, $0xb8;
	[tilespmem:$0x18430] =	vst v63  }
0x15c: {  	s26 =	sadd.s32 $0x2B00, s26;
	s30 =	sadd.s32 $0x7, s24;
	_ =	swait.ge [sflag:s21], $0x1800  }
0x15d: {  	s31 =	simm.s32 @!p5 $0x9;
	p3 =	sge.s32 s30, s5;
	[sflag:s21] =	ssyncset.done $0x0  }
0x15e: {  	s30 =	sadd.s32 $0x2, s24;
	s29 =	rddreg [dreg:$0x8];
	[sflag:s21] =	ssyncadd.s32 $0xFFFFE800  }
0x15f: {  	[spmem:s2] =	stream.indirect.scatter.add.f32 [tilespmem:s29], [sflag:$0x10], $0x30, s26, s11, $0xb8;
	[tilespmem:$0x18430] =	vst v63  }
0x160: {  	s23 =	sadd.s32 $0x3, s24;
	s26 =	sadd.s32 $0x1, s24;
	_ =	swait.ge @!p5 [sflag:s31], $0x1800  }
0x161: {  	s29 =	simm.s32 @!p5 $0x80;
	p0 =	sge.s32 s26, s5;
	[sflag:s31] =	ssyncset.done @!p5 $0x0  }
0x162: {  	s26 =	simm.s32 @!p0 $0xA;
	[sflag:s31] =	ssyncadd.s32 @!p5 $0xFFFFE800;
	s31 =	sshra.s32 @!p0 s16, $0x2  }
0x163: {  	[tilespmem:s7], [sflag:$0x1] =	stream.indirect.gather @!p5 [hbm4b:s4+s29], $0x30, s1, s29, $0xb8;
	[tilespmem:$0x18430] =	vst v63  }
0x164: {  	s1 =	sadd.s32 @!p0 $0x480, s31;
	s7 =	simm.s32 @!p0 $0x6700;
	_ =	swait.ge @!p0 [sflag:s26], $0x1800  }
0x165: {  	s29 =	simm.s32 @!p0 $0x80;
	p5 =	sge.s32 s30, s5;
	[sflag:s26] =	ssyncset.done @!p0 $0x0  }
0x166: {  	s30 =	sshra.s32 @!p5 s16, $0x2;
	[sflag:s26] =	ssyncadd.s32 @!p0 $0xFFFFE800;
	s26 =	simm.s32 @!p5 $0xB  }
0x167: {  	[tilespmem:s7], [sflag:$0x2] =	stream.indirect.gather @!p0 [hbm4b:s4+s29], $0x30, s1, s29, $0xb8;
	[tilespmem:$0x18430] =	vst v63  }
0x168: {  	s1 =	sadd.s32 @!p5 $0x500, s30;
	s7 =	simm.s32 @!p5 $0x7F00;
	_ =	swait.ge @!p5 [sflag:s26], $0x1800  }
0x169: {  	s29 =	simm.s32 @!p5 $0x80;
	p0 =	sge.s32 s23, s5;
	[sflag:s26] =	ssyncset.done @!p5 $0x0  }
0x16a: {  	s23 =	simm.s32 @!p0 $0xC;
	[sflag:s26] =	ssyncadd.s32 @!p5 $0xFFFFE800;
	s26 =	sshra.s32 @!p0 s16, $0x2  }
0x16b: {  	[tilespmem:s7], [sflag:$0x3] =	stream.indirect.gather @!p5 [hbm4b:s4+s29], $0x30, s1, s29, $0xb8;
	[tilespmem:$0x18430] =	vst v63  }
0x16c: {  	s1 =	sadd.s32 @!p0 $0x580, s26;
	s7 =	simm.s32 @!p0 $0x9700;
	_ =	swait.ge @!p0 [sflag:s23], $0x1800  }
0x16d: {  	s26 =	simm.s32 @!p0 $0x80;
	p5 =	sge.s32 s28, s5;
	[sflag:s23] =	ssyncset.done @!p0 $0x0  }
0x16e: {  	s28 =	sshra.s32 @!p5 s16, $0x2;
	[sflag:s23] =	ssyncadd.s32 @!p0 $0xFFFFE800;
	s23 =	simm.s32 @!p5 $0xD  }
0x16f: {  	[tilespmem:s7], [sflag:$0x4] =	stream.indirect.gather @!p0 [hbm4b:s4+s26], $0x30, s1, s26, $0xb8;
	[tilespmem:$0x18430] =	vst v63  }
0x170: {  	s1 =	sadd.s32 @!p5 $0x600, s28;
	s7 =	simm.s32 @!p5 $0xAF00;
	_ =	swait.ge @!p5 [sflag:s23], $0x1800  }
0x171: {  	s26 =	simm.s32 @!p5 $0x80;
	p0 =	sge.s32 s22, s5;
	[sflag:s23] =	ssyncset.done @!p5 $0x0  }
0x172: {  	s22 =	simm.s32 @!p0 $0xE;
	[sflag:s23] =	ssyncadd.s32 @!p5 $0xFFFFE800;
	s23 =	sshra.s32 @!p0 s16, $0x2  }
0x173: {  	[tilespmem:s7], [sflag:$0x5] =	stream.indirect.gather @!p5 [hbm4b:s4+s26], $0x30, s1, s26, $0xb8;
	[tilespmem:$0x18430] =	vst v63  }
0x174: {  	s1 =	sadd.s32 @!p0 $0x680, s23;
	s7 =	simm.s32 @!p0 $0xC700;
	_ =	swait.ge @!p0 [sflag:s22], $0x1800  }
0x175: {  	s23 =	simm.s32 @!p0 $0x80;
	p5 =	sge.s32 s25, s5;
	[sflag:s22] =	ssyncset.done @!p0 $0x0  }
0x176: {  	s25 =	sshra.s32 @!p5 s16, $0x2;
	[sflag:s22] =	ssyncadd.s32 @!p0 $0xFFFFE800;
	s22 =	simm.s32 @!p5 $0xF  }
0x177: {  	[tilespmem:s7], [sflag:$0x6] =	stream.indirect.gather @!p0 [hbm4b:s4+s23], $0x30, s1, s23, $0xb8;
	[tilespmem:$0x18430] =	vst v63  }
0x178: {  	s24 =	sadd.s32 $0x8, s24;
	s1 =	sadd.s32 @!p5 $0x700, s25;
	_ =	swait.ge @!p5 [sflag:s22], $0x1800  }
.Ltmp7:
0x179: {  	s7 =	simm.s32 @!p5 $0xDF00;
	[sflag:s22] =	ssyncset.done @!p5 $0x0;
	(pc) =	sbr.rel @p4 .LBB2_8-.Ltmp7, $4  }
0x17a: {  	s23 =	simm.s32 @!p5 $0x80;
	[sflag:s22] =	ssyncadd.s32 @!p5 $0xFFFFE800;
	s22 =	simm.s32 @!p3 $0x10  }
0x17b: {  	[tilespmem:s7], [sflag:$0x7] =	stream.indirect.gather @!p5 [hbm4b:s4+s23], $0x30, s1, s23, $0xb8;
	[tilespmem:$0x18430] =	vst v63  }
0x17c: {  	s28 =	simm.s32 @!p3 $0xF700;
	s25 =	sshra.s32 @!p3 s16, $0x2;
	_ =	swait.ge @!p3 [sflag:s22], $0x1800  }
0x17d: {  	s26 =	simm.s32 @!p3 $0x80;
	s25 =	sadd.s32 @!p3 $0x780, s25;
	[sflag:s22] =	ssyncset.done @!p3 $0x0  }
.Ltmp8:
0x17e: {  	_ = 	snop;
	(pc) =	sbr.rel .LBB2_9-.Ltmp8, $1  }
0x17f: {  	_ =	sdelay $0x3  }
.LBB2_11:
0x180: {  	_ =	sfence.sel $0x180000  }
0x181: {  	[bflag:$0x0] =	sbarrier.arrive $0xFFFF  }
0x182: {  	_ =	strace $0x90000047  }
0x183: {  	s0 =	stileid.u32;
	[bflag:$0x2] =	sbarrier.arrive $0xFFFF  }
0x184: {  	p0 =	sne.s32 s0, $0x0;
	s0 =	rddreg [dreg:$0x2]  }
0x185: {  	s0 =	sadd.s32 @!p0 $0x100000, s0  }
0x186: {  	[sflag:s0] =	ssyncadd.tile.s32 @!p0 $0x1;
	_ =	shalt  }
.Lfunc_end2:
_tile_overlayer_lowered:
.L_overlay_start_2:
0x187: {  	(tag) =	ssettag $0x2  }
0x188: {  	s0 =	rddreg [dreg:$0x0];
	s2 =	stileid.u32  }
0x189: {  	s1 =	rddreg [dreg:$0x1];
	p0 =	sne.s32 s2, $0x0  }
0x18a: {  	s3 =	rddreg [dreg:$0x2];
	[bflag:$0x3] =	sbarrier.arrive $0xFFFF;
	s2 =	simm.s32 @!p0 $0x1C11  }
0x18b: {  	[timem:s3], [sflag:s2] =	dma.local @!p0 [hbm:s0], s1  }
0x18c: {  	s0 =	simm.s32 @!p0 $0x11  }
0x18d: {  	_ =	swait.ge @!p0 [sflag:s0], s1  }
0x18e: {  	s1 =	ssub.s32 @!p0 $0x0, s1;
	[sflag:s0] =	ssyncset.done @!p0 $0x0  }
0x18f: {  	[sflag:s0] =	ssyncadd.s32 @!p0 s1  }
0x190: {  	[bflag:$0x3] =	sbarrier.arrive $0xFFFF  }
0x191: {  	_ =	shalt  }

</sc_bundles>
